<compile_context>
chip_gen: v7x
topology: tpu7x:2x2x1
jax: 0.10.2.dev20260603
libtpu: 0.0.44.dev20260713+nightly
codegen_flags: <defaults>
</compile_context>

<pallas_src>
import functools

import jax
import jax.numpy as jnp
from jax import lax
from jax.experimental import pallas as pl
from jax.experimental.pallas import tpu as pltpu
from jax.experimental.pallas import tpu_sc as plsc

_NMS_T = 0.5
_SCORE_T = 0.01
_MAXDET = 100
_NEG_INF = float("-inf")

_NSL = 4
_KC = 256
_KLO = 256
_KHI = 512


def _score_kernel(cls_ref, s_ref, l_ref):
    x = cls_ref[0]
    c = x.shape[0]
    m = jnp.max(x, axis=0)
    ci = lax.broadcasted_iota(jnp.int32, x.shape, 0)
    lab = jnp.min(jnp.where(x == m[None, :], ci, c), axis=0)
    s_ref[0, 0, :] = m
    l_ref[0, 0, :] = lab


def _scores_labels(classification):
    B, N, C = classification.shape
    cls_t = jnp.transpose(classification, (0, 2, 1))
    s_flat, l_flat = pl.pallas_call(
        _score_kernel,
        grid=(B,),
        in_specs=[pl.BlockSpec((1, C, N), lambda b: (b, 0, 0))],
        out_specs=[
            pl.BlockSpec((1, 1, N), lambda b: (b, 0, 0)),
            pl.BlockSpec((1, 1, N), lambda b: (b, 0, 0)),
        ],
        out_shape=[
            jax.ShapeDtypeStruct((B, 1, N), jnp.float32),
            jax.ShapeDtypeStruct((B, 1, N), jnp.int32),
        ],
    )(cls_t)
    return s_flat.reshape(B, N), l_flat.reshape(B, N)


def _bisect_kernel(s_ref, t_ref, code_ref):
    B, N = s_ref.shape
    s = s_ref[:, :]
    cnt0 = jnp.sum((s > _SCORE_T).astype(jnp.int32), axis=1, keepdims=True)
    complete = cnt0 <= _KHI

    def body(i, carry):
        lo, hi, t, found_i = carry
        found = found_i > 0
        mid = (lo + hi) * 0.5
        cnt = jnp.sum((s > mid).astype(jnp.int32), axis=1, keepdims=True)
        inwin = (cnt >= _KLO) & (cnt <= _KHI)
        t = jnp.where(inwin & (~found), mid, t)
        lo = jnp.where((~found) & (cnt > _KHI), mid, lo)
        hi = jnp.where((~found) & (cnt < _KLO), mid, hi)
        return lo, hi, t, jnp.maximum(found_i, inwin.astype(jnp.int32))

    init = (
        jnp.full((B, 1), _SCORE_T, jnp.float32),
        jnp.full((B, 1), 1.0, jnp.float32),
        jnp.full((B, 1), _SCORE_T, jnp.float32),
        complete.astype(jnp.int32),
    )
    _, _, t, found_i = lax.fori_loop(0, 30, body, init)
    found = found_i > 0
    code = jnp.where(complete, 2, jnp.where(found, 1, 0))
    t_ref[:, :] = jnp.broadcast_to(t, (B, 16))
    code_ref[:, :] = jnp.broadcast_to(code, (B, 16))


def _bisect(scores):
    B, N = scores.shape
    return pl.pallas_call(
        _bisect_kernel,
        out_shape=[
            jax.ShapeDtypeStruct((B, 16), jnp.float32),
            jax.ShapeDtypeStruct((B, 16), jnp.int32),
        ],
    )(scores)


def _sc_compact_kernel(s_hbm, x1_hbm, y1_hbm, x2_hbm, y2_hbm, lab_hbm, t_hbm,
                       os_hbm, ox1_hbm, oy1_hbm, ox2_hbm, oy2_hbm, olab_hbm,
                       oflag_hbm,
                       sbuf, posbuf, gsrc, shidx, gidx, gidx2, cs, cx1, cy1,
                       cx2, cy2, clab, tv, fvec, sem):
    n_total = s_hbm.shape[0] - 8
    B = t_hbm.shape[0]
    N = n_total // B
    slice_len = N // _NSL
    spad = sbuf.shape[0]
    nch = spad // 16
    nrow = spad // 128

    cid = lax.axis_index("c")
    sid = lax.axis_index("s")
    wid = sid * 2 + cid
    b = wid // _NSL
    sl = wid % _NSL
    base = b * N + sl * slice_len
    reg = _KC + 16
    region = wid * reg

    pltpu.sync_copy(s_hbm.at[pl.ds(base, slice_len)], sbuf.at[pl.ds(0, slice_len)])
    pltpu.sync_copy(t_hbm.at[b], tv)

    sent16 = jnp.full((16,), n_total, jnp.int32)
    for k2 in range(reg // 16):
        gidx[pl.ds(k2 * 16, 16)] = sent16
    pltpu.sync_copy(gidx, shidx.at[pl.ds(region, reg)])

    lane = lax.iota(jnp.int32, 16)
    tvec = tv[...]

    _gdn = lax.GatherDimensionNumbers(
        offset_dims=(), collapsed_slice_dims=(0,), start_index_map=(0,))

    def lanegather(x, idx):
        return lax.gather(x, idx[:, None], _gdn, (1,),
                          mode=lax.GatherScatterMode.PROMISE_IN_BOUNDS)

    def chunk(i, cnt):
        off = i * 16
        offv = jnp.full((16,), off, jnp.int32)
        sv = sbuf[pl.ds(off, 16)]
        m = (sv > tvec) & ((offv + lane) < slice_len)
        pref = jnp.where(m, 1, 0)
        for k in (1, 2, 4, 8):
            shifted = lanegather(pref, jnp.maximum(lane - k, 0))
            pref = pref + jnp.where(lane >= k, shifted, 0)
        pos = cnt + pref - 1
        m = m & (pos < _KC)
        tpos = jnp.full((16,), region, jnp.int32) + jnp.where(
            m, pos, jnp.full((16,), _KC, jnp.int32))
        r = off // 128
        c0 = off % 128
        posbuf[r, pl.ds(c0, 16)] = tpos
        gsrc[pl.ds(off, 16)] = jnp.full((16,), base + off, jnp.int32) + lane
        return cnt + lanegather(pref, jnp.full((16,), 15, jnp.int32))

    cntf = lax.fori_loop(0, nch, chunk, jnp.zeros((16,), jnp.int32))
    fvec[...] = jnp.where(cntf > _KC, 1, 0)
    pltpu.sync_copy(fvec, oflag_hbm.at[wid])

    descs = []
    for j in range(nrow):
        descs.append(pltpu.async_copy(
            gsrc.at[pl.ds(j * 128, 128)], shidx.at[posbuf.at[j]], sem))
    for d in descs:
        d.wait()
    pltpu.sync_copy(shidx.at[pl.ds(region, _KC)], gidx.at[pl.ds(0, _KC)])

    for j in range(_KC // 128):
        for k2 in range(8):
            gidx2[j, pl.ds(k2 * 16, 16)] = gidx[pl.ds(j * 128 + k2 * 16, 16)]

    descs = []
    for j in range(_KC // 128):
        isl = pl.ds(j * 128, 128)
        descs.append(pltpu.async_copy(s_hbm.at[gidx2.at[j]], cs.at[isl], sem))
        descs.append(pltpu.async_copy(x1_hbm.at[gidx2.at[j]], cx1.at[isl], sem))
        descs.append(pltpu.async_copy(y1_hbm.at[gidx2.at[j]], cy1.at[isl], sem))
        descs.append(pltpu.async_copy(x2_hbm.at[gidx2.at[j]], cx2.at[isl], sem))
        descs.append(pltpu.async_copy(y2_hbm.at[gidx2.at[j]], cy2.at[isl], sem))
        descs.append(pltpu.async_copy(lab_hbm.at[gidx2.at[j]], clab.at[isl], sem))
    for d in descs:
        d.wait()

    pltpu.sync_copy(cs, os_hbm.at[b, sl])
    pltpu.sync_copy(cx1, ox1_hbm.at[b, sl])
    pltpu.sync_copy(cy1, oy1_hbm.at[b, sl])
    pltpu.sync_copy(cx2, ox2_hbm.at[b, sl])
    pltpu.sync_copy(cy2, oy2_hbm.at[b, sl])
    pltpu.sync_copy(clab, olab_hbm.at[b, sl])


def _sc_compact(scores, x1, y1, x2, y2, labels, t16):
    B, N = scores.shape
    slice_len = N // _NSL
    spad = ((slice_len + 127) // 128) * 128
    f32 = jnp.float32
    out_pl = jax.ShapeDtypeStruct((B, _NSL, _KC), f32)
    out_i = jax.ShapeDtypeStruct((B, _NSL, _KC), jnp.int32)
    mesh = plsc.VectorSubcoreMesh(core_axis_name="c", subcore_axis_name="s")
    run = pl.kernel(
        _sc_compact_kernel,
        out_type=[out_pl, out_pl, out_pl, out_pl, out_pl, out_i,
                  jax.ShapeDtypeStruct((B * _NSL, 16), jnp.int32)],
        mesh=mesh,
        scratch_types=[
            pltpu.VMEM((spad,), f32),
            pltpu.VMEM((spad // 128, 128), jnp.int32),
            pltpu.VMEM((spad,), jnp.int32),
            pltpu.VMEM_SHARED((32 * (_KC + 16),), jnp.int32),
            pltpu.VMEM((_KC + 16,), jnp.int32),
            pltpu.VMEM((_KC // 128, 128), jnp.int32),
            pltpu.VMEM((_KC,), f32),
            pltpu.VMEM((_KC,), f32),
            pltpu.VMEM((_KC,), f32),
            pltpu.VMEM((_KC,), f32),
            pltpu.VMEM((_KC,), f32),
            pltpu.VMEM((_KC,), jnp.int32),
            pltpu.VMEM((16,), f32),
            pltpu.VMEM((16,), jnp.int32),
            pltpu.SemaphoreType.DMA,
        ],
    )
    neg8 = jnp.full((8,), _NEG_INF, jnp.float32)
    zero8 = jnp.zeros((8,), jnp.float32)
    zi8 = jnp.zeros((8,), jnp.int32)
    cs, cx1, cy1, cx2, cy2, clab, oflag = run(
        jnp.concatenate([scores.reshape(B * N), neg8]),
        jnp.concatenate([x1.reshape(B * N), zero8]),
        jnp.concatenate([y1.reshape(B * N), zero8]),
        jnp.concatenate([x2.reshape(B * N), zero8]),
        jnp.concatenate([y2.reshape(B * N), zero8]),
        jnp.concatenate([labels.reshape(B * N), zi8]), t16,
    )
    cw = _NSL * _KC
    return (cs.reshape(B, cw), cx1.reshape(B, cw), cy1.reshape(B, cw),
            cx2.reshape(B, cw), cy2.reshape(B, cw), clab.reshape(B, cw),
            oflag.reshape(B, _NSL * 16))


def _greedy_pass(n, iters, get_planes, out_refs, oiota):
    cur_ref, x1_ref, y1_ref, x2_ref, y2_ref, lab_ref, a2_ref = get_planes
    os_ref, ox1_ref, oy1_ref, ox2_ref, oy2_ref, ol_ref = out_refs
    B = os_ref.shape[0]
    iota = lax.broadcasted_iota(jnp.int32, (B, n), 1)

    def step(i, kept):
        cur = cur_ref[:, :]
        m = jnp.max(cur, axis=1, keepdims=True)
        hit = cur == m
        idx = jnp.min(jnp.where(hit, iota, n), axis=1, keepdims=True)
        one = iota == idx

        X1 = x1_ref[:, :]
        Y1 = y1_ref[:, :]
        X2 = x2_ref[:, :]
        Y2 = y2_ref[:, :]
        bx1 = jnp.sum(jnp.where(one, X1, 0.0), axis=1, keepdims=True)
        by1 = jnp.sum(jnp.where(one, Y1, 0.0), axis=1, keepdims=True)
        bx2 = jnp.sum(jnp.where(one, X2, 0.0), axis=1, keepdims=True)
        by2 = jnp.sum(jnp.where(one, Y2, 0.0), axis=1, keepdims=True)
        blab = jnp.sum(jnp.where(one, lab_ref[:, :], 0), axis=1, keepdims=True)

        xx1 = jnp.maximum(bx1, X1)
        yy1 = jnp.maximum(by1, Y1)
        xx2 = jnp.minimum(bx2, X2)
        yy2 = jnp.minimum(by2, Y2)
        inter = jnp.maximum(xx2 - xx1, 0.0) * jnp.maximum(yy2 - yy1, 0.0)
        a1 = (bx2 - bx1) * (by2 - by1)
        iou = inter / (a1 + a2_ref[:, :] - inter + 1e-8)
        sup = iou > _NMS_T
        cur_ref[:, :] = jnp.where(sup | one, _NEG_INF, cur)

        valid = m > _NEG_INF
        sel = oiota == i
        os_ref[:, :] = jnp.where(sel, jnp.where(valid, m, -1.0), os_ref[:, :])
        ox1_ref[:, :] = jnp.where(sel, jnp.where(valid, bx1, -1.0), ox1_ref[:, :])
        oy1_ref[:, :] = jnp.where(sel, jnp.where(valid, by1, -1.0), oy1_ref[:, :])
        ox2_ref[:, :] = jnp.where(sel, jnp.where(valid, bx2, -1.0), ox2_ref[:, :])
        oy2_ref[:, :] = jnp.where(sel, jnp.where(valid, by2, -1.0), oy2_ref[:, :])
        ol_ref[:, :] = jnp.where(sel, jnp.where(valid, blab, -1), ol_ref[:, :])
        return kept + valid.astype(jnp.int32)

    return lax.fori_loop(0, iters, step, jnp.zeros((B, 1), jnp.int32))


def _greedy_kernel(cs_ref, cx1_ref, cy1_ref, cx2_ref, cy2_ref, clab_ref,
                   code_ref, flag_ref, s_ref, x1_ref, y1_ref, x2_ref, y2_ref,
                   lab_ref,
                   os_ref, ox1_ref, oy1_ref, ox2_ref, oy2_ref, ol_ref,
                   curc_ref, a2c_ref, cur_ref, a2_ref):
    B, CW = cs_ref.shape
    N = s_ref.shape[1]
    oiota = lax.broadcasted_iota(jnp.int32, (B, _MAXDET), 1)
    out_refs = (os_ref, ox1_ref, oy1_ref, ox2_ref, oy2_ref, ol_ref)

    curc_ref[:, :] = cs_ref[:, :]
    a2c_ref[:, :] = ((cx2_ref[:, :] - cx1_ref[:, :])
                     * (cy2_ref[:, :] - cy1_ref[:, :]))
    kept = _greedy_pass(
        CW, _MAXDET,
        (curc_ref, cx1_ref, cy1_ref, cx2_ref, cy2_ref, clab_ref, a2c_ref),
        out_refs, oiota)

    code = code_ref[:, 0:1]
    ovf = jnp.max(flag_ref[:, :], axis=1, keepdims=True) > 0
    need_fb = ovf | (code == 0) | ((code == 1) & (kept < _MAXDET))
    any_fb = jnp.max(need_fb.astype(jnp.int32))

    def fallback():
        s = s_ref[:, :]
        cur_ref[:, :] = jnp.where(s > _SCORE_T, s, _NEG_INF)
        a2_ref[:, :] = ((x2_ref[:, :] - x1_ref[:, :])
                        * (y2_ref[:, :] - y1_ref[:, :]))
        _greedy_pass(
            N, _MAXDET,
            (cur_ref, x1_ref, y1_ref, x2_ref, y2_ref, lab_ref, a2_ref),
            out_refs, oiota)

    lax.cond(any_fb > 0, fallback, lambda: None)


def kernel(boxes, classification):
    B, N, C = classification.shape
    scores, labels = _scores_labels(classification)
    x1 = boxes[..., 0]
    y1 = boxes[..., 1]
    x2 = boxes[..., 2]
    y2 = boxes[..., 3]

    t16, code16 = _bisect(scores)
    cs, cx1, cy1, cx2, cy2, clab, oflag = _sc_compact(
        scores, x1, y1, x2, y2, labels, t16)

    outs = pl.pallas_call(
        _greedy_kernel,
        out_shape=[
            jax.ShapeDtypeStruct((B, _MAXDET), jnp.float32),
            jax.ShapeDtypeStruct((B, _MAXDET), jnp.float32),
            jax.ShapeDtypeStruct((B, _MAXDET), jnp.float32),
            jax.ShapeDtypeStruct((B, _MAXDET), jnp.float32),
            jax.ShapeDtypeStruct((B, _MAXDET), jnp.float32),
            jax.ShapeDtypeStruct((B, _MAXDET), jnp.int32),
        ],
        scratch_shapes=[
            pltpu.VMEM((B, _NSL * _KC), jnp.float32),
            pltpu.VMEM((B, _NSL * _KC), jnp.float32),
            pltpu.VMEM((B, N), jnp.float32),
            pltpu.VMEM((B, N), jnp.float32),
        ],
    )(cs, cx1, cy1, cx2, cy2, clab, code16, oflag, scores, x1, y1, x2, y2,
      labels)
    os, ox1, oy1, ox2, oy2, ol = outs
    out_boxes = jnp.stack([ox1, oy1, ox2, oy2], axis=-1)
    return (out_boxes, os, ol)

# --- scband reference (transcript-rebuilt; emitter-appended) ---
"""Pipeline reference for scband-filter-detections-51230369906963 (READ-ONLY COPY).

The authoritative reference and input builder live on the scoring server;
editing this copy changes nothing except your own understanding.
"""

import jax, jax.numpy as jnp
import numpy as np

NMS_THRESHOLD = 0.5
SCORE_THRESHOLD = 0.01
MAX_DETECTIONS = 100
B, N, NUM_CLASSES = 8, 20000, 80


def setup_inputs(seed: int = 0) -> dict:
    key = jax.random.key(seed)
    k1, k2 = jax.random.split(key)
    raw = jax.random.uniform(k1, (B, N, 4), dtype=jnp.float32) * 512.0
    x1 = jnp.minimum(raw[..., 0], raw[..., 2])
    y1 = jnp.minimum(raw[..., 1], raw[..., 3])
    x2 = jnp.maximum(raw[..., 0], raw[..., 2])
    y2 = jnp.maximum(raw[..., 1], raw[..., 3])
    boxes = jnp.stack([x1, y1, x2, y2], axis=-1)
    classification = jax.random.uniform(k2, (B, N, NUM_CLASSES), dtype=jnp.float32)
    return {"boxes": boxes, "classification": classification}


def _iou(box, boxes):
    xx1 = jnp.maximum(box[0], boxes[:, 0])
    yy1 = jnp.maximum(box[1], boxes[:, 1])
    xx2 = jnp.minimum(box[2], boxes[:, 2])
    yy2 = jnp.minimum(box[3], boxes[:, 3])
    inter = jnp.maximum(xx2 - xx1, 0.0) * jnp.maximum(yy2 - yy1, 0.0)
    a1 = (box[2] - box[0]) * (box[3] - box[1])
    a2 = (boxes[:, 2] - boxes[:, 0]) * (boxes[:, 3] - boxes[:, 1])
    return inter / (a1 + a2 - inter + 1e-8)


def _filter_single(boxes_i, classification_i):
    # class_specific_filter=False: take best scoring class per box, then one NMS pass
    scores = jnp.max(classification_i, axis=1)
    labels = jnp.argmax(classification_i, axis=1)
    neg_inf = jnp.asarray(-jnp.inf, dtype=scores.dtype)
    # score threshold prefilter (tf.where(scores > score_threshold))
    init = jnp.where(scores > SCORE_THRESHOLD, scores, neg_inf)

    def step(cur, _):
        idx = jnp.argmax(cur)
        best = cur[idx]
        box = boxes_i[idx]
        ious = _iou(box, boxes_i)
        sup = ious > NMS_THRESHOLD
        new = jnp.where(sup, neg_inf, cur)
        new = new.at[idx].set(neg_inf)
        valid = best > neg_inf
        return new, (idx, best, valid)

    _, (idxs, best_scores, valids) = jax.lax.scan(step, init, None, length=MAX_DETECTIONS)
    sel_boxes = boxes_i[idxs]
    sel_labels = labels[idxs]
    # greedy NMS emits in descending score order == top_k; pad invalid slots with -1
    out_boxes = jnp.where(valids[:, None], sel_boxes, -1.0)
    out_scores = jnp.where(valids, best_scores, -1.0)
    out_labels = jnp.where(valids, sel_labels, -1).astype(jnp.int32)
    return out_boxes, out_scores, out_labels


def reference(boxes, classification):
    out_boxes, out_scores, out_labels = jax.vmap(_filter_single)(boxes, classification)
    return (out_boxes, out_scores, out_labels)

if __name__ == "__main__":
    import jax
    _d = setup_inputs()
    print(jax.jit(kernel)(*tuple(_d.values())))

</pallas_src>

<mosaic_0001>
#map = affine_map<(d0, d1) -> (0)>
#map1 = affine_map<(d0, d1) -> (0, 0)>
#map2 = affine_map<(d0, d1) -> (0, 0, 0)>
module attributes {stable_mosaic.version = 14 : i64} {
  func.func @_sc_compact_kernel(%arg0: i32, %arg1: i32, %arg2: memref<160008xf32, #tpu.memory_space<hbm>>, %arg3: memref<160008xf32, #tpu.memory_space<hbm>>, %arg4: memref<160008xf32, #tpu.memory_space<hbm>>, %arg5: memref<160008xf32, #tpu.memory_space<hbm>>, %arg6: memref<160008xf32, #tpu.memory_space<hbm>>, %arg7: memref<160008xi32, #tpu.memory_space<hbm>>, %arg8: memref<8x16xf32, #tpu.memory_space<hbm>>, %arg9: memref<8x4x256xf32, #tpu.memory_space<hbm>>, %arg10: memref<8x4x256xf32, #tpu.memory_space<hbm>>, %arg11: memref<8x4x256xf32, #tpu.memory_space<hbm>>, %arg12: memref<8x4x256xf32, #tpu.memory_space<hbm>>, %arg13: memref<8x4x256xf32, #tpu.memory_space<hbm>>, %arg14: memref<8x4x256xi32, #tpu.memory_space<hbm>>, %arg15: memref<32x16xi32, #tpu.memory_space<hbm>>, %arg16: memref<5120xf32, #tpu.memory_space<vmem>>, %arg17: memref<40x128xi32, #tpu.memory_space<vmem>>, %arg18: memref<5120xi32, #tpu.memory_space<vmem>>, %arg19: memref<8704xi32, #tpu.memory_space<vmem_shared>>, %arg20: memref<272xi32, #tpu.memory_space<vmem>>, %arg21: memref<2x128xi32, #tpu.memory_space<vmem>>, %arg22: memref<256xf32, #tpu.memory_space<vmem>>, %arg23: memref<256xf32, #tpu.memory_space<vmem>>, %arg24: memref<256xf32, #tpu.memory_space<vmem>>, %arg25: memref<256xf32, #tpu.memory_space<vmem>>, %arg26: memref<256xf32, #tpu.memory_space<vmem>>, %arg27: memref<256xi32, #tpu.memory_space<vmem>>, %arg28: memref<16xf32, #tpu.memory_space<vmem>>, %arg29: memref<16xi32, #tpu.memory_space<vmem>>, %arg30: memref<!tpu.dma_semaphore, #tpu.memory_space<semaphore_mem>>) attributes {dimension_semantics = [#tpu.dimension_semantics<core_parallel>, #tpu.dimension_semantics<subcore_parallel>], iteration_bounds = array<i64: 2, 16>, scalar_prefetch = 0 : i64, scratch_operands = 15 : i64, tpu.core_type = #tpu.core_type<sc_vector_subcore>, window_params = [{transform_indices = #map}, {transform_indices = #map}, {transform_indices = #map}, {transform_indices = #map}, {transform_indices = #map}, {transform_indices = #map}, {transform_indices = #map1}, {transform_indices = #map2}, {transform_indices = #map2}, {transform_indices = #map2}, {transform_indices = #map2}, {transform_indices = #map2}, {transform_indices = #map2}, {transform_indices = #map1}]} {
    %mul3A = arith.constant 2 : i32
    %mul3A_0 = arith.muli %arg1, %mul3A : i32
    %add3A = arith.addi %mul3A_0, %arg0 : i32
    %jit3A = arith.constant 4 : i32
    %div3A = arith.divsi %add3A, %jit3A : i32
    %sign3A = arith.constant 0 : i32
    %sign3A_1 = arith.cmpi sgt, %add3A, %sign3A : i32
    %sign3A_2 = arith.extui %sign3A_1 : i1 to i32
    %sign3A_3 = arith.constant 0 : i32
    %sign3A_4 = arith.cmpi slt, %add3A, %sign3A_3 : i32
    %sign3A_5 = arith.extui %sign3A_4 : i1 to i32
    %sign3A_6 = arith.subi %sign3A_2, %sign3A_5 : i32
    %sign3A_7 = arith.constant 0 : i32
    %sign3A_8 = arith.cmpi sgt, %jit3A, %sign3A_7 : i32
    %sign3A_9 = arith.extui %sign3A_8 : i1 to i32
    %sign3A_10 = arith.constant 0 : i32
    %sign3A_11 = arith.cmpi slt, %jit3A, %sign3A_10 : i32
    %sign3A_12 = arith.extui %sign3A_11 : i1 to i32
    %sign3A_13 = arith.subi %sign3A_9, %sign3A_12 : i32
    %ne3A = arith.cmpi ne, %sign3A_6, %sign3A_13 : i32
    %rem3A = arith.remsi %add3A, %jit3A : i32
    %ne3A_14 = arith.constant 0 : i32
    %ne3A_15 = arith.cmpi ne, %rem3A, %ne3A_14 : i32
    %and3A = arith.andi %ne3A, %ne3A_15 : i1
    %sub3A = arith.constant 1 : i32
    %sub3A_16 = arith.subi %div3A, %sub3A : i32
    %select_n3A = arith.select %and3A, %sub3A_16, %div3A : i32
    %jit3A_17 = arith.constant 4 : i32
    %eq3A = arith.constant 0 : i32
    %eq3A_18 = arith.cmpi eq, %jit3A_17, %eq3A : i32
    %jit3A_19 = arith.constant 1 : i32
    %select_n3A_20 = arith.select %eq3A_18, %jit3A_19, %jit3A_17 : i32
    %rem3A_21 = arith.remsi %add3A, %select_n3A_20 : i32
    %ne3A_22 = arith.constant 0 : i32
    %ne3A_23 = arith.cmpi ne, %rem3A_21, %ne3A_22 : i32
    %lt3A = arith.constant 0 : i32
    %lt3A_24 = arith.cmpi slt, %rem3A_21, %lt3A : i32
    %lt3A_25 = arith.constant 0 : i32
    %lt3A_26 = arith.cmpi slt, %select_n3A_20, %lt3A_25 : i32
    %ne3A_27 = arith.xori %lt3A_24, %lt3A_26 : i1
    %and3A_28 = arith.andi %ne3A_27, %ne3A_23 : i1
    %add3A_29 = arith.addi %rem3A_21, %select_n3A_20 : i32
    %select_n3A_30 = arith.select %and3A_28, %add3A_29, %rem3A_21 : i32
    %mul3A_31 = arith.constant 20000 : i32
    %mul3A_32 = arith.muli %select_n3A, %mul3A_31 : i32
    %mul3A_33 = arith.constant 5000 : i32
    %mul3A_34 = arith.muli %select_n3A_30, %mul3A_33 : i32
    %add3A_35 = arith.addi %mul3A_32, %mul3A_34 : i32
    %mul3A_36 = arith.constant 272 : i32
    %mul3A_37 = arith.muli %add3A, %mul3A_36 : i32
    "tpu.region"() ({
      %run_scoped3A = tpu.sem_alloc : memref<!tpu.dma_semaphore, #tpu.memory_space<semaphore_mem>>
      %dma_start3A_1100 = arith.constant 0 : i32
      %dma_start3A_1101 = tpu.memref_slice %arg16[%dma_start3A_1100] : memref<5120xf32, #tpu.memory_space<vmem>> -> memref<5000xf32, #tpu.memory_space<vmem>>
      %dma_start3A_1102 = tpu.memref_slice %arg2[%add3A_35] : memref<160008xf32, #tpu.memory_space<hbm>> -> memref<5000xf32, #tpu.memory_space<hbm>>
      %dma_start3A_1103 = arith.constant 0 : i32
      %dma_start3A_1104 = tpu.memref_slice %arg16[%dma_start3A_1103] : memref<5120xf32, #tpu.memory_space<vmem>> -> memref<5000xf32, #tpu.memory_space<vmem>>
      %dma_start3A_1105 = tpu.memref_slice %arg2[%add3A_35] : memref<160008xf32, #tpu.memory_space<hbm>> -> memref<5000xf32, #tpu.memory_space<hbm>>
      tpu.enqueue_dma source(%dma_start3A_1105 : memref<5000xf32, #tpu.memory_space<hbm>>) target(%dma_start3A_1104 : memref<5000xf32, #tpu.memory_space<vmem>>) target_semaphore(%run_scoped3A : memref<!tpu.dma_semaphore, #tpu.memory_space<semaphore_mem>>)
      %dma_wait3A_1106 = arith.constant 0 : i32
      %dma_wait3A_1107 = tpu.memref_slice %arg16[%dma_wait3A_1106] : memref<5120xf32, #tpu.memory_space<vmem>> -> memref<5000xf32, #tpu.memory_space<vmem>>
      %dma_wait3A_1108 = tpu.memref_slice %arg2[%add3A_35] : memref<160008xf32, #tpu.memory_space<hbm>> -> memref<5000xf32, #tpu.memory_space<hbm>>
      %dma_wait3A_1109 = arith.constant 0 : i32
      %dma_wait3A_1110 = tpu.memref_slice %arg16[%dma_wait3A_1109] : memref<5120xf32, #tpu.memory_space<vmem>> -> memref<5000xf32, #tpu.memory_space<vmem>>
      %dma_wait3A_1111 = tpu.memref_slice %arg2[%add3A_35] : memref<160008xf32, #tpu.memory_space<hbm>> -> memref<5000xf32, #tpu.memory_space<hbm>>
      tpu.wait_dma2 semaphore(%run_scoped3A : memref<!tpu.dma_semaphore, #tpu.memory_space<semaphore_mem>>) src(%dma_wait3A_1111 : memref<5000xf32, #tpu.memory_space<hbm>>) dst(%dma_wait3A_1110 : memref<5000xf32, #tpu.memory_space<vmem>>)
      tpu.yield
    }) : () -> ()
    "tpu.region"() ({
      %run_scoped3A = tpu.sem_alloc : memref<!tpu.dma_semaphore, #tpu.memory_space<semaphore_mem>>
      %dma_start3A_1100 = arith.constant 0 : i32
      %dma_start3A_1101 = tpu.memref_slice %arg8[%select_n3A, %dma_start3A_1100] : memref<8x16xf32, #tpu.memory_space<hbm>> -> memref<1x16xf32, #tpu.memory_space<hbm>>
      %dma_start3A_1102 = tpu.memref_squeeze %dma_start3A_1101 : memref<1x16xf32, #tpu.memory_space<hbm>> -> memref<16xf32, #tpu.memory_space<hbm>>
      %dma_start3A_1103 = arith.constant 0 : i32
      %dma_start3A_1104 = tpu.memref_slice %arg8[%select_n3A, %dma_start3A_1103] : memref<8x16xf32, #tpu.memory_space<hbm>> -> memref<1x16xf32, #tpu.memory_space<hbm>>
      %dma_start3A_1105 = tpu.memref_squeeze %dma_start3A_1104 : memref<1x16xf32, #tpu.memory_space<hbm>> -> memref<16xf32, #tpu.memory_space<hbm>>
      tpu.enqueue_dma source(%dma_start3A_1105 : memref<16xf32, #tpu.memory_space<hbm>>) target(%arg28 : memref<16xf32, #tpu.memory_space<vmem>>) target_semaphore(%run_scoped3A : memref<!tpu.dma_semaphore, #tpu.memory_space<semaphore_mem>>)
      %dma_wait3A_1106 = arith.constant 0 : i32
      %dma_wait3A_1107 = tpu.memref_slice %arg8[%select_n3A, %dma_wait3A_1106] : memref<8x16xf32, #tpu.memory_space<hbm>> -> memref<1x16xf32, #tpu.memory_space<hbm>>
      %dma_wait3A_1108 = tpu.memref_squeeze %dma_wait3A_1107 : memref<1x16xf32, #tpu.memory_space<hbm>> -> memref<16xf32, #tpu.memory_space<hbm>>
      %dma_wait3A_1109 = arith.constant 0 : i32
      %dma_wait3A_1110 = tpu.memref_slice %arg8[%select_n3A, %dma_wait3A_1109] : memref<8x16xf32, #tpu.memory_space<hbm>> -> memref<1x16xf32, #tpu.memory_space<hbm>>
      %dma_wait3A_1111 = tpu.memref_squeeze %dma_wait3A_1110 : memref<1x16xf32, #tpu.memory_space<hbm>> -> memref<16xf32, #tpu.memory_space<hbm>>
      tpu.wait_dma2 semaphore(%run_scoped3A : memref<!tpu.dma_semaphore, #tpu.memory_space<semaphore_mem>>) src(%dma_wait3A_1111 : memref<16xf32, #tpu.memory_space<hbm>>) dst(%arg28 : memref<16xf32, #tpu.memory_space<vmem>>)
      tpu.yield
    }) : () -> ()
    %broadcast_in_dim3A = arith.constant 160000 : i32
    %broadcast_in_dim3A_38 = vector.broadcast %broadcast_in_dim3A : i32 to vector<16xi32>
    %swap3A = arith.constant 0 : index
    %swap3A_39 = tpu.vector_load %arg20[%swap3A] {strides = array<i32>} : memref<272xi32, #tpu.memory_space<vmem>>, vector<16xi32>,
    %swap3A_40 = vector.shape_cast %swap3A_39 : vector<16xi32> to vector<16xi32>
    %swap3A_41 = vector.shape_cast %broadcast_in_dim3A_38 : vector<16xi32> to vector<16xi32>
    tpu.vector_store %arg20[%swap3A], %swap3A_41 {strides = array<i32>} : memref<272xi32, #tpu.memory_space<vmem>>, vector<16xi32>,
    %swap3A_42 = arith.constant 16 : index
    %swap3A_43 = tpu.vector_load %arg20[%swap3A_42] {strides = array<i32>} : memref<272xi32, #tpu.memory_space<vmem>>, vector<16xi32>,
    %swap3A_44 = vector.shape_cast %swap3A_43 : vector<16xi32> to vector<16xi32>
    %swap3A_45 = vector.shape_cast %broadcast_in_dim3A_38 : vector<16xi32> to vector<16xi32>
    tpu.vector_store %arg20[%swap3A_42], %swap3A_45 {strides = array<i32>} : memref<272xi32, #tpu.memory_space<vmem>>, vector<16xi32>,
    %swap3A_46 = arith.constant 32 : index
    %swap3A_47 = tpu.vector_load %arg20[%swap3A_46] {strides = array<i32>} : memref<272xi32, #tpu.memory_space<vmem>>, vector<16xi32>,
    %swap3A_48 = vector.shape_cast %swap3A_47 : vector<16xi32> to vector<16xi32>
    %swap3A_49 = vector.shape_cast %broadcast_in_dim3A_38 : vector<16xi32> to vector<16xi32>
    tpu.vector_store %arg20[%swap3A_46], %swap3A_49 {strides = array<i32>} : memref<272xi32, #tpu.memory_space<vmem>>, vector<16xi32>,
    %swap3A_50 = arith.constant 48 : index
    %swap3A_51 = tpu.vector_load %arg20[%swap3A_50] {strides = array<i32>} : memref<272xi32, #tpu.memory_space<vmem>>, vector<16xi32>,
    %swap3A_52 = vector.shape_cast %swap3A_51 : vector<16xi32> to vector<16xi32>
    %swap3A_53 = vector.shape_cast %broadcast_in_dim3A_38 : vector<16xi32> to vector<16xi32>
    tpu.vector_store %arg20[%swap3A_50], %swap3A_53 {strides = array<i32>} : memref<272xi32, #tpu.memory_space<vmem>>, vector<16xi32>,
    %swap3A_54 = arith.constant 64 : index
    %swap3A_55 = tpu.vector_load %arg20[%swap3A_54] {strides = array<i32>} : memref<272xi32, #tpu.memory_space<vmem>>, vector<16xi32>,
    %swap3A_56 = vector.shape_cast %swap3A_55 : vector<16xi32> to vector<16xi32>
    %swap3A_57 = vector.shape_cast %broadcast_in_dim3A_38 : vector<16xi32> to vector<16xi32>
    tpu.vector_store %arg20[%swap3A_54], %swap3A_57 {strides = array<i32>} : memref<272xi32, #tpu.memory_space<vmem>>, vector<16xi32>,
    %swap3A_58 = arith.constant 80 : index
    %swap3A_59 = tpu.vector_load %arg20[%swap3A_58] {strides = array<i32>} : memref<272xi32, #tpu.memory_space<vmem>>, vector<16xi32>,
    %swap3A_60 = vector.shape_cast %swap3A_59 : vector<16xi32> to vector<16xi32>
    %swap3A_61 = vector.shape_cast %broadcast_in_dim3A_38 : vector<16xi32> to vector<16xi32>
    tpu.vector_store %arg20[%swap3A_58], %swap3A_61 {strides = array<i32>} : memref<272xi32, #tpu.memory_space<vmem>>, vector<16xi32>,
    %swap3A_62 = arith.constant 96 : index
    %swap3A_63 = tpu.vector_load %arg20[%swap3A_62] {strides = array<i32>} : memref<272xi32, #tpu.memory_space<vmem>>, vector<16xi32>,
    %swap3A_64 = vector.shape_cast %swap3A_63 : vector<16xi32> to vector<16xi32>
    %swap3A_65 = vector.shape_cast %broadcast_in_dim3A_38 : vector<16xi32> to vector<16xi32>
    tpu.vector_store %arg20[%swap3A_62], %swap3A_65 {strides = array<i32>} : memref<272xi32, #tpu.memory_space<vmem>>, vector<16xi32>,
    %swap3A_66 = arith.constant 112 : index
    %swap3A_67 = tpu.vector_load %arg20[%swap3A_66] {strides = array<i32>} : memref<272xi32, #tpu.memory_space<vmem>>, vector<16xi32>,
    %swap3A_68 = vector.shape_cast %swap3A_67 : vector<16xi32> to vector<16xi32>
    %swap3A_69 = vector.shape_cast %broadcast_in_dim3A_38 : vector<16xi32> to vector<16xi32>
    tpu.vector_store %arg20[%swap3A_66], %swap3A_69 {strides = array<i32>} : memref<272xi32, #tpu.memory_space<vmem>>, vector<16xi32>,
    %swap3A_70 = arith.constant 128 : index
    %swap3A_71 = tpu.vector_load %arg20[%swap3A_70] {strides = array<i32>} : memref<272xi32, #tpu.memory_space<vmem>>, vector<16xi32>,
    %swap3A_72 = vector.shape_cast %swap3A_71 : vector<16xi32> to vector<16xi32>
    %swap3A_73 = vector.shape_cast %broadcast_in_dim3A_38 : vector<16xi32> to vector<16xi32>
    tpu.vector_store %arg20[%swap3A_70], %swap3A_73 {strides = array<i32>} : memref<272xi32, #tpu.memory_space<vmem>>, vector<16xi32>,
    %swap3A_74 = arith.constant 144 : index
    %swap3A_75 = tpu.vector_load %arg20[%swap3A_74] {strides = array<i32>} : memref<272xi32, #tpu.memory_space<vmem>>, vector<16xi32>,
    %swap3A_76 = vector.shape_cast %swap3A_75 : vector<16xi32> to vector<16xi32>
    %swap3A_77 = vector.shape_cast %broadcast_in_dim3A_38 : vector<16xi32> to vector<16xi32>
    tpu.vector_store %arg20[%swap3A_74], %swap3A_77 {strides = array<i32>} : memref<272xi32, #tpu.memory_space<vmem>>, vector<16xi32>,
    %swap3A_78 = arith.constant 160 : index
    %swap3A_79 = tpu.vector_load %arg20[%swap3A_78] {strides = array<i32>} : memref<272xi32, #tpu.memory_space<vmem>>, vector<16xi32>,
    %swap3A_80 = vector.shape_cast %swap3A_79 : vector<16xi32> to vector<16xi32>
    %swap3A_81 = vector.shape_cast %broadcast_in_dim3A_38 : vector<16xi32> to vector<16xi32>
    tpu.vector_store %arg20[%swap3A_78], %swap3A_81 {strides = array<i32>} : memref<272xi32, #tpu.memory_space<vmem>>, vector<16xi32>,
    %swap3A_82 = arith.constant 176 : index
    %swap3A_83 = tpu.vector_load %arg20[%swap3A_82] {strides = array<i32>} : memref<272xi32, #tpu.memory_space<vmem>>, vector<16xi32>,
    %swap3A_84 = vector.shape_cast %swap3A_83 : vector<16xi32> to vector<16xi32>
    %swap3A_85 = vector.shape_cast %broadcast_in_dim3A_38 : vector<16xi32> to vector<16xi32>
    tpu.vector_store %arg20[%swap3A_82], %swap3A_85 {strides = array<i32>} : memref<272xi32, #tpu.memory_space<vmem>>, vector<16xi32>,
    %swap3A_86 = arith.constant 192 : index
    %swap3A_87 = tpu.vector_load %arg20[%swap3A_86] {strides = array<i32>} : memref<272xi32, #tpu.memory_space<vmem>>, vector<16xi32>,
    %swap3A_88 = vector.shape_cast %swap3A_87 : vector<16xi32> to vector<16xi32>
    %swap3A_89 = vector.shape_cast %broadcast_in_dim3A_38 : vector<16xi32> to vector<16xi32>
    tpu.vector_store %arg20[%swap3A_86], %swap3A_89 {strides = array<i32>} : memref<272xi32, #tpu.memory_space<vmem>>, vector<16xi32>,
    %swap3A_90 = arith.constant 208 : index
    %swap3A_91 = tpu.vector_load %arg20[%swap3A_90] {strides = array<i32>} : memref<272xi32, #tpu.memory_space<vmem>>, vector<16xi32>,
    %swap3A_92 = vector.shape_cast %swap3A_91 : vector<16xi32> to vector<16xi32>
    %swap3A_93 = vector.shape_cast %broadcast_in_dim3A_38 : vector<16xi32> to vector<16xi32>
    tpu.vector_store %arg20[%swap3A_90], %swap3A_93 {strides = array<i32>} : memref<272xi32, #tpu.memory_space<vmem>>, vector<16xi32>,
    %swap3A_94 = arith.constant 224 : index
    %swap3A_95 = tpu.vector_load %arg20[%swap3A_94] {strides = array<i32>} : memref<272xi32, #tpu.memory_space<vmem>>, vector<16xi32>,
    %swap3A_96 = vector.shape_cast %swap3A_95 : vector<16xi32> to vector<16xi32>
    %swap3A_97 = vector.shape_cast %broadcast_in_dim3A_38 : vector<16xi32> to vector<16xi32>
    tpu.vector_store %arg20[%swap3A_94], %swap3A_97 {strides = array<i32>} : memref<272xi32, #tpu.memory_space<vmem>>, vector<16xi32>,
    %swap3A_98 = arith.constant 240 : index
    %swap3A_99 = tpu.vector_load %arg20[%swap3A_98] {strides = array<i32>} : memref<272xi32, #tpu.memory_space<vmem>>, vector<16xi32>,
    %swap3A_100 = vector.shape_cast %swap3A_99 : vector<16xi32> to vector<16xi32>
    %swap3A_101 = vector.shape_cast %broadcast_in_dim3A_38 : vector<16xi32> to vector<16xi32>
    tpu.vector_store %arg20[%swap3A_98], %swap3A_101 {strides = array<i32>} : memref<272xi32, #tpu.memory_space<vmem>>, vector<16xi32>,
    %swap3A_102 = arith.constant 256 : index
    %swap3A_103 = tpu.vector_load %arg20[%swap3A_102] {strides = array<i32>} : memref<272xi32, #tpu.memory_space<vmem>>, vector<16xi32>,
    %swap3A_104 = vector.shape_cast %swap3A_103 : vector<16xi32> to vector<16xi32>
    %swap3A_105 = vector.shape_cast %broadcast_in_dim3A_38 : vector<16xi32> to vector<16xi32>
    tpu.vector_store %arg20[%swap3A_102], %swap3A_105 {strides = array<i32>} : memref<272xi32, #tpu.memory_space<vmem>>, vector<16xi32>,
    "tpu.region"() ({
      %run_scoped3A = tpu.sem_alloc : memref<!tpu.dma_semaphore, #tpu.memory_space<semaphore_mem>>
      %dma_start3A_1100 = tpu.memref_slice %arg19[%mul3A_37] : memref<8704xi32, #tpu.memory_space<vmem_shared>> -> memref<272xi32, #tpu.memory_space<vmem_shared>>
      %dma_start3A_1101 = tpu.memref_slice %arg19[%mul3A_37] : memref<8704xi32, #tpu.memory_space<vmem_shared>> -> memref<272xi32, #tpu.memory_space<vmem_shared>>
      tpu.enqueue_dma source(%arg20 : memref<272xi32, #tpu.memory_space<vmem>>) target(%dma_start3A_1101 : memref<272xi32, #tpu.memory_space<vmem_shared>>) target_semaphore(%run_scoped3A : memref<!tpu.dma_semaphore, #tpu.memory_space<semaphore_mem>>)
      %dma_wait3A_1102 = tpu.memref_slice %arg19[%mul3A_37] : memref<8704xi32, #tpu.memory_space<vmem_shared>> -> memref<272xi32, #tpu.memory_space<vmem_shared>>
      %dma_wait3A_1103 = tpu.memref_slice %arg19[%mul3A_37] : memref<8704xi32, #tpu.memory_space<vmem_shared>> -> memref<272xi32, #tpu.memory_space<vmem_shared>>
      tpu.wait_dma2 semaphore(%run_scoped3A : memref<!tpu.dma_semaphore, #tpu.memory_space<semaphore_mem>>) src(%arg20 : memref<272xi32, #tpu.memory_space<vmem>>) dst(%dma_wait3A_1103 : memref<272xi32, #tpu.memory_space<vmem_shared>>)
      tpu.yield
    }) : () -> ()
    %iota3A = tpu.iota {dimensions = array<i32: 0>} : vector<16xi32>
    %get3A = arith.constant 0 : index
    %get3A_106 = tpu.vector_load %arg28[%get3A] {strides = array<i32>} : memref<16xf32, #tpu.memory_space<vmem>>, vector<16xf32>,
    %get3A_107 = vector.shape_cast %get3A_106 : vector<16xf32> to vector<16xf32>
    %broadcast_in_dim3A_108 = arith.constant 0 : i32
    %broadcast_in_dim3A_109 = vector.broadcast %broadcast_in_dim3A_108 : i32 to vector<16xi32>
    %scan3A = arith.constant 0 : i32
    %scan3A_110 = arith.constant 320 : i32
    %scan3A_111 = arith.addi %scan3A, %scan3A_110 : i32
    %scan3A_112 = arith.constant 1 : i32
    %scan3A_113 = scf.for %scan3A_1100 = %scan3A to %scan3A_111 step %scan3A_112 iter_args(%scan3A_1101 = %broadcast_in_dim3A_109) -> (vector<16xi32>)  : i32 {
      %mul3A_1102 = arith.constant 16 : i32
      %mul3A_1103 = arith.muli %scan3A_1100, %mul3A_1102 : i32
      %broadcast_in_dim3A_1104 = vector.broadcast %mul3A_1103 : i32 to vector<16xi32>
      %get3A_1105 = arith.index_cast %mul3A_1103 : i32 to index
      %get3A_1106 = tpu.vector_load %arg16[%get3A_1105] {strides = array<i32>} : memref<5120xf32, #tpu.memory_space<vmem>>, vector<16xf32>,
      %get3A_1107 = vector.shape_cast %get3A_1106 : vector<16xf32> to vector<16xf32>
      %gt3A_1108 = arith.cmpf ogt, %get3A_1107, %get3A_107 : vector<16xf32>
      %add3A_1109 = arith.addi %broadcast_in_dim3A_1104, %iota3A : vector<16xi32>
      %lt3A_1110 = arith.constant 5000 : i32
      %lt3A_1111 = vector.broadcast %lt3A_1110 : i32 to vector<16xi32>
      %lt3A_1112 = arith.cmpi slt, %add3A_1109, %lt3A_1111 : vector<16xi32>
      %and3A_1113 = arith.andi %gt3A_1108, %lt3A_1112 : vector<16xi1>
      %jit3A_1114 = arith.constant 1 : i32
      %jit3A_1115 = arith.constant 0 : i32
      %broadcast_in_dim3A_1116 = vector.broadcast %jit3A_1114 : i32 to vector<16xi32>
      %broadcast_in_dim3A_1117 = vector.broadcast %jit3A_1115 : i32 to vector<16xi32>
      %select_n3A_1118 = arith.select %and3A_1113, %broadcast_in_dim3A_1116, %broadcast_in_dim3A_1117 : vector<16xi1>, vector<16xi32>
      %sub3A_1119 = arith.constant 1 : i32
      %sub3A_1120 = vector.broadcast %sub3A_1119 : i32 to vector<16xi32>
      %sub3A_1121 = arith.subi %iota3A, %sub3A_1120 : vector<16xi32>
      %max3A = arith.constant 0 : i32
      %max3A_1122 = vector.broadcast %max3A : i32 to vector<16xi32>
      %max3A_1123 = arith.maxsi %sub3A_1121, %max3A_1122 : vector<16xi32>
      %broadcast_in_dim3A_1124 = vector.shape_cast %max3A_1123 : vector<16xi32> to vector<16x1xi32>
      %gather3A = vector.shape_cast %broadcast_in_dim3A_1124 : vector<16x1xi32> to vector<16xi32>
      %gather3A_1125 = tpu.dynamic_gather %select_n3A_1118[%gather3A] in [0] : vector<16xi32>, vector<16xi32> -> vector<16xi32>
      %ge3A = arith.constant 1 : i32
      %ge3A_1126 = vector.broadcast %ge3A : i32 to vector<16xi32>
      %ge3A_1127 = arith.cmpi sge, %iota3A, %ge3A_1126 : vector<16xi32>
      %jit3A_1128 = arith.constant 0 : i32
      %broadcast_in_dim3A_1129 = vector.broadcast %jit3A_1128 : i32 to vector<16xi32>
      %select_n3A_1130 = arith.select %ge3A_1127, %gather3A_1125, %broadcast_in_dim3A_1129 : vector<16xi1>, vector<16xi32>
      %add3A_1131 = arith.addi %select_n3A_1118, %select_n3A_1130 : vector<16xi32>
      %sub3A_1132 = arith.constant 2 : i32
      %sub3A_1133 = vector.broadcast %sub3A_1132 : i32 to vector<16xi32>
      %sub3A_1134 = arith.subi %iota3A, %sub3A_1133 : vector<16xi32>
      %max3A_1135 = arith.constant 0 : i32
      %max3A_1136 = vector.broadcast %max3A_1135 : i32 to vector<16xi32>
      %max3A_1137 = arith.maxsi %sub3A_1134, %max3A_1136 : vector<16xi32>
      %broadcast_in_dim3A_1138 = vector.shape_cast %max3A_1137 : vector<16xi32> to vector<16x1xi32>
      %gather3A_1139 = vector.shape_cast %broadcast_in_dim3A_1138 : vector<16x1xi32> to vector<16xi32>
      %gather3A_1140 = tpu.dynamic_gather %add3A_1131[%gather3A_1139] in [0] : vector<16xi32>, vector<16xi32> -> vector<16xi32>
      %ge3A_1141 = arith.constant 2 : i32
      %ge3A_1142 = vector.broadcast %ge3A_1141 : i32 to vector<16xi32>
      %ge3A_1143 = arith.cmpi sge, %iota3A, %ge3A_1142 : vector<16xi32>
      %jit3A_1144 = arith.constant 0 : i32
      %broadcast_in_dim3A_1145 = vector.broadcast %jit3A_1144 : i32 to vector<16xi32>
      %select_n3A_1146 = arith.select %ge3A_1143, %gather3A_1140, %broadcast_in_dim3A_1145 : vector<16xi1>, vector<16xi32>
      %add3A_1147 = arith.addi %add3A_1131, %select_n3A_1146 : vector<16xi32>
      %sub3A_1148 = arith.constant 4 : i32
      %sub3A_1149 = vector.broadcast %sub3A_1148 : i32 to vector<16xi32>
      %sub3A_1150 = arith.subi %iota3A, %sub3A_1149 : vector<16xi32>
      %max3A_1151 = arith.constant 0 : i32
      %max3A_1152 = vector.broadcast %max3A_1151 : i32 to vector<16xi32>
      %max3A_1153 = arith.maxsi %sub3A_1150, %max3A_1152 : vector<16xi32>
      %broadcast_in_dim3A_1154 = vector.shape_cast %max3A_1153 : vector<16xi32> to vector<16x1xi32>
      %gather3A_1155 = vector.shape_cast %broadcast_in_dim3A_1154 : vector<16x1xi32> to vector<16xi32>
      %gather3A_1156 = tpu.dynamic_gather %add3A_1147[%gather3A_1155] in [0] : vector<16xi32>, vector<16xi32> -> vector<16xi32>
      %ge3A_1157 = arith.constant 4 : i32
      %ge3A_1158 = vector.broadcast %ge3A_1157 : i32 to vector<16xi32>
      %ge3A_1159 = arith.cmpi sge, %iota3A, %ge3A_1158 : vector<16xi32>
      %jit3A_1160 = arith.constant 0 : i32
      %broadcast_in_dim3A_1161 = vector.broadcast %jit3A_1160 : i32 to vector<16xi32>
      %select_n3A_1162 = arith.select %ge3A_1159, %gather3A_1156, %broadcast_in_dim3A_1161 : vector<16xi1>, vector<16xi32>
      %add3A_1163 = arith.addi %add3A_1147, %select_n3A_1162 : vector<16xi32>
      %sub3A_1164 = arith.constant 8 : i32
      %sub3A_1165 = vector.broadcast %sub3A_1164 : i32 to vector<16xi32>
      %sub3A_1166 = arith.subi %iota3A, %sub3A_1165 : vector<16xi32>
      %max3A_1167 = arith.constant 0 : i32
      %max3A_1168 = vector.broadcast %max3A_1167 : i32 to vector<16xi32>
      %max3A_1169 = arith.maxsi %sub3A_1166, %max3A_1168 : vector<16xi32>
      %broadcast_in_dim3A_1170 = vector.shape_cast %max3A_1169 : vector<16xi32> to vector<16x1xi32>
      %gather3A_1171 = vector.shape_cast %broadcast_in_dim3A_1170 : vector<16x1xi32> to vector<16xi32>
      %gather3A_1172 = tpu.dynamic_gather %add3A_1163[%gather3A_1171] in [0] : vector<16xi32>, vector<16xi32> -> vector<16xi32>
      %ge3A_1173 = arith.constant 8 : i32
      %ge3A_1174 = vector.broadcast %ge3A_1173 : i32 to vector<16xi32>
      %ge3A_1175 = arith.cmpi sge, %iota3A, %ge3A_1174 : vector<16xi32>
      %jit3A_1176 = arith.constant 0 : i32
      %broadcast_in_dim3A_1177 = vector.broadcast %jit3A_1176 : i32 to vector<16xi32>
      %select_n3A_1178 = arith.select %ge3A_1175, %gather3A_1172, %broadcast_in_dim3A_1177 : vector<16xi1>, vector<16xi32>
      %add3A_1179 = arith.addi %add3A_1163, %select_n3A_1178 : vector<16xi32>
      %add3A_1180 = arith.addi %scan3A_1101, %add3A_1179 : vector<16xi32>
      %sub3A_1181 = arith.constant 1 : i32
      %sub3A_1182 = vector.broadcast %sub3A_1181 : i32 to vector<16xi32>
      %sub3A_1183 = arith.subi %add3A_1180, %sub3A_1182 : vector<16xi32>
      %lt3A_1184 = arith.constant 256 : i32
      %lt3A_1185 = vector.broadcast %lt3A_1184 : i32 to vector<16xi32>
      %lt3A_1186 = arith.cmpi slt, %sub3A_1183, %lt3A_1185 : vector<16xi32>
      %and3A_1187 = arith.andi %and3A_1113, %lt3A_1186 : vector<16xi1>
      %broadcast_in_dim3A_1188 = vector.broadcast %mul3A_37 : i32 to vector<16xi32>
      %broadcast_in_dim3A_1189 = arith.constant 256 : i32
      %broadcast_in_dim3A_1190 = vector.broadcast %broadcast_in_dim3A_1189 : i32 to vector<16xi32>
      %select_n3A_1191 = arith.select %and3A_1187, %sub3A_1183, %broadcast_in_dim3A_1190 : vector<16xi1>, vector<16xi32>
      %add3A_1192 = arith.addi %broadcast_in_dim3A_1188, %select_n3A_1191 : vector<16xi32>
      %jit3A_1193 = arith.constant 128 : i32
      %div3A_1194 = arith.divsi %mul3A_1103, %jit3A_1193 : i32
      %sign3A_1195 = arith.constant 0 : i32
      %sign3A_1196 = arith.cmpi sgt, %mul3A_1103, %sign3A_1195 : i32
      %sign3A_1197 = arith.extui %sign3A_1196 : i1 to i32
      %sign3A_1198 = arith.constant 0 : i32
      %sign3A_1199 = arith.cmpi slt, %mul3A_1103, %sign3A_1198 : i32
      %sign3A_1200 = arith.extui %sign3A_1199 : i1 to i32
      %sign3A_1201 = arith.subi %sign3A_1197, %sign3A_1200 : i32
      %sign3A_1202 = arith.constant 0 : i32
      %sign3A_1203 = arith.cmpi sgt, %jit3A_1193, %sign3A_1202 : i32
      %sign3A_1204 = arith.extui %sign3A_1203 : i1 to i32
      %sign3A_1205 = arith.constant 0 : i32
      %sign3A_1206 = arith.cmpi slt, %jit3A_1193, %sign3A_1205 : i32
      %sign3A_1207 = arith.extui %sign3A_1206 : i1 to i32
      %sign3A_1208 = arith.subi %sign3A_1204, %sign3A_1207 : i32
      %ne3A_1209 = arith.cmpi ne, %sign3A_1201, %sign3A_1208 : i32
      %rem3A_1210 = arith.remsi %mul3A_1103, %jit3A_1193 : i32
      %ne3A_1211 = arith.constant 0 : i32
      %ne3A_1212 = arith.cmpi ne, %rem3A_1210, %ne3A_1211 : i32
      %and3A_1213 = arith.andi %ne3A_1209, %ne3A_1212 : i1
      %sub3A_1214 = arith.constant 1 : i32
      %sub3A_1215 = arith.subi %div3A_1194, %sub3A_1214 : i32
      %select_n3A_1216 = arith.select %and3A_1213, %sub3A_1215, %div3A_1194 : i32
      %jit3A_1217 = arith.constant 128 : i32
      %eq3A_1218 = arith.constant 0 : i32
      %eq3A_1219 = arith.cmpi eq, %jit3A_1217, %eq3A_1218 : i32
      %jit3A_1220 = arith.constant 1 : i32
      %select_n3A_1221 = arith.select %eq3A_1219, %jit3A_1220, %jit3A_1217 : i32
      %rem3A_1222 = arith.remsi %mul3A_1103, %select_n3A_1221 : i32
      %ne3A_1223 = arith.constant 0 : i32
      %ne3A_1224 = arith.cmpi ne, %rem3A_1222, %ne3A_1223 : i32
      %lt3A_1225 = arith.constant 0 : i32
      %lt3A_1226 = arith.cmpi slt, %rem3A_1222, %lt3A_1225 : i32
      %lt3A_1227 = arith.constant 0 : i32
      %lt3A_1228 = arith.cmpi slt, %select_n3A_1221, %lt3A_1227 : i32
      %ne3A_1229 = arith.xori %lt3A_1226, %lt3A_1228 : i1
      %and3A_1230 = arith.andi %ne3A_1229, %ne3A_1224 : i1
      %add3A_1231 = arith.addi %rem3A_1222, %select_n3A_1221 : i32
      %select_n3A_1232 = arith.select %and3A_1230, %add3A_1231, %rem3A_1222 : i32
      %swap3A_1233 = arith.index_cast %select_n3A_1216 : i32 to index
      %swap3A_1234 = arith.index_cast %select_n3A_1232 : i32 to index
      %swap3A_1235 = tpu.vector_load %arg17[%swap3A_1233, %swap3A_1234] {strides = array<i32>} : memref<40x128xi32, #tpu.memory_space<vmem>>, vector<1x16xi32>,
      %swap3A_1236 = vector.shape_cast %swap3A_1235 : vector<1x16xi32> to vector<16xi32>
      %swap3A_1237 = vector.shape_cast %add3A_1192 : vector<16xi32> to vector<1x16xi32>
      tpu.vector_store %arg17[%swap3A_1233, %swap3A_1234], %swap3A_1237 {strides = array<i32>} : memref<40x128xi32, #tpu.memory_space<vmem>>, vector<1x16xi32>,
      %add3A_1238 = arith.addi %add3A_35, %mul3A_1103 : i32
      %broadcast_in_dim3A_1239 = vector.broadcast %add3A_1238 : i32 to vector<16xi32>
      %add3A_1240 = arith.addi %broadcast_in_dim3A_1239, %iota3A : vector<16xi32>
      %swap3A_1241 = arith.index_cast %mul3A_1103 : i32 to index
      %swap3A_1242 = tpu.vector_load %arg18[%swap3A_1241] {strides = array<i32>} : memref<5120xi32, #tpu.memory_space<vmem>>, vector<16xi32>,
      %swap3A_1243 = vector.shape_cast %swap3A_1242 : vector<16xi32> to vector<16xi32>
      %swap3A_1244 = vector.shape_cast %add3A_1240 : vector<16xi32> to vector<16xi32>
      tpu.vector_store %arg18[%swap3A_1241], %swap3A_1244 {strides = array<i32>} : memref<5120xi32, #tpu.memory_space<vmem>>, vector<16xi32>,
      %broadcast_in_dim3A_1245 = arith.constant 15 : i32
      %broadcast_in_dim3A_1246 = vector.broadcast %broadcast_in_dim3A_1245 : i32 to vector<16xi32>
      %broadcast_in_dim3A_1247 = vector.shape_cast %broadcast_in_dim3A_1246 : vector<16xi32> to vector<16x1xi32>
      %gather3A_1248 = vector.shape_cast %broadcast_in_dim3A_1247 : vector<16x1xi32> to vector<16xi32>
      %gather3A_1249 = tpu.dynamic_gather %add3A_1179[%gather3A_1248] in [0] : vector<16xi32>, vector<16xi32> -> vector<16xi32>
      %add3A_1250 = arith.addi %scan3A_1101, %gather3A_1249 : vector<16xi32>
      scf.yield %add3A_1250 : vector<16xi32>
    }
    %scan3A_114 = arith.constant 320 : i32
    %gt3A = arith.constant 256 : i32
    %gt3A_115 = vector.broadcast %gt3A : i32 to vector<16xi32>
    %gt3A_116 = arith.cmpi sgt, %scan3A_113, %gt3A_115 : vector<16xi32>
    %jit3A_117 = arith.constant 1 : i32
    %jit3A_118 = arith.constant 0 : i32
    %broadcast_in_dim3A_119 = vector.broadcast %jit3A_117 : i32 to vector<16xi32>
    %broadcast_in_dim3A_120 = vector.broadcast %jit3A_118 : i32 to vector<16xi32>
    %select_n3A_121 = arith.select %gt3A_116, %broadcast_in_dim3A_119, %broadcast_in_dim3A_120 : vector<16xi1>, vector<16xi32>
    %swap3A_122 = arith.constant 0 : index
    %swap3A_123 = tpu.vector_load %arg29[%swap3A_122] {strides = array<i32>} : memref<16xi32, #tpu.memory_space<vmem>>, vector<16xi32>,
    %swap3A_124 = vector.shape_cast %swap3A_123 : vector<16xi32> to vector<16xi32>
    %swap3A_125 = vector.shape_cast %select_n3A_121 : vector<16xi32> to vector<16xi32>
    tpu.vector_store %arg29[%swap3A_122], %swap3A_125 {strides = array<i32>} : memref<16xi32, #tpu.memory_space<vmem>>, vector<16xi32>,
    "tpu.region"() ({
      %run_scoped3A = tpu.sem_alloc : memref<!tpu.dma_semaphore, #tpu.memory_space<semaphore_mem>>
      %dma_start3A_1100 = arith.constant 0 : i32
      %dma_start3A_1101 = tpu.memref_slice %arg15[%add3A, %dma_start3A_1100] : memref<32x16xi32, #tpu.memory_space<hbm>> -> memref<1x16xi32, #tpu.memory_space<hbm>>
      %dma_start3A_1102 = tpu.memref_squeeze %dma_start3A_1101 : memref<1x16xi32, #tpu.memory_space<hbm>> -> memref<16xi32, #tpu.memory_space<hbm>>
      %dma_start3A_1103 = arith.constant 0 : i32
      %dma_start3A_1104 = tpu.memref_slice %arg15[%add3A, %dma_start3A_1103] : memref<32x16xi32, #tpu.memory_space<hbm>> -> memref<1x16xi32, #tpu.memory_space<hbm>>
      %dma_start3A_1105 = tpu.memref_squeeze %dma_start3A_1104 : memref<1x16xi32, #tpu.memory_space<hbm>> -> memref<16xi32, #tpu.memory_space<hbm>>
      tpu.enqueue_dma source(%arg29 : memref<16xi32, #tpu.memory_space<vmem>>) target(%dma_start3A_1105 : memref<16xi32, #tpu.memory_space<hbm>>) target_semaphore(%run_scoped3A : memref<!tpu.dma_semaphore, #tpu.memory_space<semaphore_mem>>)
      %dma_wait3A_1106 = arith.constant 0 : i32
      %dma_wait3A_1107 = tpu.memref_slice %arg15[%add3A, %dma_wait3A_1106] : memref<32x16xi32, #tpu.memory_space<hbm>> -> memref<1x16xi32, #tpu.memory_space<hbm>>
      %dma_wait3A_1108 = tpu.memref_squeeze %dma_wait3A_1107 : memref<1x16xi32, #tpu.memory_space<hbm>> -> memref<16xi32, #tpu.memory_space<hbm>>
      %dma_wait3A_1109 = arith.constant 0 : i32
      %dma_wait3A_1110 = tpu.memref_slice %arg15[%add3A, %dma_wait3A_1109] : memref<32x16xi32, #tpu.memory_space<hbm>> -> memref<1x16xi32, #tpu.memory_space<hbm>>
      %dma_wait3A_1111 = tpu.memref_squeeze %dma_wait3A_1110 : memref<1x16xi32, #tpu.memory_space<hbm>> -> memref<16xi32, #tpu.memory_space<hbm>>
      tpu.wait_dma2 semaphore(%run_scoped3A : memref<!tpu.dma_semaphore, #tpu.memory_space<semaphore_mem>>) src(%arg29 : memref<16xi32, #tpu.memory_space<vmem>>) dst(%dma_wait3A_1111 : memref<16xi32, #tpu.memory_space<hbm>>)
      tpu.yield
    }) : () -> ()
    %dma_start3A = arith.constant 0 : i32
    %dma_start3A_126 = arith.constant 0 : i32
    %dma_start3A_127 = tpu.memref_slice %arg18[%dma_start3A_126] : memref<5120xi32, #tpu.memory_space<vmem>> -> memref<128xi32, #tpu.memory_space<vmem>>
    %dma_start3A_128 = arith.constant 0 : i32
    %dma_start3A_129 = tpu.memref_slice %arg17[%dma_start3A, %dma_start3A_128] : memref<40x128xi32, #tpu.memory_space<vmem>> -> memref<1x128xi32, #tpu.memory_space<vmem>>
    %dma_start3A_130 = tpu.memref_squeeze %dma_start3A_129 : memref<1x128xi32, #tpu.memory_space<vmem>> -> memref<128xi32, #tpu.memory_space<vmem>>
    %dma_start3A_131 = arith.constant 0 : i32
    %dma_start3A_132 = tpu.memref_slice %arg19[%dma_start3A_131] : memref<8704xi32, #tpu.memory_space<vmem_shared>> -> memref<8704xi32, #tpu.memory_space<vmem_shared>>
    tpu.enqueue_indirect_dma source(%dma_start3A_127 : memref<128xi32, #tpu.memory_space<vmem>>) target(%dma_start3A_132 : memref<8704xi32, #tpu.memory_space<vmem_shared>>) offsets(%dma_start3A_130 : memref<128xi32, #tpu.memory_space<vmem>>) semaphore(%arg30 : memref<!tpu.dma_semaphore, #tpu.memory_space<semaphore_mem>>)
    %dma_start3A_133 = arith.constant 1 : i32
    %dma_start3A_134 = arith.constant 128 : i32
    %dma_start3A_135 = tpu.memref_slice %arg18[%dma_start3A_134] : memref<5120xi32, #tpu.memory_space<vmem>> -> memref<128xi32, #tpu.memory_space<vmem>>
    %dma_start3A_136 = arith.constant 0 : i32
    %dma_start3A_137 = tpu.memref_slice %arg17[%dma_start3A_133, %dma_start3A_136] : memref<40x128xi32, #tpu.memory_space<vmem>> -> memref<1x128xi32, #tpu.memory_space<vmem>>
    %dma_start3A_138 = tpu.memref_squeeze %dma_start3A_137 : memref<1x128xi32, #tpu.memory_space<vmem>> -> memref<128xi32, #tpu.memory_space<vmem>>
    %dma_start3A_139 = arith.constant 0 : i32
    %dma_start3A_140 = tpu.memref_slice %arg19[%dma_start3A_139] : memref<8704xi32, #tpu.memory_space<vmem_shared>> -> memref<8704xi32, #tpu.memory_space<vmem_shared>>
    tpu.enqueue_indirect_dma source(%dma_start3A_135 : memref<128xi32, #tpu.memory_space<vmem>>) target(%dma_start3A_140 : memref<8704xi32, #tpu.memory_space<vmem_shared>>) offsets(%dma_start3A_138 : memref<128xi32, #tpu.memory_space<vmem>>) semaphore(%arg30 : memref<!tpu.dma_semaphore, #tpu.memory_space<semaphore_mem>>)
    %dma_start3A_141 = arith.constant 2 : i32
    %dma_start3A_142 = arith.constant 256 : i32
    %dma_start3A_143 = tpu.memref_slice %arg18[%dma_start3A_142] : memref<5120xi32, #tpu.memory_space<vmem>> -> memref<128xi32, #tpu.memory_space<vmem>>
    %dma_start3A_144 = arith.constant 0 : i32
    %dma_start3A_145 = tpu.memref_slice %arg17[%dma_start3A_141, %dma_start3A_144] : memref<40x128xi32, #tpu.memory_space<vmem>> -> memref<1x128xi32, #tpu.memory_space<vmem>>
    %dma_start3A_146 = tpu.memref_squeeze %dma_start3A_145 : memref<1x128xi32, #tpu.memory_space<vmem>> -> memref<128xi32, #tpu.memory_space<vmem>>
    %dma_start3A_147 = arith.constant 0 : i32
    %dma_start3A_148 = tpu.memref_slice %arg19[%dma_start3A_147] : memref<8704xi32, #tpu.memory_space<vmem_shared>> -> memref<8704xi32, #tpu.memory_space<vmem_shared>>
    tpu.enqueue_indirect_dma source(%dma_start3A_143 : memref<128xi32, #tpu.memory_space<vmem>>) target(%dma_start3A_148 : memref<8704xi32, #tpu.memory_space<vmem_shared>>) offsets(%dma_start3A_146 : memref<128xi32, #tpu.memory_space<vmem>>) semaphore(%arg30 : memref<!tpu.dma_semaphore, #tpu.memory_space<semaphore_mem>>)
    %dma_start3A_149 = arith.constant 3 : i32
    %dma_start3A_150 = arith.constant 384 : i32
    %dma_start3A_151 = tpu.memref_slice %arg18[%dma_start3A_150] : memref<5120xi32, #tpu.memory_space<vmem>> -> memref<128xi32, #tpu.memory_space<vmem>>
    %dma_start3A_152 = arith.constant 0 : i32
    %dma_start3A_153 = tpu.memref_slice %arg17[%dma_start3A_149, %dma_start3A_152] : memref<40x128xi32, #tpu.memory_space<vmem>> -> memref<1x128xi32, #tpu.memory_space<vmem>>
    %dma_start3A_154 = tpu.memref_squeeze %dma_start3A_153 : memref<1x128xi32, #tpu.memory_space<vmem>> -> memref<128xi32, #tpu.memory_space<vmem>>
    %dma_start3A_155 = arith.constant 0 : i32
    %dma_start3A_156 = tpu.memref_slice %arg19[%dma_start3A_155] : memref<8704xi32, #tpu.memory_space<vmem_shared>> -> memref<8704xi32, #tpu.memory_space<vmem_shared>>
    tpu.enqueue_indirect_dma source(%dma_start3A_151 : memref<128xi32, #tpu.memory_space<vmem>>) target(%dma_start3A_156 : memref<8704xi32, #tpu.memory_space<vmem_shared>>) offsets(%dma_start3A_154 : memref<128xi32, #tpu.memory_space<vmem>>) semaphore(%arg30 : memref<!tpu.dma_semaphore, #tpu.memory_space<semaphore_mem>>)
    %dma_start3A_157 = arith.constant 4 : i32
    %dma_start3A_158 = arith.constant 512 : i32
    %dma_start3A_159 = tpu.memref_slice %arg18[%dma_start3A_158] : memref<5120xi32, #tpu.memory_space<vmem>> -> memref<128xi32, #tpu.memory_space<vmem>>
    %dma_start3A_160 = arith.constant 0 : i32
    %dma_start3A_161 = tpu.memref_slice %arg17[%dma_start3A_157, %dma_start3A_160] : memref<40x128xi32, #tpu.memory_space<vmem>> -> memref<1x128xi32, #tpu.memory_space<vmem>>
    %dma_start3A_162 = tpu.memref_squeeze %dma_start3A_161 : memref<1x128xi32, #tpu.memory_space<vmem>> -> memref<128xi32, #tpu.memory_space<vmem>>
    %dma_start3A_163 = arith.constant 0 : i32
    %dma_start3A_164 = tpu.memref_slice %arg19[%dma_start3A_163] : memref<8704xi32, #tpu.memory_space<vmem_shared>> -> memref<8704xi32, #tpu.memory_space<vmem_shared>>
    tpu.enqueue_indirect_dma source(%dma_start3A_159 : memref<128xi32, #tpu.memory_space<vmem>>) target(%dma_start3A_164 : memref<8704xi32, #tpu.memory_space<vmem_shared>>) offsets(%dma_start3A_162 : memref<128xi32, #tpu.memory_space<vmem>>) semaphore(%arg30 : memref<!tpu.dma_semaphore, #tpu.memory_space<semaphore_mem>>)
    %dma_start3A_165 = arith.constant 5 : i32
    %dma_start3A_166 = arith.constant 640 : i32
    %dma_start3A_167 = tpu.memref_slice %arg18[%dma_start3A_166] : memref<5120xi32, #tpu.memory_space<vmem>> -> memref<128xi32, #tpu.memory_space<vmem>>
    %dma_start3A_168 = arith.constant 0 : i32
    %dma_start3A_169 = tpu.memref_slice %arg17[%dma_start3A_165, %dma_start3A_168] : memref<40x128xi32, #tpu.memory_space<vmem>> -> memref<1x128xi32, #tpu.memory_space<vmem>>
    %dma_start3A_170 = tpu.memref_squeeze %dma_start3A_169 : memref<1x128xi32, #tpu.memory_space<vmem>> -> memref<128xi32, #tpu.memory_space<vmem>>
    %dma_start3A_171 = arith.constant 0 : i32
    %dma_start3A_172 = tpu.memref_slice %arg19[%dma_start3A_171] : memref<8704xi32, #tpu.memory_space<vmem_shared>> -> memref<8704xi32, #tpu.memory_space<vmem_shared>>
    tpu.enqueue_indirect_dma source(%dma_start3A_167 : memref<128xi32, #tpu.memory_space<vmem>>) target(%dma_start3A_172 : memref<8704xi32, #tpu.memory_space<vmem_shared>>) offsets(%dma_start3A_170 : memref<128xi32, #tpu.memory_space<vmem>>) semaphore(%arg30 : memref<!tpu.dma_semaphore, #tpu.memory_space<semaphore_mem>>)
    %dma_start3A_173 = arith.constant 6 : i32
    %dma_start3A_174 = arith.constant 768 : i32
    %dma_start3A_175 = tpu.memref_slice %arg18[%dma_start3A_174] : memref<5120xi32, #tpu.memory_space<vmem>> -> memref<128xi32, #tpu.memory_space<vmem>>
    %dma_start3A_176 = arith.constant 0 : i32
    %dma_start3A_177 = tpu.memref_slice %arg17[%dma_start3A_173, %dma_start3A_176] : memref<40x128xi32, #tpu.memory_space<vmem>> -> memref<1x128xi32, #tpu.memory_space<vmem>>
    %dma_start3A_178 = tpu.memref_squeeze %dma_start3A_177 : memref<1x128xi32, #tpu.memory_space<vmem>> -> memref<128xi32, #tpu.memory_space<vmem>>
    %dma_start3A_179 = arith.constant 0 : i32
    %dma_start3A_180 = tpu.memref_slice %arg19[%dma_start3A_179] : memref<8704xi32, #tpu.memory_space<vmem_shared>> -> memref<8704xi32, #tpu.memory_space<vmem_shared>>
    tpu.enqueue_indirect_dma source(%dma_start3A_175 : memref<128xi32, #tpu.memory_space<vmem>>) target(%dma_start3A_180 : memref<8704xi32, #tpu.memory_space<vmem_shared>>) offsets(%dma_start3A_178 : memref<128xi32, #tpu.memory_space<vmem>>) semaphore(%arg30 : memref<!tpu.dma_semaphore, #tpu.memory_space<semaphore_mem>>)
    %dma_start3A_181 = arith.constant 7 : i32
    %dma_start3A_182 = arith.constant 896 : i32
    %dma_start3A_183 = tpu.memref_slice %arg18[%dma_start3A_182] : memref<5120xi32, #tpu.memory_space<vmem>> -> memref<128xi32, #tpu.memory_space<vmem>>
    %dma_start3A_184 = arith.constant 0 : i32
    %dma_start3A_185 = tpu.memref_slice %arg17[%dma_start3A_181, %dma_start3A_184] : memref<40x128xi32, #tpu.memory_space<vmem>> -> memref<1x128xi32, #tpu.memory_space<vmem>>
    %dma_start3A_186 = tpu.memref_squeeze %dma_start3A_185 : memref<1x128xi32, #tpu.memory_space<vmem>> -> memref<128xi32, #tpu.memory_space<vmem>>
    %dma_start3A_187 = arith.constant 0 : i32
    %dma_start3A_188 = tpu.memref_slice %arg19[%dma_start3A_187] : memref<8704xi32, #tpu.memory_space<vmem_shared>> -> memref<8704xi32, #tpu.memory_space<vmem_shared>>
    tpu.enqueue_indirect_dma source(%dma_start3A_183 : memref<128xi32, #tpu.memory_space<vmem>>) target(%dma_start3A_188 : memref<8704xi32, #tpu.memory_space<vmem_shared>>) offsets(%dma_start3A_186 : memref<128xi32, #tpu.memory_space<vmem>>) semaphore(%arg30 : memref<!tpu.dma_semaphore, #tpu.memory_space<semaphore_mem>>)
    %dma_start3A_189 = arith.constant 8 : i32
    %dma_start3A_190 = arith.constant 1024 : i32
    %dma_start3A_191 = tpu.memref_slice %arg18[%dma_start3A_190] : memref<5120xi32, #tpu.memory_space<vmem>> -> memref<128xi32, #tpu.memory_space<vmem>>
    %dma_start3A_192 = arith.constant 0 : i32
    %dma_start3A_193 = tpu.memref_slice %arg17[%dma_start3A_189, %dma_start3A_192] : memref<40x128xi32, #tpu.memory_space<vmem>> -> memref<1x128xi32, #tpu.memory_space<vmem>>
    %dma_start3A_194 = tpu.memref_squeeze %dma_start3A_193 : memref<1x128xi32, #tpu.memory_space<vmem>> -> memref<128xi32, #tpu.memory_space<vmem>>
    %dma_start3A_195 = arith.constant 0 : i32
    %dma_start3A_196 = tpu.memref_slice %arg19[%dma_start3A_195] : memref<8704xi32, #tpu.memory_space<vmem_shared>> -> memref<8704xi32, #tpu.memory_space<vmem_shared>>
    tpu.enqueue_indirect_dma source(%dma_start3A_191 : memref<128xi32, #tpu.memory_space<vmem>>) target(%dma_start3A_196 : memref<8704xi32, #tpu.memory_space<vmem_shared>>) offsets(%dma_start3A_194 : memref<128xi32, #tpu.memory_space<vmem>>) semaphore(%arg30 : memref<!tpu.dma_semaphore, #tpu.memory_space<semaphore_mem>>)
    %dma_start3A_197 = arith.constant 9 : i32
    %dma_start3A_198 = arith.constant 1152 : i32
    %dma_start3A_199 = tpu.memref_slice %arg18[%dma_start3A_198] : memref<5120xi32, #tpu.memory_space<vmem>> -> memref<128xi32, #tpu.memory_space<vmem>>
    %dma_start3A_200 = arith.constant 0 : i32
    %dma_start3A_201 = tpu.memref_slice %arg17[%dma_start3A_197, %dma_start3A_200] : memref<40x128xi32, #tpu.memory_space<vmem>> -> memref<1x128xi32, #tpu.memory_space<vmem>>
    %dma_start3A_202 = tpu.memref_squeeze %dma_start3A_201 : memref<1x128xi32, #tpu.memory_space<vmem>> -> memref<128xi32, #tpu.memory_space<vmem>>
    %dma_start3A_203 = arith.constant 0 : i32
    %dma_start3A_204 = tpu.memref_slice %arg19[%dma_start3A_203] : memref<8704xi32, #tpu.memory_space<vmem_shared>> -> memref<8704xi32, #tpu.memory_space<vmem_shared>>
    tpu.enqueue_indirect_dma source(%dma_start3A_199 : memref<128xi32, #tpu.memory_space<vmem>>) target(%dma_start3A_204 : memref<8704xi32, #tpu.memory_space<vmem_shared>>) offsets(%dma_start3A_202 : memref<128xi32, #tpu.memory_space<vmem>>) semaphore(%arg30 : memref<!tpu.dma_semaphore, #tpu.memory_space<semaphore_mem>>)
    %dma_start3A_205 = arith.constant 10 : i32
    %dma_start3A_206 = arith.constant 1280 : i32
    %dma_start3A_207 = tpu.memref_slice %arg18[%dma_start3A_206] : memref<5120xi32, #tpu.memory_space<vmem>> -> memref<128xi32, #tpu.memory_space<vmem>>
    %dma_start3A_208 = arith.constant 0 : i32
    %dma_start3A_209 = tpu.memref_slice %arg17[%dma_start3A_205, %dma_start3A_208] : memref<40x128xi32, #tpu.memory_space<vmem>> -> memref<1x128xi32, #tpu.memory_space<vmem>>
    %dma_start3A_210 = tpu.memref_squeeze %dma_start3A_209 : memref<1x128xi32, #tpu.memory_space<vmem>> -> memref<128xi32, #tpu.memory_space<vmem>>
    %dma_start3A_211 = arith.constant 0 : i32
    %dma_start3A_212 = tpu.memref_slice %arg19[%dma_start3A_211] : memref<8704xi32, #tpu.memory_space<vmem_shared>> -> memref<8704xi32, #tpu.memory_space<vmem_shared>>
    tpu.enqueue_indirect_dma source(%dma_start3A_207 : memref<128xi32, #tpu.memory_space<vmem>>) target(%dma_start3A_212 : memref<8704xi32, #tpu.memory_space<vmem_shared>>) offsets(%dma_start3A_210 : memref<128xi32, #tpu.memory_space<vmem>>) semaphore(%arg30 : memref<!tpu.dma_semaphore, #tpu.memory_space<semaphore_mem>>)
    %dma_start3A_213 = arith.constant 11 : i32
    %dma_start3A_214 = arith.constant 1408 : i32
    %dma_start3A_215 = tpu.memref_slice %arg18[%dma_start3A_214] : memref<5120xi32, #tpu.memory_space<vmem>> -> memref<128xi32, #tpu.memory_space<vmem>>
    %dma_start3A_216 = arith.constant 0 : i32
    %dma_start3A_217 = tpu.memref_slice %arg17[%dma_start3A_213, %dma_start3A_216] : memref<40x128xi32, #tpu.memory_space<vmem>> -> memref<1x128xi32, #tpu.memory_space<vmem>>
    %dma_start3A_218 = tpu.memref_squeeze %dma_start3A_217 : memref<1x128xi32, #tpu.memory_space<vmem>> -> memref<128xi32, #tpu.memory_space<vmem>>
    %dma_start3A_219 = arith.constant 0 : i32
    %dma_start3A_220 = tpu.memref_slice %arg19[%dma_start3A_219] : memref<8704xi32, #tpu.memory_space<vmem_shared>> -> memref<8704xi32, #tpu.memory_space<vmem_shared>>
    tpu.enqueue_indirect_dma source(%dma_start3A_215 : memref<128xi32, #tpu.memory_space<vmem>>) target(%dma_start3A_220 : memref<8704xi32, #tpu.memory_space<vmem_shared>>) offsets(%dma_start3A_218 : memref<128xi32, #tpu.memory_space<vmem>>) semaphore(%arg30 : memref<!tpu.dma_semaphore, #tpu.memory_space<semaphore_mem>>)
    %dma_start3A_221 = arith.constant 12 : i32
    %dma_start3A_222 = arith.constant 1536 : i32
    %dma_start3A_223 = tpu.memref_slice %arg18[%dma_start3A_222] : memref<5120xi32, #tpu.memory_space<vmem>> -> memref<128xi32, #tpu.memory_space<vmem>>
    %dma_start3A_224 = arith.constant 0 : i32
    %dma_start3A_225 = tpu.memref_slice %arg17[%dma_start3A_221, %dma_start3A_224] : memref<40x128xi32, #tpu.memory_space<vmem>> -> memref<1x128xi32, #tpu.memory_space<vmem>>
    %dma_start3A_226 = tpu.memref_squeeze %dma_start3A_225 : memref<1x128xi32, #tpu.memory_space<vmem>> -> memref<128xi32, #tpu.memory_space<vmem>>
    %dma_start3A_227 = arith.constant 0 : i32
    %dma_start3A_228 = tpu.memref_slice %arg19[%dma_start3A_227] : memref<8704xi32, #tpu.memory_space<vmem_shared>> -> memref<8704xi32, #tpu.memory_space<vmem_shared>>
    tpu.enqueue_indirect_dma source(%dma_start3A_223 : memref<128xi32, #tpu.memory_space<vmem>>) target(%dma_start3A_228 : memref<8704xi32, #tpu.memory_space<vmem_shared>>) offsets(%dma_start3A_226 : memref<128xi32, #tpu.memory_space<vmem>>) semaphore(%arg30 : memref<!tpu.dma_semaphore, #tpu.memory_space<semaphore_mem>>)
    %dma_start3A_229 = arith.constant 13 : i32
    %dma_start3A_230 = arith.constant 1664 : i32
    %dma_start3A_231 = tpu.memref_slice %arg18[%dma_start3A_230] : memref<5120xi32, #tpu.memory_space<vmem>> -> memref<128xi32, #tpu.memory_space<vmem>>
    %dma_start3A_232 = arith.constant 0 : i32
    %dma_start3A_233 = tpu.memref_slice %arg17[%dma_start3A_229, %dma_start3A_232] : memref<40x128xi32, #tpu.memory_space<vmem>> -> memref<1x128xi32, #tpu.memory_space<vmem>>
    %dma_start3A_234 = tpu.memref_squeeze %dma_start3A_233 : memref<1x128xi32, #tpu.memory_space<vmem>> -> memref<128xi32, #tpu.memory_space<vmem>>
    %dma_start3A_235 = arith.constant 0 : i32
    %dma_start3A_236 = tpu.memref_slice %arg19[%dma_start3A_235] : memref<8704xi32, #tpu.memory_space<vmem_shared>> -> memref<8704xi32, #tpu.memory_space<vmem_shared>>
    tpu.enqueue_indirect_dma source(%dma_start3A_231 : memref<128xi32, #tpu.memory_space<vmem>>) target(%dma_start3A_236 : memref<8704xi32, #tpu.memory_space<vmem_shared>>) offsets(%dma_start3A_234 : memref<128xi32, #tpu.memory_space<vmem>>) semaphore(%arg30 : memref<!tpu.dma_semaphore, #tpu.memory_space<semaphore_mem>>)
    %dma_start3A_237 = arith.constant 14 : i32
    %dma_start3A_238 = arith.constant 1792 : i32
    %dma_start3A_239 = tpu.memref_slice %arg18[%dma_start3A_238] : memref<5120xi32, #tpu.memory_space<vmem>> -> memref<128xi32, #tpu.memory_space<vmem>>
    %dma_start3A_240 = arith.constant 0 : i32
    %dma_start3A_241 = tpu.memref_slice %arg17[%dma_start3A_237, %dma_start3A_240] : memref<40x128xi32, #tpu.memory_space<vmem>> -> memref<1x128xi32, #tpu.memory_space<vmem>>
    %dma_start3A_242 = tpu.memref_squeeze %dma_start3A_241 : memref<1x128xi32, #tpu.memory_space<vmem>> -> memref<128xi32, #tpu.memory_space<vmem>>
    %dma_start3A_243 = arith.constant 0 : i32
    %dma_start3A_244 = tpu.memref_slice %arg19[%dma_start3A_243] : memref<8704xi32, #tpu.memory_space<vmem_shared>> -> memref<8704xi32, #tpu.memory_space<vmem_shared>>
    tpu.enqueue_indirect_dma source(%dma_start3A_239 : memref<128xi32, #tpu.memory_space<vmem>>) target(%dma_start3A_244 : memref<8704xi32, #tpu.memory_space<vmem_shared>>) offsets(%dma_start3A_242 : memref<128xi32, #tpu.memory_space<vmem>>) semaphore(%arg30 : memref<!tpu.dma_semaphore, #tpu.memory_space<semaphore_mem>>)
    %dma_start3A_245 = arith.constant 15 : i32
    %dma_start3A_246 = arith.constant 1920 : i32
    %dma_start3A_247 = tpu.memref_slice %arg18[%dma_start3A_246] : memref<5120xi32, #tpu.memory_space<vmem>> -> memref<128xi32, #tpu.memory_space<vmem>>
    %dma_start3A_248 = arith.constant 0 : i32
    %dma_start3A_249 = tpu.memref_slice %arg17[%dma_start3A_245, %dma_start3A_248] : memref<40x128xi32, #tpu.memory_space<vmem>> -> memref<1x128xi32, #tpu.memory_space<vmem>>
    %dma_start3A_250 = tpu.memref_squeeze %dma_start3A_249 : memref<1x128xi32, #tpu.memory_space<vmem>> -> memref<128xi32, #tpu.memory_space<vmem>>
    %dma_start3A_251 = arith.constant 0 : i32
    %dma_start3A_252 = tpu.memref_slice %arg19[%dma_start3A_251] : memref<8704xi32, #tpu.memory_space<vmem_shared>> -> memref<8704xi32, #tpu.memory_space<vmem_shared>>
    tpu.enqueue_indirect_dma source(%dma_start3A_247 : memref<128xi32, #tpu.memory_space<vmem>>) target(%dma_start3A_252 : memref<8704xi32, #tpu.memory_space<vmem_shared>>) offsets(%dma_start3A_250 : memref<128xi32, #tpu.memory_space<vmem>>) semaphore(%arg30 : memref<!tpu.dma_semaphore, #tpu.memory_space<semaphore_mem>>)
    %dma_start3A_253 = arith.constant 16 : i32
    %dma_start3A_254 = arith.constant 2048 : i32
    %dma_start3A_255 = tpu.memref_slice %arg18[%dma_start3A_254] : memref<5120xi32, #tpu.memory_space<vmem>> -> memref<128xi32, #tpu.memory_space<vmem>>
    %dma_start3A_256 = arith.constant 0 : i32
    %dma_start3A_257 = tpu.memref_slice %arg17[%dma_start3A_253, %dma_start3A_256] : memref<40x128xi32, #tpu.memory_space<vmem>> -> memref<1x128xi32, #tpu.memory_space<vmem>>
    %dma_start3A_258 = tpu.memref_squeeze %dma_start3A_257 : memref<1x128xi32, #tpu.memory_space<vmem>> -> memref<128xi32, #tpu.memory_space<vmem>>
    %dma_start3A_259 = arith.constant 0 : i32
    %dma_start3A_260 = tpu.memref_slice %arg19[%dma_start3A_259] : memref<8704xi32, #tpu.memory_space<vmem_shared>> -> memref<8704xi32, #tpu.memory_space<vmem_shared>>
    tpu.enqueue_indirect_dma source(%dma_start3A_255 : memref<128xi32, #tpu.memory_space<vmem>>) target(%dma_start3A_260 : memref<8704xi32, #tpu.memory_space<vmem_shared>>) offsets(%dma_start3A_258 : memref<128xi32, #tpu.memory_space<vmem>>) semaphore(%arg30 : memref<!tpu.dma_semaphore, #tpu.memory_space<semaphore_mem>>)
    %dma_start3A_261 = arith.constant 17 : i32
    %dma_start3A_262 = arith.constant 2176 : i32
    %dma_start3A_263 = tpu.memref_slice %arg18[%dma_start3A_262] : memref<5120xi32, #tpu.memory_space<vmem>> -> memref<128xi32, #tpu.memory_space<vmem>>
    %dma_start3A_264 = arith.constant 0 : i32
    %dma_start3A_265 = tpu.memref_slice %arg17[%dma_start3A_261, %dma_start3A_264] : memref<40x128xi32, #tpu.memory_space<vmem>> -> memref<1x128xi32, #tpu.memory_space<vmem>>
    %dma_start3A_266 = tpu.memref_squeeze %dma_start3A_265 : memref<1x128xi32, #tpu.memory_space<vmem>> -> memref<128xi32, #tpu.memory_space<vmem>>
    %dma_start3A_267 = arith.constant 0 : i32
    %dma_start3A_268 = tpu.memref_slice %arg19[%dma_start3A_267] : memref<8704xi32, #tpu.memory_space<vmem_shared>> -> memref<8704xi32, #tpu.memory_space<vmem_shared>>
    tpu.enqueue_indirect_dma source(%dma_start3A_263 : memref<128xi32, #tpu.memory_space<vmem>>) target(%dma_start3A_268 : memref<8704xi32, #tpu.memory_space<vmem_shared>>) offsets(%dma_start3A_266 : memref<128xi32, #tpu.memory_space<vmem>>) semaphore(%arg30 : memref<!tpu.dma_semaphore, #tpu.memory_space<semaphore_mem>>)
    %dma_start3A_269 = arith.constant 18 : i32
    %dma_start3A_270 = arith.constant 2304 : i32
    %dma_start3A_271 = tpu.memref_slice %arg18[%dma_start3A_270] : memref<5120xi32, #tpu.memory_space<vmem>> -> memref<128xi32, #tpu.memory_space<vmem>>
    %dma_start3A_272 = arith.constant 0 : i32
    %dma_start3A_273 = tpu.memref_slice %arg17[%dma_start3A_269, %dma_start3A_272] : memref<40x128xi32, #tpu.memory_space<vmem>> -> memref<1x128xi32, #tpu.memory_space<vmem>>
    %dma_start3A_274 = tpu.memref_squeeze %dma_start3A_273 : memref<1x128xi32, #tpu.memory_space<vmem>> -> memref<128xi32, #tpu.memory_space<vmem>>
    %dma_start3A_275 = arith.constant 0 : i32
    %dma_start3A_276 = tpu.memref_slice %arg19[%dma_start3A_275] : memref<8704xi32, #tpu.memory_space<vmem_shared>> -> memref<8704xi32, #tpu.memory_space<vmem_shared>>
    tpu.enqueue_indirect_dma source(%dma_start3A_271 : memref<128xi32, #tpu.memory_space<vmem>>) target(%dma_start3A_276 : memref<8704xi32, #tpu.memory_space<vmem_shared>>) offsets(%dma_start3A_274 : memref<128xi32, #tpu.memory_space<vmem>>) semaphore(%arg30 : memref<!tpu.dma_semaphore, #tpu.memory_space<semaphore_mem>>)
    %dma_start3A_277 = arith.constant 19 : i32
    %dma_start3A_278 = arith.constant 2432 : i32
    %dma_start3A_279 = tpu.memref_slice %arg18[%dma_start3A_278] : memref<5120xi32, #tpu.memory_space<vmem>> -> memref<128xi32, #tpu.memory_space<vmem>>
    %dma_start3A_280 = arith.constant 0 : i32
    %dma_start3A_281 = tpu.memref_slice %arg17[%dma_start3A_277, %dma_start3A_280] : memref<40x128xi32, #tpu.memory_space<vmem>> -> memref<1x128xi32, #tpu.memory_space<vmem>>
    %dma_start3A_282 = tpu.memref_squeeze %dma_start3A_281 : memref<1x128xi32, #tpu.memory_space<vmem>> -> memref<128xi32, #tpu.memory_space<vmem>>
    %dma_start3A_283 = arith.constant 0 : i32
    %dma_start3A_284 = tpu.memref_slice %arg19[%dma_start3A_283] : memref<8704xi32, #tpu.memory_space<vmem_shared>> -> memref<8704xi32, #tpu.memory_space<vmem_shared>>
    tpu.enqueue_indirect_dma source(%dma_start3A_279 : memref<128xi32, #tpu.memory_space<vmem>>) target(%dma_start3A_284 : memref<8704xi32, #tpu.memory_space<vmem_shared>>) offsets(%dma_start3A_282 : memref<128xi32, #tpu.memory_space<vmem>>) semaphore(%arg30 : memref<!tpu.dma_semaphore, #tpu.memory_space<semaphore_mem>>)
    %dma_start3A_285 = arith.constant 20 : i32
    %dma_start3A_286 = arith.constant 2560 : i32
    %dma_start3A_287 = tpu.memref_slice %arg18[%dma_start3A_286] : memref<5120xi32, #tpu.memory_space<vmem>> -> memref<128xi32, #tpu.memory_space<vmem>>
    %dma_start3A_288 = arith.constant 0 : i32
    %dma_start3A_289 = tpu.memref_slice %arg17[%dma_start3A_285, %dma_start3A_288] : memref<40x128xi32, #tpu.memory_space<vmem>> -> memref<1x128xi32, #tpu.memory_space<vmem>>
    %dma_start3A_290 = tpu.memref_squeeze %dma_start3A_289 : memref<1x128xi32, #tpu.memory_space<vmem>> -> memref<128xi32, #tpu.memory_space<vmem>>
    %dma_start3A_291 = arith.constant 0 : i32
    %dma_start3A_292 = tpu.memref_slice %arg19[%dma_start3A_291] : memref<8704xi32, #tpu.memory_space<vmem_shared>> -> memref<8704xi32, #tpu.memory_space<vmem_shared>>
    tpu.enqueue_indirect_dma source(%dma_start3A_287 : memref<128xi32, #tpu.memory_space<vmem>>) target(%dma_start3A_292 : memref<8704xi32, #tpu.memory_space<vmem_shared>>) offsets(%dma_start3A_290 : memref<128xi32, #tpu.memory_space<vmem>>) semaphore(%arg30 : memref<!tpu.dma_semaphore, #tpu.memory_space<semaphore_mem>>)
    %dma_start3A_293 = arith.constant 21 : i32
    %dma_start3A_294 = arith.constant 2688 : i32
    %dma_start3A_295 = tpu.memref_slice %arg18[%dma_start3A_294] : memref<5120xi32, #tpu.memory_space<vmem>> -> memref<128xi32, #tpu.memory_space<vmem>>
    %dma_start3A_296 = arith.constant 0 : i32
    %dma_start3A_297 = tpu.memref_slice %arg17[%dma_start3A_293, %dma_start3A_296] : memref<40x128xi32, #tpu.memory_space<vmem>> -> memref<1x128xi32, #tpu.memory_space<vmem>>
    %dma_start3A_298 = tpu.memref_squeeze %dma_start3A_297 : memref<1x128xi32, #tpu.memory_space<vmem>> -> memref<128xi32, #tpu.memory_space<vmem>>
    %dma_start3A_299 = arith.constant 0 : i32
    %dma_start3A_300 = tpu.memref_slice %arg19[%dma_start3A_299] : memref<8704xi32, #tpu.memory_space<vmem_shared>> -> memref<8704xi32, #tpu.memory_space<vmem_shared>>
    tpu.enqueue_indirect_dma source(%dma_start3A_295 : memref<128xi32, #tpu.memory_space<vmem>>) target(%dma_start3A_300 : memref<8704xi32, #tpu.memory_space<vmem_shared>>) offsets(%dma_start3A_298 : memref<128xi32, #tpu.memory_space<vmem>>) semaphore(%arg30 : memref<!tpu.dma_semaphore, #tpu.memory_space<semaphore_mem>>)
    %dma_start3A_301 = arith.constant 22 : i32
    %dma_start3A_302 = arith.constant 2816 : i32
    %dma_start3A_303 = tpu.memref_slice %arg18[%dma_start3A_302] : memref<5120xi32, #tpu.memory_space<vmem>> -> memref<128xi32, #tpu.memory_space<vmem>>
    %dma_start3A_304 = arith.constant 0 : i32
    %dma_start3A_305 = tpu.memref_slice %arg17[%dma_start3A_301, %dma_start3A_304] : memref<40x128xi32, #tpu.memory_space<vmem>> -> memref<1x128xi32, #tpu.memory_space<vmem>>
    %dma_start3A_306 = tpu.memref_squeeze %dma_start3A_305 : memref<1x128xi32, #tpu.memory_space<vmem>> -> memref<128xi32, #tpu.memory_space<vmem>>
    %dma_start3A_307 = arith.constant 0 : i32
    %dma_start3A_308 = tpu.memref_slice %arg19[%dma_start3A_307] : memref<8704xi32, #tpu.memory_space<vmem_shared>> -> memref<8704xi32, #tpu.memory_space<vmem_shared>>
    tpu.enqueue_indirect_dma source(%dma_start3A_303 : memref<128xi32, #tpu.memory_space<vmem>>) target(%dma_start3A_308 : memref<8704xi32, #tpu.memory_space<vmem_shared>>) offsets(%dma_start3A_306 : memref<128xi32, #tpu.memory_space<vmem>>) semaphore(%arg30 : memref<!tpu.dma_semaphore, #tpu.memory_space<semaphore_mem>>)
    %dma_start3A_309 = arith.constant 23 : i32
    %dma_start3A_310 = arith.constant 2944 : i32
    %dma_start3A_311 = tpu.memref_slice %arg18[%dma_start3A_310] : memref<5120xi32, #tpu.memory_space<vmem>> -> memref<128xi32, #tpu.memory_space<vmem>>
    %dma_start3A_312 = arith.constant 0 : i32
    %dma_start3A_313 = tpu.memref_slice %arg17[%dma_start3A_309, %dma_start3A_312] : memref<40x128xi32, #tpu.memory_space<vmem>> -> memref<1x128xi32, #tpu.memory_space<vmem>>
    %dma_start3A_314 = tpu.memref_squeeze %dma_start3A_313 : memref<1x128xi32, #tpu.memory_space<vmem>> -> memref<128xi32, #tpu.memory_space<vmem>>
    %dma_start3A_315 = arith.constant 0 : i32
    %dma_start3A_316 = tpu.memref_slice %arg19[%dma_start3A_315] : memref<8704xi32, #tpu.memory_space<vmem_shared>> -> memref<8704xi32, #tpu.memory_space<vmem_shared>>
    tpu.enqueue_indirect_dma source(%dma_start3A_311 : memref<128xi32, #tpu.memory_space<vmem>>) target(%dma_start3A_316 : memref<8704xi32, #tpu.memory_space<vmem_shared>>) offsets(%dma_start3A_314 : memref<128xi32, #tpu.memory_space<vmem>>) semaphore(%arg30 : memref<!tpu.dma_semaphore, #tpu.memory_space<semaphore_mem>>)
    %dma_start3A_317 = arith.constant 24 : i32
    %dma_start3A_318 = arith.constant 3072 : i32
    %dma_start3A_319 = tpu.memref_slice %arg18[%dma_start3A_318] : memref<5120xi32, #tpu.memory_space<vmem>> -> memref<128xi32, #tpu.memory_space<vmem>>
    %dma_start3A_320 = arith.constant 0 : i32
    %dma_start3A_321 = tpu.memref_slice %arg17[%dma_start3A_317, %dma_start3A_320] : memref<40x128xi32, #tpu.memory_space<vmem>> -> memref<1x128xi32, #tpu.memory_space<vmem>>
    %dma_start3A_322 = tpu.memref_squeeze %dma_start3A_321 : memref<1x128xi32, #tpu.memory_space<vmem>> -> memref<128xi32, #tpu.memory_space<vmem>>
    %dma_start3A_323 = arith.constant 0 : i32
    %dma_start3A_324 = tpu.memref_slice %arg19[%dma_start3A_323] : memref<8704xi32, #tpu.memory_space<vmem_shared>> -> memref<8704xi32, #tpu.memory_space<vmem_shared>>
    tpu.enqueue_indirect_dma source(%dma_start3A_319 : memref<128xi32, #tpu.memory_space<vmem>>) target(%dma_start3A_324 : memref<8704xi32, #tpu.memory_space<vmem_shared>>) offsets(%dma_start3A_322 : memref<128xi32, #tpu.memory_space<vmem>>) semaphore(%arg30 : memref<!tpu.dma_semaphore, #tpu.memory_space<semaphore_mem>>)
    %dma_start3A_325 = arith.constant 25 : i32
    %dma_start3A_326 = arith.constant 3200 : i32
    %dma_start3A_327 = tpu.memref_slice %arg18[%dma_start3A_326] : memref<5120xi32, #tpu.memory_space<vmem>> -> memref<128xi32, #tpu.memory_space<vmem>>
    %dma_start3A_328 = arith.constant 0 : i32
    %dma_start3A_329 = tpu.memref_slice %arg17[%dma_start3A_325, %dma_start3A_328] : memref<40x128xi32, #tpu.memory_space<vmem>> -> memref<1x128xi32, #tpu.memory_space<vmem>>
    %dma_start3A_330 = tpu.memref_squeeze %dma_start3A_329 : memref<1x128xi32, #tpu.memory_space<vmem>> -> memref<128xi32, #tpu.memory_space<vmem>>
    %dma_start3A_331 = arith.constant 0 : i32
    %dma_start3A_332 = tpu.memref_slice %arg19[%dma_start3A_331] : memref<8704xi32, #tpu.memory_space<vmem_shared>> -> memref<8704xi32, #tpu.memory_space<vmem_shared>>
    tpu.enqueue_indirect_dma source(%dma_start3A_327 : memref<128xi32, #tpu.memory_space<vmem>>) target(%dma_start3A_332 : memref<8704xi32, #tpu.memory_space<vmem_shared>>) offsets(%dma_start3A_330 : memref<128xi32, #tpu.memory_space<vmem>>) semaphore(%arg30 : memref<!tpu.dma_semaphore, #tpu.memory_space<semaphore_mem>>)
    %dma_start3A_333 = arith.constant 26 : i32
    %dma_start3A_334 = arith.constant 3328 : i32
    %dma_start3A_335 = tpu.memref_slice %arg18[%dma_start3A_334] : memref<5120xi32, #tpu.memory_space<vmem>> -> memref<128xi32, #tpu.memory_space<vmem>>
    %dma_start3A_336 = arith.constant 0 : i32
    %dma_start3A_337 = tpu.memref_slice %arg17[%dma_start3A_333, %dma_start3A_336] : memref<40x128xi32, #tpu.memory_space<vmem>> -> memref<1x128xi32, #tpu.memory_space<vmem>>
    %dma_start3A_338 = tpu.memref_squeeze %dma_start3A_337 : memref<1x128xi32, #tpu.memory_space<vmem>> -> memref<128xi32, #tpu.memory_space<vmem>>
    %dma_start3A_339 = arith.constant 0 : i32
    %dma_start3A_340 = tpu.memref_slice %arg19[%dma_start3A_339] : memref<8704xi32, #tpu.memory_space<vmem_shared>> -> memref<8704xi32, #tpu.memory_space<vmem_shared>>
    tpu.enqueue_indirect_dma source(%dma_start3A_335 : memref<128xi32, #tpu.memory_space<vmem>>) target(%dma_start3A_340 : memref<8704xi32, #tpu.memory_space<vmem_shared>>) offsets(%dma_start3A_338 : memref<128xi32, #tpu.memory_space<vmem>>) semaphore(%arg30 : memref<!tpu.dma_semaphore, #tpu.memory_space<semaphore_mem>>)
    %dma_start3A_341 = arith.constant 27 : i32
    %dma_start3A_342 = arith.constant 3456 : i32
    %dma_start3A_343 = tpu.memref_slice %arg18[%dma_start3A_342] : memref<5120xi32, #tpu.memory_space<vmem>> -> memref<128xi32, #tpu.memory_space<vmem>>
    %dma_start3A_344 = arith.constant 0 : i32
    %dma_start3A_345 = tpu.memref_slice %arg17[%dma_start3A_341, %dma_start3A_344] : memref<40x128xi32, #tpu.memory_space<vmem>> -> memref<1x128xi32, #tpu.memory_space<vmem>>
    %dma_start3A_346 = tpu.memref_squeeze %dma_start3A_345 : memref<1x128xi32, #tpu.memory_space<vmem>> -> memref<128xi32, #tpu.memory_space<vmem>>
    %dma_start3A_347 = arith.constant 0 : i32
    %dma_start3A_348 = tpu.memref_slice %arg19[%dma_start3A_347] : memref<8704xi32, #tpu.memory_space<vmem_shared>> -> memref<8704xi32, #tpu.memory_space<vmem_shared>>
    tpu.enqueue_indirect_dma source(%dma_start3A_343 : memref<128xi32, #tpu.memory_space<vmem>>) target(%dma_start3A_348 : memref<8704xi32, #tpu.memory_space<vmem_shared>>) offsets(%dma_start3A_346 : memref<128xi32, #tpu.memory_space<vmem>>) semaphore(%arg30 : memref<!tpu.dma_semaphore, #tpu.memory_space<semaphore_mem>>)
    %dma_start3A_349 = arith.constant 28 : i32
    %dma_start3A_350 = arith.constant 3584 : i32
    %dma_start3A_351 = tpu.memref_slice %arg18[%dma_start3A_350] : memref<5120xi32, #tpu.memory_space<vmem>> -> memref<128xi32, #tpu.memory_space<vmem>>
    %dma_start3A_352 = arith.constant 0 : i32
    %dma_start3A_353 = tpu.memref_slice %arg17[%dma_start3A_349, %dma_start3A_352] : memref<40x128xi32, #tpu.memory_space<vmem>> -> memref<1x128xi32, #tpu.memory_space<vmem>>
    %dma_start3A_354 = tpu.memref_squeeze %dma_start3A_353 : memref<1x128xi32, #tpu.memory_space<vmem>> -> memref<128xi32, #tpu.memory_space<vmem>>
    %dma_start3A_355 = arith.constant 0 : i32
    %dma_start3A_356 = tpu.memref_slice %arg19[%dma_start3A_355] : memref<8704xi32, #tpu.memory_space<vmem_shared>> -> memref<8704xi32, #tpu.memory_space<vmem_shared>>
    tpu.enqueue_indirect_dma source(%dma_start3A_351 : memref<128xi32, #tpu.memory_space<vmem>>) target(%dma_start3A_356 : memref<8704xi32, #tpu.memory_space<vmem_shared>>) offsets(%dma_start3A_354 : memref<128xi32, #tpu.memory_space<vmem>>) semaphore(%arg30 : memref<!tpu.dma_semaphore, #tpu.memory_space<semaphore_mem>>)
    %dma_start3A_357 = arith.constant 29 : i32
    %dma_start3A_358 = arith.constant 3712 : i32
    %dma_start3A_359 = tpu.memref_slice %arg18[%dma_start3A_358] : memref<5120xi32, #tpu.memory_space<vmem>> -> memref<128xi32, #tpu.memory_space<vmem>>
    %dma_start3A_360 = arith.constant 0 : i32
    %dma_start3A_361 = tpu.memref_slice %arg17[%dma_start3A_357, %dma_start3A_360] : memref<40x128xi32, #tpu.memory_space<vmem>> -> memref<1x128xi32, #tpu.memory_space<vmem>>
    %dma_start3A_362 = tpu.memref_squeeze %dma_start3A_361 : memref<1x128xi32, #tpu.memory_space<vmem>> -> memref<128xi32, #tpu.memory_space<vmem>>
    %dma_start3A_363 = arith.constant 0 : i32
    %dma_start3A_364 = tpu.memref_slice %arg19[%dma_start3A_363] : memref<8704xi32, #tpu.memory_space<vmem_shared>> -> memref<8704xi32, #tpu.memory_space<vmem_shared>>
    tpu.enqueue_indirect_dma source(%dma_start3A_359 : memref<128xi32, #tpu.memory_space<vmem>>) target(%dma_start3A_364 : memref<8704xi32, #tpu.memory_space<vmem_shared>>) offsets(%dma_start3A_362 : memref<128xi32, #tpu.memory_space<vmem>>) semaphore(%arg30 : memref<!tpu.dma_semaphore, #tpu.memory_space<semaphore_mem>>)
    %dma_start3A_365 = arith.constant 30 : i32
    %dma_start3A_366 = arith.constant 3840 : i32
    %dma_start3A_367 = tpu.memref_slice %arg18[%dma_start3A_366] : memref<5120xi32, #tpu.memory_space<vmem>> -> memref<128xi32, #tpu.memory_space<vmem>>
    %dma_start3A_368 = arith.constant 0 : i32
    %dma_start3A_369 = tpu.memref_slice %arg17[%dma_start3A_365, %dma_start3A_368] : memref<40x128xi32, #tpu.memory_space<vmem>> -> memref<1x128xi32, #tpu.memory_space<vmem>>
    %dma_start3A_370 = tpu.memref_squeeze %dma_start3A_369 : memref<1x128xi32, #tpu.memory_space<vmem>> -> memref<128xi32, #tpu.memory_space<vmem>>
    %dma_start3A_371 = arith.constant 0 : i32
    %dma_start3A_372 = tpu.memref_slice %arg19[%dma_start3A_371] : memref<8704xi32, #tpu.memory_space<vmem_shared>> -> memref<8704xi32, #tpu.memory_space<vmem_shared>>
    tpu.enqueue_indirect_dma source(%dma_start3A_367 : memref<128xi32, #tpu.memory_space<vmem>>) target(%dma_start3A_372 : memref<8704xi32, #tpu.memory_space<vmem_shared>>) offsets(%dma_start3A_370 : memref<128xi32, #tpu.memory_space<vmem>>) semaphore(%arg30 : memref<!tpu.dma_semaphore, #tpu.memory_space<semaphore_mem>>)
    %dma_start3A_373 = arith.constant 31 : i32
    %dma_start3A_374 = arith.constant 3968 : i32
    %dma_start3A_375 = tpu.memref_slice %arg18[%dma_start3A_374] : memref<5120xi32, #tpu.memory_space<vmem>> -> memref<128xi32, #tpu.memory_space<vmem>>
    %dma_start3A_376 = arith.constant 0 : i32
    %dma_start3A_377 = tpu.memref_slice %arg17[%dma_start3A_373, %dma_start3A_376] : memref<40x128xi32, #tpu.memory_space<vmem>> -> memref<1x128xi32, #tpu.memory_space<vmem>>
    %dma_start3A_378 = tpu.memref_squeeze %dma_start3A_377 : memref<1x128xi32, #tpu.memory_space<vmem>> -> memref<128xi32, #tpu.memory_space<vmem>>
    %dma_start3A_379 = arith.constant 0 : i32
    %dma_start3A_380 = tpu.memref_slice %arg19[%dma_start3A_379] : memref<8704xi32, #tpu.memory_space<vmem_shared>> -> memref<8704xi32, #tpu.memory_space<vmem_shared>>
    tpu.enqueue_indirect_dma source(%dma_start3A_375 : memref<128xi32, #tpu.memory_space<vmem>>) target(%dma_start3A_380 : memref<8704xi32, #tpu.memory_space<vmem_shared>>) offsets(%dma_start3A_378 : memref<128xi32, #tpu.memory_space<vmem>>) semaphore(%arg30 : memref<!tpu.dma_semaphore, #tpu.memory_space<semaphore_mem>>)
    %dma_start3A_381 = arith.constant 32 : i32
    %dma_start3A_382 = arith.constant 4096 : i32
    %dma_start3A_383 = tpu.memref_slice %arg18[%dma_start3A_382] : memref<5120xi32, #tpu.memory_space<vmem>> -> memref<128xi32, #tpu.memory_space<vmem>>
    %dma_start3A_384 = arith.constant 0 : i32
    %dma_start3A_385 = tpu.memref_slice %arg17[%dma_start3A_381, %dma_start3A_384] : memref<40x128xi32, #tpu.memory_space<vmem>> -> memref<1x128xi32, #tpu.memory_space<vmem>>
    %dma_start3A_386 = tpu.memref_squeeze %dma_start3A_385 : memref<1x128xi32, #tpu.memory_space<vmem>> -> memref<128xi32, #tpu.memory_space<vmem>>
    %dma_start3A_387 = arith.constant 0 : i32
    %dma_start3A_388 = tpu.memref_slice %arg19[%dma_start3A_387] : memref<8704xi32, #tpu.memory_space<vmem_shared>> -> memref<8704xi32, #tpu.memory_space<vmem_shared>>
    tpu.enqueue_indirect_dma source(%dma_start3A_383 : memref<128xi32, #tpu.memory_space<vmem>>) target(%dma_start3A_388 : memref<8704xi32, #tpu.memory_space<vmem_shared>>) offsets(%dma_start3A_386 : memref<128xi32, #tpu.memory_space<vmem>>) semaphore(%arg30 : memref<!tpu.dma_semaphore, #tpu.memory_space<semaphore_mem>>)
    %dma_start3A_389 = arith.constant 33 : i32
    %dma_start3A_390 = arith.constant 4224 : i32
    %dma_start3A_391 = tpu.memref_slice %arg18[%dma_start3A_390] : memref<5120xi32, #tpu.memory_space<vmem>> -> memref<128xi32, #tpu.memory_space<vmem>>
    %dma_start3A_392 = arith.constant 0 : i32
    %dma_start3A_393 = tpu.memref_slice %arg17[%dma_start3A_389, %dma_start3A_392] : memref<40x128xi32, #tpu.memory_space<vmem>> -> memref<1x128xi32, #tpu.memory_space<vmem>>
    %dma_start3A_394 = tpu.memref_squeeze %dma_start3A_393 : memref<1x128xi32, #tpu.memory_space<vmem>> -> memref<128xi32, #tpu.memory_space<vmem>>
    %dma_start3A_395 = arith.constant 0 : i32
    %dma_start3A_396 = tpu.memref_slice %arg19[%dma_start3A_395] : memref<8704xi32, #tpu.memory_space<vmem_shared>> -> memref<8704xi32, #tpu.memory_space<vmem_shared>>
    tpu.enqueue_indirect_dma source(%dma_start3A_391 : memref<128xi32, #tpu.memory_space<vmem>>) target(%dma_start3A_396 : memref<8704xi32, #tpu.memory_space<vmem_shared>>) offsets(%dma_start3A_394 : memref<128xi32, #tpu.memory_space<vmem>>) semaphore(%arg30 : memref<!tpu.dma_semaphore, #tpu.memory_space<semaphore_mem>>)
    %dma_start3A_397 = arith.constant 34 : i32
    %dma_start3A_398 = arith.constant 4352 : i32
    %dma_start3A_399 = tpu.memref_slice %arg18[%dma_start3A_398] : memref<5120xi32, #tpu.memory_space<vmem>> -> memref<128xi32, #tpu.memory_space<vmem>>
    %dma_start3A_400 = arith.constant 0 : i32
    %dma_start3A_401 = tpu.memref_slice %arg17[%dma_start3A_397, %dma_start3A_400] : memref<40x128xi32, #tpu.memory_space<vmem>> -> memref<1x128xi32, #tpu.memory_space<vmem>>
    %dma_start3A_402 = tpu.memref_squeeze %dma_start3A_401 : memref<1x128xi32, #tpu.memory_space<vmem>> -> memref<128xi32, #tpu.memory_space<vmem>>
    %dma_start3A_403 = arith.constant 0 : i32
    %dma_start3A_404 = tpu.memref_slice %arg19[%dma_start3A_403] : memref<8704xi32, #tpu.memory_space<vmem_shared>> -> memref<8704xi32, #tpu.memory_space<vmem_shared>>
    tpu.enqueue_indirect_dma source(%dma_start3A_399 : memref<128xi32, #tpu.memory_space<vmem>>) target(%dma_start3A_404 : memref<8704xi32, #tpu.memory_space<vmem_shared>>) offsets(%dma_start3A_402 : memref<128xi32, #tpu.memory_space<vmem>>) semaphore(%arg30 : memref<!tpu.dma_semaphore, #tpu.memory_space<semaphore_mem>>)
    %dma_start3A_405 = arith.constant 35 : i32
    %dma_start3A_406 = arith.constant 4480 : i32
    %dma_start3A_407 = tpu.memref_slice %arg18[%dma_start3A_406] : memref<5120xi32, #tpu.memory_space<vmem>> -> memref<128xi32, #tpu.memory_space<vmem>>
    %dma_start3A_408 = arith.constant 0 : i32
    %dma_start3A_409 = tpu.memref_slice %arg17[%dma_start3A_405, %dma_start3A_408] : memref<40x128xi32, #tpu.memory_space<vmem>> -> memref<1x128xi32, #tpu.memory_space<vmem>>
    %dma_start3A_410 = tpu.memref_squeeze %dma_start3A_409 : memref<1x128xi32, #tpu.memory_space<vmem>> -> memref<128xi32, #tpu.memory_space<vmem>>
    %dma_start3A_411 = arith.constant 0 : i32
    %dma_start3A_412 = tpu.memref_slice %arg19[%dma_start3A_411] : memref<8704xi32, #tpu.memory_space<vmem_shared>> -> memref<8704xi32, #tpu.memory_space<vmem_shared>>
    tpu.enqueue_indirect_dma source(%dma_start3A_407 : memref<128xi32, #tpu.memory_space<vmem>>) target(%dma_start3A_412 : memref<8704xi32, #tpu.memory_space<vmem_shared>>) offsets(%dma_start3A_410 : memref<128xi32, #tpu.memory_space<vmem>>) semaphore(%arg30 : memref<!tpu.dma_semaphore, #tpu.memory_space<semaphore_mem>>)
    %dma_start3A_413 = arith.constant 36 : i32
    %dma_start3A_414 = arith.constant 4608 : i32
    %dma_start3A_415 = tpu.memref_slice %arg18[%dma_start3A_414] : memref<5120xi32, #tpu.memory_space<vmem>> -> memref<128xi32, #tpu.memory_space<vmem>>
    %dma_start3A_416 = arith.constant 0 : i32
    %dma_start3A_417 = tpu.memref_slice %arg17[%dma_start3A_413, %dma_start3A_416] : memref<40x128xi32, #tpu.memory_space<vmem>> -> memref<1x128xi32, #tpu.memory_space<vmem>>
    %dma_start3A_418 = tpu.memref_squeeze %dma_start3A_417 : memref<1x128xi32, #tpu.memory_space<vmem>> -> memref<128xi32, #tpu.memory_space<vmem>>
    %dma_start3A_419 = arith.constant 0 : i32
    %dma_start3A_420 = tpu.memref_slice %arg19[%dma_start3A_419] : memref<8704xi32, #tpu.memory_space<vmem_shared>> -> memref<8704xi32, #tpu.memory_space<vmem_shared>>
    tpu.enqueue_indirect_dma source(%dma_start3A_415 : memref<128xi32, #tpu.memory_space<vmem>>) target(%dma_start3A_420 : memref<8704xi32, #tpu.memory_space<vmem_shared>>) offsets(%dma_start3A_418 : memref<128xi32, #tpu.memory_space<vmem>>) semaphore(%arg30 : memref<!tpu.dma_semaphore, #tpu.memory_space<semaphore_mem>>)
    %dma_start3A_421 = arith.constant 37 : i32
    %dma_start3A_422 = arith.constant 4736 : i32
    %dma_start3A_423 = tpu.memref_slice %arg18[%dma_start3A_422] : memref<5120xi32, #tpu.memory_space<vmem>> -> memref<128xi32, #tpu.memory_space<vmem>>
    %dma_start3A_424 = arith.constant 0 : i32
    %dma_start3A_425 = tpu.memref_slice %arg17[%dma_start3A_421, %dma_start3A_424] : memref<40x128xi32, #tpu.memory_space<vmem>> -> memref<1x128xi32, #tpu.memory_space<vmem>>
    %dma_start3A_426 = tpu.memref_squeeze %dma_start3A_425 : memref<1x128xi32, #tpu.memory_space<vmem>> -> memref<128xi32, #tpu.memory_space<vmem>>
    %dma_start3A_427 = arith.constant 0 : i32
    %dma_start3A_428 = tpu.memref_slice %arg19[%dma_start3A_427] : memref<8704xi32, #tpu.memory_space<vmem_shared>> -> memref<8704xi32, #tpu.memory_space<vmem_shared>>
    tpu.enqueue_indirect_dma source(%dma_start3A_423 : memref<128xi32, #tpu.memory_space<vmem>>) target(%dma_start3A_428 : memref<8704xi32, #tpu.memory_space<vmem_shared>>) offsets(%dma_start3A_426 : memref<128xi32, #tpu.memory_space<vmem>>) semaphore(%arg30 : memref<!tpu.dma_semaphore, #tpu.memory_space<semaphore_mem>>)
    %dma_start3A_429 = arith.constant 38 : i32
    %dma_start3A_430 = arith.constant 4864 : i32
    %dma_start3A_431 = tpu.memref_slice %arg18[%dma_start3A_430] : memref<5120xi32, #tpu.memory_space<vmem>> -> memref<128xi32, #tpu.memory_space<vmem>>
    %dma_start3A_432 = arith.constant 0 : i32
    %dma_start3A_433 = tpu.memref_slice %arg17[%dma_start3A_429, %dma_start3A_432] : memref<40x128xi32, #tpu.memory_space<vmem>> -> memref<1x128xi32, #tpu.memory_space<vmem>>
    %dma_start3A_434 = tpu.memref_squeeze %dma_start3A_433 : memref<1x128xi32, #tpu.memory_space<vmem>> -> memref<128xi32, #tpu.memory_space<vmem>>
    %dma_start3A_435 = arith.constant 0 : i32
    %dma_start3A_436 = tpu.memref_slice %arg19[%dma_start3A_435] : memref<8704xi32, #tpu.memory_space<vmem_shared>> -> memref<8704xi32, #tpu.memory_space<vmem_shared>>
    tpu.enqueue_indirect_dma source(%dma_start3A_431 : memref<128xi32, #tpu.memory_space<vmem>>) target(%dma_start3A_436 : memref<8704xi32, #tpu.memory_space<vmem_shared>>) offsets(%dma_start3A_434 : memref<128xi32, #tpu.memory_space<vmem>>) semaphore(%arg30 : memref<!tpu.dma_semaphore, #tpu.memory_space<semaphore_mem>>)
    %dma_start3A_437 = arith.constant 39 : i32
    %dma_start3A_438 = arith.constant 4992 : i32
    %dma_start3A_439 = tpu.memref_slice %arg18[%dma_start3A_438] : memref<5120xi32, #tpu.memory_space<vmem>> -> memref<128xi32, #tpu.memory_space<vmem>>
    %dma_start3A_440 = arith.constant 0 : i32
    %dma_start3A_441 = tpu.memref_slice %arg17[%dma_start3A_437, %dma_start3A_440] : memref<40x128xi32, #tpu.memory_space<vmem>> -> memref<1x128xi32, #tpu.memory_space<vmem>>
    %dma_start3A_442 = tpu.memref_squeeze %dma_start3A_441 : memref<1x128xi32, #tpu.memory_space<vmem>> -> memref<128xi32, #tpu.memory_space<vmem>>
    %dma_start3A_443 = arith.constant 0 : i32
    %dma_start3A_444 = tpu.memref_slice %arg19[%dma_start3A_443] : memref<8704xi32, #tpu.memory_space<vmem_shared>> -> memref<8704xi32, #tpu.memory_space<vmem_shared>>
    tpu.enqueue_indirect_dma source(%dma_start3A_439 : memref<128xi32, #tpu.memory_space<vmem>>) target(%dma_start3A_444 : memref<8704xi32, #tpu.memory_space<vmem_shared>>) offsets(%dma_start3A_442 : memref<128xi32, #tpu.memory_space<vmem>>) semaphore(%arg30 : memref<!tpu.dma_semaphore, #tpu.memory_space<semaphore_mem>>)
    %dma_wait3A = arith.constant 0 : i32
    %dma_wait3A_445 = arith.constant 0 : i32
    %dma_wait3A_446 = tpu.memref_slice %arg18[%dma_wait3A_445] : memref<5120xi32, #tpu.memory_space<vmem>> -> memref<128xi32, #tpu.memory_space<vmem>>
    %dma_wait3A_447 = arith.constant 0 : i32
    %dma_wait3A_448 = tpu.memref_slice %arg17[%dma_wait3A, %dma_wait3A_447] : memref<40x128xi32, #tpu.memory_space<vmem>> -> memref<1x128xi32, #tpu.memory_space<vmem>>
    %dma_wait3A_449 = tpu.memref_squeeze %dma_wait3A_448 : memref<1x128xi32, #tpu.memory_space<vmem>> -> memref<128xi32, #tpu.memory_space<vmem>>
    %dma_wait3A_450 = arith.constant 0 : i32
    %dma_wait3A_451 = tpu.memref_slice %arg19[%dma_wait3A_450] : memref<8704xi32, #tpu.memory_space<vmem_shared>> -> memref<8704xi32, #tpu.memory_space<vmem_shared>>
    tpu.wait_indirect_dma semaphore(%arg30 : memref<!tpu.dma_semaphore, #tpu.memory_space<semaphore_mem>>) src(%dma_wait3A_446 : memref<128xi32, #tpu.memory_space<vmem>>) dst(%dma_wait3A_451 : memref<8704xi32, #tpu.memory_space<vmem_shared>>)
    %dma_wait3A_452 = arith.constant 1 : i32
    %dma_wait3A_453 = arith.constant 128 : i32
    %dma_wait3A_454 = tpu.memref_slice %arg18[%dma_wait3A_453] : memref<5120xi32, #tpu.memory_space<vmem>> -> memref<128xi32, #tpu.memory_space<vmem>>
    %dma_wait3A_455 = arith.constant 0 : i32
    %dma_wait3A_456 = tpu.memref_slice %arg17[%dma_wait3A_452, %dma_wait3A_455] : memref<40x128xi32, #tpu.memory_space<vmem>> -> memref<1x128xi32, #tpu.memory_space<vmem>>
    %dma_wait3A_457 = tpu.memref_squeeze %dma_wait3A_456 : memref<1x128xi32, #tpu.memory_space<vmem>> -> memref<128xi32, #tpu.memory_space<vmem>>
    %dma_wait3A_458 = arith.constant 0 : i32
    %dma_wait3A_459 = tpu.memref_slice %arg19[%dma_wait3A_458] : memref<8704xi32, #tpu.memory_space<vmem_shared>> -> memref<8704xi32, #tpu.memory_space<vmem_shared>>
    tpu.wait_indirect_dma semaphore(%arg30 : memref<!tpu.dma_semaphore, #tpu.memory_space<semaphore_mem>>) src(%dma_wait3A_454 : memref<128xi32, #tpu.memory_space<vmem>>) dst(%dma_wait3A_459 : memref<8704xi32, #tpu.memory_space<vmem_shared>>)
    %dma_wait3A_460 = arith.constant 2 : i32
    %dma_wait3A_461 = arith.constant 256 : i32
    %dma_wait3A_462 = tpu.memref_slice %arg18[%dma_wait3A_461] : memref<5120xi32, #tpu.memory_space<vmem>> -> memref<128xi32, #tpu.memory_space<vmem>>
    %dma_wait3A_463 = arith.constant 0 : i32
    %dma_wait3A_464 = tpu.memref_slice %arg17[%dma_wait3A_460, %dma_wait3A_463] : memref<40x128xi32, #tpu.memory_space<vmem>> -> memref<1x128xi32, #tpu.memory_space<vmem>>
    %dma_wait3A_465 = tpu.memref_squeeze %dma_wait3A_464 : memref<1x128xi32, #tpu.memory_space<vmem>> -> memref<128xi32, #tpu.memory_space<vmem>>
    %dma_wait3A_466 = arith.constant 0 : i32
    %dma_wait3A_467 = tpu.memref_slice %arg19[%dma_wait3A_466] : memref<8704xi32, #tpu.memory_space<vmem_shared>> -> memref<8704xi32, #tpu.memory_space<vmem_shared>>
    tpu.wait_indirect_dma semaphore(%arg30 : memref<!tpu.dma_semaphore, #tpu.memory_space<semaphore_mem>>) src(%dma_wait3A_462 : memref<128xi32, #tpu.memory_space<vmem>>) dst(%dma_wait3A_467 : memref<8704xi32, #tpu.memory_space<vmem_shared>>)
    %dma_wait3A_468 = arith.constant 3 : i32
    %dma_wait3A_469 = arith.constant 384 : i32
    %dma_wait3A_470 = tpu.memref_slice %arg18[%dma_wait3A_469] : memref<5120xi32, #tpu.memory_space<vmem>> -> memref<128xi32, #tpu.memory_space<vmem>>
    %dma_wait3A_471 = arith.constant 0 : i32
    %dma_wait3A_472 = tpu.memref_slice %arg17[%dma_wait3A_468, %dma_wait3A_471] : memref<40x128xi32, #tpu.memory_space<vmem>> -> memref<1x128xi32, #tpu.memory_space<vmem>>
    %dma_wait3A_473 = tpu.memref_squeeze %dma_wait3A_472 : memref<1x128xi32, #tpu.memory_space<vmem>> -> memref<128xi32, #tpu.memory_space<vmem>>
    %dma_wait3A_474 = arith.constant 0 : i32
    %dma_wait3A_475 = tpu.memref_slice %arg19[%dma_wait3A_474] : memref<8704xi32, #tpu.memory_space<vmem_shared>> -> memref<8704xi32, #tpu.memory_space<vmem_shared>>
    tpu.wait_indirect_dma semaphore(%arg30 : memref<!tpu.dma_semaphore, #tpu.memory_space<semaphore_mem>>) src(%dma_wait3A_470 : memref<128xi32, #tpu.memory_space<vmem>>) dst(%dma_wait3A_475 : memref<8704xi32, #tpu.memory_space<vmem_shared>>)
    %dma_wait3A_476 = arith.constant 4 : i32
    %dma_wait3A_477 = arith.constant 512 : i32
    %dma_wait3A_478 = tpu.memref_slice %arg18[%dma_wait3A_477] : memref<5120xi32, #tpu.memory_space<vmem>> -> memref<128xi32, #tpu.memory_space<vmem>>
    %dma_wait3A_479 = arith.constant 0 : i32
    %dma_wait3A_480 = tpu.memref_slice %arg17[%dma_wait3A_476, %dma_wait3A_479] : memref<40x128xi32, #tpu.memory_space<vmem>> -> memref<1x128xi32, #tpu.memory_space<vmem>>
    %dma_wait3A_481 = tpu.memref_squeeze %dma_wait3A_480 : memref<1x128xi32, #tpu.memory_space<vmem>> -> memref<128xi32, #tpu.memory_space<vmem>>
    %dma_wait3A_482 = arith.constant 0 : i32
    %dma_wait3A_483 = tpu.memref_slice %arg19[%dma_wait3A_482] : memref<8704xi32, #tpu.memory_space<vmem_shared>> -> memref<8704xi32, #tpu.memory_space<vmem_shared>>
    tpu.wait_indirect_dma semaphore(%arg30 : memref<!tpu.dma_semaphore, #tpu.memory_space<semaphore_mem>>) src(%dma_wait3A_478 : memref<128xi32, #tpu.memory_space<vmem>>) dst(%dma_wait3A_483 : memref<8704xi32, #tpu.memory_space<vmem_shared>>)
    %dma_wait3A_484 = arith.constant 5 : i32
    %dma_wait3A_485 = arith.constant 640 : i32
    %dma_wait3A_486 = tpu.memref_slice %arg18[%dma_wait3A_485] : memref<5120xi32, #tpu.memory_space<vmem>> -> memref<128xi32, #tpu.memory_space<vmem>>
    %dma_wait3A_487 = arith.constant 0 : i32
    %dma_wait3A_488 = tpu.memref_slice %arg17[%dma_wait3A_484, %dma_wait3A_487] : memref<40x128xi32, #tpu.memory_space<vmem>> -> memref<1x128xi32, #tpu.memory_space<vmem>>
    %dma_wait3A_489 = tpu.memref_squeeze %dma_wait3A_488 : memref<1x128xi32, #tpu.memory_space<vmem>> -> memref<128xi32, #tpu.memory_space<vmem>>
    %dma_wait3A_490 = arith.constant 0 : i32
    %dma_wait3A_491 = tpu.memref_slice %arg19[%dma_wait3A_490] : memref<8704xi32, #tpu.memory_space<vmem_shared>> -> memref<8704xi32, #tpu.memory_space<vmem_shared>>
    tpu.wait_indirect_dma semaphore(%arg30 : memref<!tpu.dma_semaphore, #tpu.memory_space<semaphore_mem>>) src(%dma_wait3A_486 : memref<128xi32, #tpu.memory_space<vmem>>) dst(%dma_wait3A_491 : memref<8704xi32, #tpu.memory_space<vmem_shared>>)
    %dma_wait3A_492 = arith.constant 6 : i32
    %dma_wait3A_493 = arith.constant 768 : i32
    %dma_wait3A_494 = tpu.memref_slice %arg18[%dma_wait3A_493] : memref<5120xi32, #tpu.memory_space<vmem>> -> memref<128xi32, #tpu.memory_space<vmem>>
    %dma_wait3A_495 = arith.constant 0 : i32
    %dma_wait3A_496 = tpu.memref_slice %arg17[%dma_wait3A_492, %dma_wait3A_495] : memref<40x128xi32, #tpu.memory_space<vmem>> -> memref<1x128xi32, #tpu.memory_space<vmem>>
    %dma_wait3A_497 = tpu.memref_squeeze %dma_wait3A_496 : memref<1x128xi32, #tpu.memory_space<vmem>> -> memref<128xi32, #tpu.memory_space<vmem>>
    %dma_wait3A_498 = arith.constant 0 : i32
    %dma_wait3A_499 = tpu.memref_slice %arg19[%dma_wait3A_498] : memref<8704xi32, #tpu.memory_space<vmem_shared>> -> memref<8704xi32, #tpu.memory_space<vmem_shared>>
    tpu.wait_indirect_dma semaphore(%arg30 : memref<!tpu.dma_semaphore, #tpu.memory_space<semaphore_mem>>) src(%dma_wait3A_494 : memref<128xi32, #tpu.memory_space<vmem>>) dst(%dma_wait3A_499 : memref<8704xi32, #tpu.memory_space<vmem_shared>>)
    %dma_wait3A_500 = arith.constant 7 : i32
    %dma_wait3A_501 = arith.constant 896 : i32
    %dma_wait3A_502 = tpu.memref_slice %arg18[%dma_wait3A_501] : memref<5120xi32, #tpu.memory_space<vmem>> -> memref<128xi32, #tpu.memory_space<vmem>>
    %dma_wait3A_503 = arith.constant 0 : i32
    %dma_wait3A_504 = tpu.memref_slice %arg17[%dma_wait3A_500, %dma_wait3A_503] : memref<40x128xi32, #tpu.memory_space<vmem>> -> memref<1x128xi32, #tpu.memory_space<vmem>>
    %dma_wait3A_505 = tpu.memref_squeeze %dma_wait3A_504 : memref<1x128xi32, #tpu.memory_space<vmem>> -> memref<128xi32, #tpu.memory_space<vmem>>
    %dma_wait3A_506 = arith.constant 0 : i32
    %dma_wait3A_507 = tpu.memref_slice %arg19[%dma_wait3A_506] : memref<8704xi32, #tpu.memory_space<vmem_shared>> -> memref<8704xi32, #tpu.memory_space<vmem_shared>>
    tpu.wait_indirect_dma semaphore(%arg30 : memref<!tpu.dma_semaphore, #tpu.memory_space<semaphore_mem>>) src(%dma_wait3A_502 : memref<128xi32, #tpu.memory_space<vmem>>) dst(%dma_wait3A_507 : memref<8704xi32, #tpu.memory_space<vmem_shared>>)
    %dma_wait3A_508 = arith.constant 8 : i32
    %dma_wait3A_509 = arith.constant 1024 : i32
    %dma_wait3A_510 = tpu.memref_slice %arg18[%dma_wait3A_509] : memref<5120xi32, #tpu.memory_space<vmem>> -> memref<128xi32, #tpu.memory_space<vmem>>
    %dma_wait3A_511 = arith.constant 0 : i32
    %dma_wait3A_512 = tpu.memref_slice %arg17[%dma_wait3A_508, %dma_wait3A_511] : memref<40x128xi32, #tpu.memory_space<vmem>> -> memref<1x128xi32, #tpu.memory_space<vmem>>
    %dma_wait3A_513 = tpu.memref_squeeze %dma_wait3A_512 : memref<1x128xi32, #tpu.memory_space<vmem>> -> memref<128xi32, #tpu.memory_space<vmem>>
    %dma_wait3A_514 = arith.constant 0 : i32
    %dma_wait3A_515 = tpu.memref_slice %arg19[%dma_wait3A_514] : memref<8704xi32, #tpu.memory_space<vmem_shared>> -> memref<8704xi32, #tpu.memory_space<vmem_shared>>
    tpu.wait_indirect_dma semaphore(%arg30 : memref<!tpu.dma_semaphore, #tpu.memory_space<semaphore_mem>>) src(%dma_wait3A_510 : memref<128xi32, #tpu.memory_space<vmem>>) dst(%dma_wait3A_515 : memref<8704xi32, #tpu.memory_space<vmem_shared>>)
    %dma_wait3A_516 = arith.constant 9 : i32
    %dma_wait3A_517 = arith.constant 1152 : i32
    %dma_wait3A_518 = tpu.memref_slice %arg18[%dma_wait3A_517] : memref<5120xi32, #tpu.memory_space<vmem>> -> memref<128xi32, #tpu.memory_space<vmem>>
    %dma_wait3A_519 = arith.constant 0 : i32
    %dma_wait3A_520 = tpu.memref_slice %arg17[%dma_wait3A_516, %dma_wait3A_519] : memref<40x128xi32, #tpu.memory_space<vmem>> -> memref<1x128xi32, #tpu.memory_space<vmem>>
    %dma_wait3A_521 = tpu.memref_squeeze %dma_wait3A_520 : memref<1x128xi32, #tpu.memory_space<vmem>> -> memref<128xi32, #tpu.memory_space<vmem>>
    %dma_wait3A_522 = arith.constant 0 : i32
    %dma_wait3A_523 = tpu.memref_slice %arg19[%dma_wait3A_522] : memref<8704xi32, #tpu.memory_space<vmem_shared>> -> memref<8704xi32, #tpu.memory_space<vmem_shared>>
    tpu.wait_indirect_dma semaphore(%arg30 : memref<!tpu.dma_semaphore, #tpu.memory_space<semaphore_mem>>) src(%dma_wait3A_518 : memref<128xi32, #tpu.memory_space<vmem>>) dst(%dma_wait3A_523 : memref<8704xi32, #tpu.memory_space<vmem_shared>>)
    %dma_wait3A_524 = arith.constant 10 : i32
    %dma_wait3A_525 = arith.constant 1280 : i32
    %dma_wait3A_526 = tpu.memref_slice %arg18[%dma_wait3A_525] : memref<5120xi32, #tpu.memory_space<vmem>> -> memref<128xi32, #tpu.memory_space<vmem>>
    %dma_wait3A_527 = arith.constant 0 : i32
    %dma_wait3A_528 = tpu.memref_slice %arg17[%dma_wait3A_524, %dma_wait3A_527] : memref<40x128xi32, #tpu.memory_space<vmem>> -> memref<1x128xi32, #tpu.memory_space<vmem>>
    %dma_wait3A_529 = tpu.memref_squeeze %dma_wait3A_528 : memref<1x128xi32, #tpu.memory_space<vmem>> -> memref<128xi32, #tpu.memory_space<vmem>>
    %dma_wait3A_530 = arith.constant 0 : i32
    %dma_wait3A_531 = tpu.memref_slice %arg19[%dma_wait3A_530] : memref<8704xi32, #tpu.memory_space<vmem_shared>> -> memref<8704xi32, #tpu.memory_space<vmem_shared>>
    tpu.wait_indirect_dma semaphore(%arg30 : memref<!tpu.dma_semaphore, #tpu.memory_space<semaphore_mem>>) src(%dma_wait3A_526 : memref<128xi32, #tpu.memory_space<vmem>>) dst(%dma_wait3A_531 : memref<8704xi32, #tpu.memory_space<vmem_shared>>)
    %dma_wait3A_532 = arith.constant 11 : i32
    %dma_wait3A_533 = arith.constant 1408 : i32
    %dma_wait3A_534 = tpu.memref_slice %arg18[%dma_wait3A_533] : memref<5120xi32, #tpu.memory_space<vmem>> -> memref<128xi32, #tpu.memory_space<vmem>>
    %dma_wait3A_535 = arith.constant 0 : i32
    %dma_wait3A_536 = tpu.memref_slice %arg17[%dma_wait3A_532, %dma_wait3A_535] : memref<40x128xi32, #tpu.memory_space<vmem>> -> memref<1x128xi32, #tpu.memory_space<vmem>>
    %dma_wait3A_537 = tpu.memref_squeeze %dma_wait3A_536 : memref<1x128xi32, #tpu.memory_space<vmem>> -> memref<128xi32, #tpu.memory_space<vmem>>
    %dma_wait3A_538 = arith.constant 0 : i32
    %dma_wait3A_539 = tpu.memref_slice %arg19[%dma_wait3A_538] : memref<8704xi32, #tpu.memory_space<vmem_shared>> -> memref<8704xi32, #tpu.memory_space<vmem_shared>>
    tpu.wait_indirect_dma semaphore(%arg30 : memref<!tpu.dma_semaphore, #tpu.memory_space<semaphore_mem>>) src(%dma_wait3A_534 : memref<128xi32, #tpu.memory_space<vmem>>) dst(%dma_wait3A_539 : memref<8704xi32, #tpu.memory_space<vmem_shared>>)
    %dma_wait3A_540 = arith.constant 12 : i32
    %dma_wait3A_541 = arith.constant 1536 : i32
    %dma_wait3A_542 = tpu.memref_slice %arg18[%dma_wait3A_541] : memref<5120xi32, #tpu.memory_space<vmem>> -> memref<128xi32, #tpu.memory_space<vmem>>
    %dma_wait3A_543 = arith.constant 0 : i32
    %dma_wait3A_544 = tpu.memref_slice %arg17[%dma_wait3A_540, %dma_wait3A_543] : memref<40x128xi32, #tpu.memory_space<vmem>> -> memref<1x128xi32, #tpu.memory_space<vmem>>
    %dma_wait3A_545 = tpu.memref_squeeze %dma_wait3A_544 : memref<1x128xi32, #tpu.memory_space<vmem>> -> memref<128xi32, #tpu.memory_space<vmem>>
    %dma_wait3A_546 = arith.constant 0 : i32
    %dma_wait3A_547 = tpu.memref_slice %arg19[%dma_wait3A_546] : memref<8704xi32, #tpu.memory_space<vmem_shared>> -> memref<8704xi32, #tpu.memory_space<vmem_shared>>
    tpu.wait_indirect_dma semaphore(%arg30 : memref<!tpu.dma_semaphore, #tpu.memory_space<semaphore_mem>>) src(%dma_wait3A_542 : memref<128xi32, #tpu.memory_space<vmem>>) dst(%dma_wait3A_547 : memref<8704xi32, #tpu.memory_space<vmem_shared>>)
    %dma_wait3A_548 = arith.constant 13 : i32
    %dma_wait3A_549 = arith.constant 1664 : i32
    %dma_wait3A_550 = tpu.memref_slice %arg18[%dma_wait3A_549] : memref<5120xi32, #tpu.memory_space<vmem>> -> memref<128xi32, #tpu.memory_space<vmem>>
    %dma_wait3A_551 = arith.constant 0 : i32
    %dma_wait3A_552 = tpu.memref_slice %arg17[%dma_wait3A_548, %dma_wait3A_551] : memref<40x128xi32, #tpu.memory_space<vmem>> -> memref<1x128xi32, #tpu.memory_space<vmem>>
    %dma_wait3A_553 = tpu.memref_squeeze %dma_wait3A_552 : memref<1x128xi32, #tpu.memory_space<vmem>> -> memref<128xi32, #tpu.memory_space<vmem>>
    %dma_wait3A_554 = arith.constant 0 : i32
    %dma_wait3A_555 = tpu.memref_slice %arg19[%dma_wait3A_554] : memref<8704xi32, #tpu.memory_space<vmem_shared>> -> memref<8704xi32, #tpu.memory_space<vmem_shared>>
    tpu.wait_indirect_dma semaphore(%arg30 : memref<!tpu.dma_semaphore, #tpu.memory_space<semaphore_mem>>) src(%dma_wait3A_550 : memref<128xi32, #tpu.memory_space<vmem>>) dst(%dma_wait3A_555 : memref<8704xi32, #tpu.memory_space<vmem_shared>>)
    %dma_wait3A_556 = arith.constant 14 : i32
    %dma_wait3A_557 = arith.constant 1792 : i32
    %dma_wait3A_558 = tpu.memref_slice %arg18[%dma_wait3A_557] : memref<5120xi32, #tpu.memory_space<vmem>> -> memref<128xi32, #tpu.memory_space<vmem>>
    %dma_wait3A_559 = arith.constant 0 : i32
    %dma_wait3A_560 = tpu.memref_slice %arg17[%dma_wait3A_556, %dma_wait3A_559] : memref<40x128xi32, #tpu.memory_space<vmem>> -> memref<1x128xi32, #tpu.memory_space<vmem>>
    %dma_wait3A_561 = tpu.memref_squeeze %dma_wait3A_560 : memref<1x128xi32, #tpu.memory_space<vmem>> -> memref<128xi32, #tpu.memory_space<vmem>>
    %dma_wait3A_562 = arith.constant 0 : i32
    %dma_wait3A_563 = tpu.memref_slice %arg19[%dma_wait3A_562] : memref<8704xi32, #tpu.memory_space<vmem_shared>> -> memref<8704xi32, #tpu.memory_space<vmem_shared>>
    tpu.wait_indirect_dma semaphore(%arg30 : memref<!tpu.dma_semaphore, #tpu.memory_space<semaphore_mem>>) src(%dma_wait3A_558 : memref<128xi32, #tpu.memory_space<vmem>>) dst(%dma_wait3A_563 : memref<8704xi32, #tpu.memory_space<vmem_shared>>)
    %dma_wait3A_564 = arith.constant 15 : i32
    %dma_wait3A_565 = arith.constant 1920 : i32
    %dma_wait3A_566 = tpu.memref_slice %arg18[%dma_wait3A_565] : memref<5120xi32, #tpu.memory_space<vmem>> -> memref<128xi32, #tpu.memory_space<vmem>>
    %dma_wait3A_567 = arith.constant 0 : i32
    %dma_wait3A_568 = tpu.memref_slice %arg17[%dma_wait3A_564, %dma_wait3A_567] : memref<40x128xi32, #tpu.memory_space<vmem>> -> memref<1x128xi32, #tpu.memory_space<vmem>>
    %dma_wait3A_569 = tpu.memref_squeeze %dma_wait3A_568 : memref<1x128xi32, #tpu.memory_space<vmem>> -> memref<128xi32, #tpu.memory_space<vmem>>
    %dma_wait3A_570 = arith.constant 0 : i32
    %dma_wait3A_571 = tpu.memref_slice %arg19[%dma_wait3A_570] : memref<8704xi32, #tpu.memory_space<vmem_shared>> -> memref<8704xi32, #tpu.memory_space<vmem_shared>>
    tpu.wait_indirect_dma semaphore(%arg30 : memref<!tpu.dma_semaphore, #tpu.memory_space<semaphore_mem>>) src(%dma_wait3A_566 : memref<128xi32, #tpu.memory_space<vmem>>) dst(%dma_wait3A_571 : memref<8704xi32, #tpu.memory_space<vmem_shared>>)
    %dma_wait3A_572 = arith.constant 16 : i32
    %dma_wait3A_573 = arith.constant 2048 : i32
    %dma_wait3A_574 = tpu.memref_slice %arg18[%dma_wait3A_573] : memref<5120xi32, #tpu.memory_space<vmem>> -> memref<128xi32, #tpu.memory_space<vmem>>
    %dma_wait3A_575 = arith.constant 0 : i32
    %dma_wait3A_576 = tpu.memref_slice %arg17[%dma_wait3A_572, %dma_wait3A_575] : memref<40x128xi32, #tpu.memory_space<vmem>> -> memref<1x128xi32, #tpu.memory_space<vmem>>
    %dma_wait3A_577 = tpu.memref_squeeze %dma_wait3A_576 : memref<1x128xi32, #tpu.memory_space<vmem>> -> memref<128xi32, #tpu.memory_space<vmem>>
    %dma_wait3A_578 = arith.constant 0 : i32
    %dma_wait3A_579 = tpu.memref_slice %arg19[%dma_wait3A_578] : memref<8704xi32, #tpu.memory_space<vmem_shared>> -> memref<8704xi32, #tpu.memory_space<vmem_shared>>
    tpu.wait_indirect_dma semaphore(%arg30 : memref<!tpu.dma_semaphore, #tpu.memory_space<semaphore_mem>>) src(%dma_wait3A_574 : memref<128xi32, #tpu.memory_space<vmem>>) dst(%dma_wait3A_579 : memref<8704xi32, #tpu.memory_space<vmem_shared>>)
    %dma_wait3A_580 = arith.constant 17 : i32
    %dma_wait3A_581 = arith.constant 2176 : i32
    %dma_wait3A_582 = tpu.memref_slice %arg18[%dma_wait3A_581] : memref<5120xi32, #tpu.memory_space<vmem>> -> memref<128xi32, #tpu.memory_space<vmem>>
    %dma_wait3A_583 = arith.constant 0 : i32
    %dma_wait3A_584 = tpu.memref_slice %arg17[%dma_wait3A_580, %dma_wait3A_583] : memref<40x128xi32, #tpu.memory_space<vmem>> -> memref<1x128xi32, #tpu.memory_space<vmem>>
    %dma_wait3A_585 = tpu.memref_squeeze %dma_wait3A_584 : memref<1x128xi32, #tpu.memory_space<vmem>> -> memref<128xi32, #tpu.memory_space<vmem>>
    %dma_wait3A_586 = arith.constant 0 : i32
    %dma_wait3A_587 = tpu.memref_slice %arg19[%dma_wait3A_586] : memref<8704xi32, #tpu.memory_space<vmem_shared>> -> memref<8704xi32, #tpu.memory_space<vmem_shared>>
    tpu.wait_indirect_dma semaphore(%arg30 : memref<!tpu.dma_semaphore, #tpu.memory_space<semaphore_mem>>) src(%dma_wait3A_582 : memref<128xi32, #tpu.memory_space<vmem>>) dst(%dma_wait3A_587 : memref<8704xi32, #tpu.memory_space<vmem_shared>>)
    %dma_wait3A_588 = arith.constant 18 : i32
    %dma_wait3A_589 = arith.constant 2304 : i32
    %dma_wait3A_590 = tpu.memref_slice %arg18[%dma_wait3A_589] : memref<5120xi32, #tpu.memory_space<vmem>> -> memref<128xi32, #tpu.memory_space<vmem>>
    %dma_wait3A_591 = arith.constant 0 : i32
    %dma_wait3A_592 = tpu.memref_slice %arg17[%dma_wait3A_588, %dma_wait3A_591] : memref<40x128xi32, #tpu.memory_space<vmem>> -> memref<1x128xi32, #tpu.memory_space<vmem>>
    %dma_wait3A_593 = tpu.memref_squeeze %dma_wait3A_592 : memref<1x128xi32, #tpu.memory_space<vmem>> -> memref<128xi32, #tpu.memory_space<vmem>>
    %dma_wait3A_594 = arith.constant 0 : i32
    %dma_wait3A_595 = tpu.memref_slice %arg19[%dma_wait3A_594] : memref<8704xi32, #tpu.memory_space<vmem_shared>> -> memref<8704xi32, #tpu.memory_space<vmem_shared>>
    tpu.wait_indirect_dma semaphore(%arg30 : memref<!tpu.dma_semaphore, #tpu.memory_space<semaphore_mem>>) src(%dma_wait3A_590 : memref<128xi32, #tpu.memory_space<vmem>>) dst(%dma_wait3A_595 : memref<8704xi32, #tpu.memory_space<vmem_shared>>)
    %dma_wait3A_596 = arith.constant 19 : i32
    %dma_wait3A_597 = arith.constant 2432 : i32
    %dma_wait3A_598 = tpu.memref_slice %arg18[%dma_wait3A_597] : memref<5120xi32, #tpu.memory_space<vmem>> -> memref<128xi32, #tpu.memory_space<vmem>>
    %dma_wait3A_599 = arith.constant 0 : i32
    %dma_wait3A_600 = tpu.memref_slice %arg17[%dma_wait3A_596, %dma_wait3A_599] : memref<40x128xi32, #tpu.memory_space<vmem>> -> memref<1x128xi32, #tpu.memory_space<vmem>>
    %dma_wait3A_601 = tpu.memref_squeeze %dma_wait3A_600 : memref<1x128xi32, #tpu.memory_space<vmem>> -> memref<128xi32, #tpu.memory_space<vmem>>
    %dma_wait3A_602 = arith.constant 0 : i32
    %dma_wait3A_603 = tpu.memref_slice %arg19[%dma_wait3A_602] : memref<8704xi32, #tpu.memory_space<vmem_shared>> -> memref<8704xi32, #tpu.memory_space<vmem_shared>>
    tpu.wait_indirect_dma semaphore(%arg30 : memref<!tpu.dma_semaphore, #tpu.memory_space<semaphore_mem>>) src(%dma_wait3A_598 : memref<128xi32, #tpu.memory_space<vmem>>) dst(%dma_wait3A_603 : memref<8704xi32, #tpu.memory_space<vmem_shared>>)
    %dma_wait3A_604 = arith.constant 20 : i32
    %dma_wait3A_605 = arith.constant 2560 : i32
    %dma_wait3A_606 = tpu.memref_slice %arg18[%dma_wait3A_605] : memref<5120xi32, #tpu.memory_space<vmem>> -> memref<128xi32, #tpu.memory_space<vmem>>
    %dma_wait3A_607 = arith.constant 0 : i32
    %dma_wait3A_608 = tpu.memref_slice %arg17[%dma_wait3A_604, %dma_wait3A_607] : memref<40x128xi32, #tpu.memory_space<vmem>> -> memref<1x128xi32, #tpu.memory_space<vmem>>
    %dma_wait3A_609 = tpu.memref_squeeze %dma_wait3A_608 : memref<1x128xi32, #tpu.memory_space<vmem>> -> memref<128xi32, #tpu.memory_space<vmem>>
    %dma_wait3A_610 = arith.constant 0 : i32
    %dma_wait3A_611 = tpu.memref_slice %arg19[%dma_wait3A_610] : memref<8704xi32, #tpu.memory_space<vmem_shared>> -> memref<8704xi32, #tpu.memory_space<vmem_shared>>
    tpu.wait_indirect_dma semaphore(%arg30 : memref<!tpu.dma_semaphore, #tpu.memory_space<semaphore_mem>>) src(%dma_wait3A_606 : memref<128xi32, #tpu.memory_space<vmem>>) dst(%dma_wait3A_611 : memref<8704xi32, #tpu.memory_space<vmem_shared>>)
    %dma_wait3A_612 = arith.constant 21 : i32
    %dma_wait3A_613 = arith.constant 2688 : i32
    %dma_wait3A_614 = tpu.memref_slice %arg18[%dma_wait3A_613] : memref<5120xi32, #tpu.memory_space<vmem>> -> memref<128xi32, #tpu.memory_space<vmem>>
    %dma_wait3A_615 = arith.constant 0 : i32
    %dma_wait3A_616 = tpu.memref_slice %arg17[%dma_wait3A_612, %dma_wait3A_615] : memref<40x128xi32, #tpu.memory_space<vmem>> -> memref<1x128xi32, #tpu.memory_space<vmem>>
    %dma_wait3A_617 = tpu.memref_squeeze %dma_wait3A_616 : memref<1x128xi32, #tpu.memory_space<vmem>> -> memref<128xi32, #tpu.memory_space<vmem>>
    %dma_wait3A_618 = arith.constant 0 : i32
    %dma_wait3A_619 = tpu.memref_slice %arg19[%dma_wait3A_618] : memref<8704xi32, #tpu.memory_space<vmem_shared>> -> memref<8704xi32, #tpu.memory_space<vmem_shared>>
    tpu.wait_indirect_dma semaphore(%arg30 : memref<!tpu.dma_semaphore, #tpu.memory_space<semaphore_mem>>) src(%dma_wait3A_614 : memref<128xi32, #tpu.memory_space<vmem>>) dst(%dma_wait3A_619 : memref<8704xi32, #tpu.memory_space<vmem_shared>>)
    %dma_wait3A_620 = arith.constant 22 : i32
    %dma_wait3A_621 = arith.constant 2816 : i32
    %dma_wait3A_622 = tpu.memref_slice %arg18[%dma_wait3A_621] : memref<5120xi32, #tpu.memory_space<vmem>> -> memref<128xi32, #tpu.memory_space<vmem>>
    %dma_wait3A_623 = arith.constant 0 : i32
    %dma_wait3A_624 = tpu.memref_slice %arg17[%dma_wait3A_620, %dma_wait3A_623] : memref<40x128xi32, #tpu.memory_space<vmem>> -> memref<1x128xi32, #tpu.memory_space<vmem>>
    %dma_wait3A_625 = tpu.memref_squeeze %dma_wait3A_624 : memref<1x128xi32, #tpu.memory_space<vmem>> -> memref<128xi32, #tpu.memory_space<vmem>>
    %dma_wait3A_626 = arith.constant 0 : i32
    %dma_wait3A_627 = tpu.memref_slice %arg19[%dma_wait3A_626] : memref<8704xi32, #tpu.memory_space<vmem_shared>> -> memref<8704xi32, #tpu.memory_space<vmem_shared>>
    tpu.wait_indirect_dma semaphore(%arg30 : memref<!tpu.dma_semaphore, #tpu.memory_space<semaphore_mem>>) src(%dma_wait3A_622 : memref<128xi32, #tpu.memory_space<vmem>>) dst(%dma_wait3A_627 : memref<8704xi32, #tpu.memory_space<vmem_shared>>)
    %dma_wait3A_628 = arith.constant 23 : i32
    %dma_wait3A_629 = arith.constant 2944 : i32
    %dma_wait3A_630 = tpu.memref_slice %arg18[%dma_wait3A_629] : memref<5120xi32, #tpu.memory_space<vmem>> -> memref<128xi32, #tpu.memory_space<vmem>>
    %dma_wait3A_631 = arith.constant 0 : i32
    %dma_wait3A_632 = tpu.memref_slice %arg17[%dma_wait3A_628, %dma_wait3A_631] : memref<40x128xi32, #tpu.memory_space<vmem>> -> memref<1x128xi32, #tpu.memory_space<vmem>>
    %dma_wait3A_633 = tpu.memref_squeeze %dma_wait3A_632 : memref<1x128xi32, #tpu.memory_space<vmem>> -> memref<128xi32, #tpu.memory_space<vmem>>
    %dma_wait3A_634 = arith.constant 0 : i32
    %dma_wait3A_635 = tpu.memref_slice %arg19[%dma_wait3A_634] : memref<8704xi32, #tpu.memory_space<vmem_shared>> -> memref<8704xi32, #tpu.memory_space<vmem_shared>>
    tpu.wait_indirect_dma semaphore(%arg30 : memref<!tpu.dma_semaphore, #tpu.memory_space<semaphore_mem>>) src(%dma_wait3A_630 : memref<128xi32, #tpu.memory_space<vmem>>) dst(%dma_wait3A_635 : memref<8704xi32, #tpu.memory_space<vmem_shared>>)
    %dma_wait3A_636 = arith.constant 24 : i32
    %dma_wait3A_637 = arith.constant 3072 : i32
    %dma_wait3A_638 = tpu.memref_slice %arg18[%dma_wait3A_637] : memref<5120xi32, #tpu.memory_space<vmem>> -> memref<128xi32, #tpu.memory_space<vmem>>
    %dma_wait3A_639 = arith.constant 0 : i32
    %dma_wait3A_640 = tpu.memref_slice %arg17[%dma_wait3A_636, %dma_wait3A_639] : memref<40x128xi32, #tpu.memory_space<vmem>> -> memref<1x128xi32, #tpu.memory_space<vmem>>
    %dma_wait3A_641 = tpu.memref_squeeze %dma_wait3A_640 : memref<1x128xi32, #tpu.memory_space<vmem>> -> memref<128xi32, #tpu.memory_space<vmem>>
    %dma_wait3A_642 = arith.constant 0 : i32
    %dma_wait3A_643 = tpu.memref_slice %arg19[%dma_wait3A_642] : memref<8704xi32, #tpu.memory_space<vmem_shared>> -> memref<8704xi32, #tpu.memory_space<vmem_shared>>
    tpu.wait_indirect_dma semaphore(%arg30 : memref<!tpu.dma_semaphore, #tpu.memory_space<semaphore_mem>>) src(%dma_wait3A_638 : memref<128xi32, #tpu.memory_space<vmem>>) dst(%dma_wait3A_643 : memref<8704xi32, #tpu.memory_space<vmem_shared>>)
    %dma_wait3A_644 = arith.constant 25 : i32
    %dma_wait3A_645 = arith.constant 3200 : i32
    %dma_wait3A_646 = tpu.memref_slice %arg18[%dma_wait3A_645] : memref<5120xi32, #tpu.memory_space<vmem>> -> memref<128xi32, #tpu.memory_space<vmem>>
    %dma_wait3A_647 = arith.constant 0 : i32
    %dma_wait3A_648 = tpu.memref_slice %arg17[%dma_wait3A_644, %dma_wait3A_647] : memref<40x128xi32, #tpu.memory_space<vmem>> -> memref<1x128xi32, #tpu.memory_space<vmem>>
    %dma_wait3A_649 = tpu.memref_squeeze %dma_wait3A_648 : memref<1x128xi32, #tpu.memory_space<vmem>> -> memref<128xi32, #tpu.memory_space<vmem>>
    %dma_wait3A_650 = arith.constant 0 : i32
    %dma_wait3A_651 = tpu.memref_slice %arg19[%dma_wait3A_650] : memref<8704xi32, #tpu.memory_space<vmem_shared>> -> memref<8704xi32, #tpu.memory_space<vmem_shared>>
    tpu.wait_indirect_dma semaphore(%arg30 : memref<!tpu.dma_semaphore, #tpu.memory_space<semaphore_mem>>) src(%dma_wait3A_646 : memref<128xi32, #tpu.memory_space<vmem>>) dst(%dma_wait3A_651 : memref<8704xi32, #tpu.memory_space<vmem_shared>>)
    %dma_wait3A_652 = arith.constant 26 : i32
    %dma_wait3A_653 = arith.constant 3328 : i32
    %dma_wait3A_654 = tpu.memref_slice %arg18[%dma_wait3A_653] : memref<5120xi32, #tpu.memory_space<vmem>> -> memref<128xi32, #tpu.memory_space<vmem>>
    %dma_wait3A_655 = arith.constant 0 : i32
    %dma_wait3A_656 = tpu.memref_slice %arg17[%dma_wait3A_652, %dma_wait3A_655] : memref<40x128xi32, #tpu.memory_space<vmem>> -> memref<1x128xi32, #tpu.memory_space<vmem>>
    %dma_wait3A_657 = tpu.memref_squeeze %dma_wait3A_656 : memref<1x128xi32, #tpu.memory_space<vmem>> -> memref<128xi32, #tpu.memory_space<vmem>>
    %dma_wait3A_658 = arith.constant 0 : i32
    %dma_wait3A_659 = tpu.memref_slice %arg19[%dma_wait3A_658] : memref<8704xi32, #tpu.memory_space<vmem_shared>> -> memref<8704xi32, #tpu.memory_space<vmem_shared>>
    tpu.wait_indirect_dma semaphore(%arg30 : memref<!tpu.dma_semaphore, #tpu.memory_space<semaphore_mem>>) src(%dma_wait3A_654 : memref<128xi32, #tpu.memory_space<vmem>>) dst(%dma_wait3A_659 : memref<8704xi32, #tpu.memory_space<vmem_shared>>)
    %dma_wait3A_660 = arith.constant 27 : i32
    %dma_wait3A_661 = arith.constant 3456 : i32
    %dma_wait3A_662 = tpu.memref_slice %arg18[%dma_wait3A_661] : memref<5120xi32, #tpu.memory_space<vmem>> -> memref<128xi32, #tpu.memory_space<vmem>>
    %dma_wait3A_663 = arith.constant 0 : i32
    %dma_wait3A_664 = tpu.memref_slice %arg17[%dma_wait3A_660, %dma_wait3A_663] : memref<40x128xi32, #tpu.memory_space<vmem>> -> memref<1x128xi32, #tpu.memory_space<vmem>>
    %dma_wait3A_665 = tpu.memref_squeeze %dma_wait3A_664 : memref<1x128xi32, #tpu.memory_space<vmem>> -> memref<128xi32, #tpu.memory_space<vmem>>
    %dma_wait3A_666 = arith.constant 0 : i32
    %dma_wait3A_667 = tpu.memref_slice %arg19[%dma_wait3A_666] : memref<8704xi32, #tpu.memory_space<vmem_shared>> -> memref<8704xi32, #tpu.memory_space<vmem_shared>>
    tpu.wait_indirect_dma semaphore(%arg30 : memref<!tpu.dma_semaphore, #tpu.memory_space<semaphore_mem>>) src(%dma_wait3A_662 : memref<128xi32, #tpu.memory_space<vmem>>) dst(%dma_wait3A_667 : memref<8704xi32, #tpu.memory_space<vmem_shared>>)
    %dma_wait3A_668 = arith.constant 28 : i32
    %dma_wait3A_669 = arith.constant 3584 : i32
    %dma_wait3A_670 = tpu.memref_slice %arg18[%dma_wait3A_669] : memref<5120xi32, #tpu.memory_space<vmem>> -> memref<128xi32, #tpu.memory_space<vmem>>
    %dma_wait3A_671 = arith.constant 0 : i32
    %dma_wait3A_672 = tpu.memref_slice %arg17[%dma_wait3A_668, %dma_wait3A_671] : memref<40x128xi32, #tpu.memory_space<vmem>> -> memref<1x128xi32, #tpu.memory_space<vmem>>
    %dma_wait3A_673 = tpu.memref_squeeze %dma_wait3A_672 : memref<1x128xi32, #tpu.memory_space<vmem>> -> memref<128xi32, #tpu.memory_space<vmem>>
    %dma_wait3A_674 = arith.constant 0 : i32
    %dma_wait3A_675 = tpu.memref_slice %arg19[%dma_wait3A_674] : memref<8704xi32, #tpu.memory_space<vmem_shared>> -> memref<8704xi32, #tpu.memory_space<vmem_shared>>
    tpu.wait_indirect_dma semaphore(%arg30 : memref<!tpu.dma_semaphore, #tpu.memory_space<semaphore_mem>>) src(%dma_wait3A_670 : memref<128xi32, #tpu.memory_space<vmem>>) dst(%dma_wait3A_675 : memref<8704xi32, #tpu.memory_space<vmem_shared>>)
    %dma_wait3A_676 = arith.constant 29 : i32
    %dma_wait3A_677 = arith.constant 3712 : i32
    %dma_wait3A_678 = tpu.memref_slice %arg18[%dma_wait3A_677] : memref<5120xi32, #tpu.memory_space<vmem>> -> memref<128xi32, #tpu.memory_space<vmem>>
    %dma_wait3A_679 = arith.constant 0 : i32
    %dma_wait3A_680 = tpu.memref_slice %arg17[%dma_wait3A_676, %dma_wait3A_679] : memref<40x128xi32, #tpu.memory_space<vmem>> -> memref<1x128xi32, #tpu.memory_space<vmem>>
    %dma_wait3A_681 = tpu.memref_squeeze %dma_wait3A_680 : memref<1x128xi32, #tpu.memory_space<vmem>> -> memref<128xi32, #tpu.memory_space<vmem>>
    %dma_wait3A_682 = arith.constant 0 : i32
    %dma_wait3A_683 = tpu.memref_slice %arg19[%dma_wait3A_682] : memref<8704xi32, #tpu.memory_space<vmem_shared>> -> memref<8704xi32, #tpu.memory_space<vmem_shared>>
    tpu.wait_indirect_dma semaphore(%arg30 : memref<!tpu.dma_semaphore, #tpu.memory_space<semaphore_mem>>) src(%dma_wait3A_678 : memref<128xi32, #tpu.memory_space<vmem>>) dst(%dma_wait3A_683 : memref<8704xi32, #tpu.memory_space<vmem_shared>>)
    %dma_wait3A_684 = arith.constant 30 : i32
    %dma_wait3A_685 = arith.constant 3840 : i32
    %dma_wait3A_686 = tpu.memref_slice %arg18[%dma_wait3A_685] : memref<5120xi32, #tpu.memory_space<vmem>> -> memref<128xi32, #tpu.memory_space<vmem>>
    %dma_wait3A_687 = arith.constant 0 : i32
    %dma_wait3A_688 = tpu.memref_slice %arg17[%dma_wait3A_684, %dma_wait3A_687] : memref<40x128xi32, #tpu.memory_space<vmem>> -> memref<1x128xi32, #tpu.memory_space<vmem>>
    %dma_wait3A_689 = tpu.memref_squeeze %dma_wait3A_688 : memref<1x128xi32, #tpu.memory_space<vmem>> -> memref<128xi32, #tpu.memory_space<vmem>>
    %dma_wait3A_690 = arith.constant 0 : i32
    %dma_wait3A_691 = tpu.memref_slice %arg19[%dma_wait3A_690] : memref<8704xi32, #tpu.memory_space<vmem_shared>> -> memref<8704xi32, #tpu.memory_space<vmem_shared>>
    tpu.wait_indirect_dma semaphore(%arg30 : memref<!tpu.dma_semaphore, #tpu.memory_space<semaphore_mem>>) src(%dma_wait3A_686 : memref<128xi32, #tpu.memory_space<vmem>>) dst(%dma_wait3A_691 : memref<8704xi32, #tpu.memory_space<vmem_shared>>)
    %dma_wait3A_692 = arith.constant 31 : i32
    %dma_wait3A_693 = arith.constant 3968 : i32
    %dma_wait3A_694 = tpu.memref_slice %arg18[%dma_wait3A_693] : memref<5120xi32, #tpu.memory_space<vmem>> -> memref<128xi32, #tpu.memory_space<vmem>>
    %dma_wait3A_695 = arith.constant 0 : i32
    %dma_wait3A_696 = tpu.memref_slice %arg17[%dma_wait3A_692, %dma_wait3A_695] : memref<40x128xi32, #tpu.memory_space<vmem>> -> memref<1x128xi32, #tpu.memory_space<vmem>>
    %dma_wait3A_697 = tpu.memref_squeeze %dma_wait3A_696 : memref<1x128xi32, #tpu.memory_space<vmem>> -> memref<128xi32, #tpu.memory_space<vmem>>
    %dma_wait3A_698 = arith.constant 0 : i32
    %dma_wait3A_699 = tpu.memref_slice %arg19[%dma_wait3A_698] : memref<8704xi32, #tpu.memory_space<vmem_shared>> -> memref<8704xi32, #tpu.memory_space<vmem_shared>>
    tpu.wait_indirect_dma semaphore(%arg30 : memref<!tpu.dma_semaphore, #tpu.memory_space<semaphore_mem>>) src(%dma_wait3A_694 : memref<128xi32, #tpu.memory_space<vmem>>) dst(%dma_wait3A_699 : memref<8704xi32, #tpu.memory_space<vmem_shared>>)
    %dma_wait3A_700 = arith.constant 32 : i32
    %dma_wait3A_701 = arith.constant 4096 : i32
    %dma_wait3A_702 = tpu.memref_slice %arg18[%dma_wait3A_701] : memref<5120xi32, #tpu.memory_space<vmem>> -> memref<128xi32, #tpu.memory_space<vmem>>
    %dma_wait3A_703 = arith.constant 0 : i32
    %dma_wait3A_704 = tpu.memref_slice %arg17[%dma_wait3A_700, %dma_wait3A_703] : memref<40x128xi32, #tpu.memory_space<vmem>> -> memref<1x128xi32, #tpu.memory_space<vmem>>
    %dma_wait3A_705 = tpu.memref_squeeze %dma_wait3A_704 : memref<1x128xi32, #tpu.memory_space<vmem>> -> memref<128xi32, #tpu.memory_space<vmem>>
    %dma_wait3A_706 = arith.constant 0 : i32
    %dma_wait3A_707 = tpu.memref_slice %arg19[%dma_wait3A_706] : memref<8704xi32, #tpu.memory_space<vmem_shared>> -> memref<8704xi32, #tpu.memory_space<vmem_shared>>
    tpu.wait_indirect_dma semaphore(%arg30 : memref<!tpu.dma_semaphore, #tpu.memory_space<semaphore_mem>>) src(%dma_wait3A_702 : memref<128xi32, #tpu.memory_space<vmem>>) dst(%dma_wait3A_707 : memref<8704xi32, #tpu.memory_space<vmem_shared>>)
    %dma_wait3A_708 = arith.constant 33 : i32
    %dma_wait3A_709 = arith.constant 4224 : i32
    %dma_wait3A_710 = tpu.memref_slice %arg18[%dma_wait3A_709] : memref<5120xi32, #tpu.memory_space<vmem>> -> memref<128xi32, #tpu.memory_space<vmem>>
    %dma_wait3A_711 = arith.constant 0 : i32
    %dma_wait3A_712 = tpu.memref_slice %arg17[%dma_wait3A_708, %dma_wait3A_711] : memref<40x128xi32, #tpu.memory_space<vmem>> -> memref<1x128xi32, #tpu.memory_space<vmem>>
    %dma_wait3A_713 = tpu.memref_squeeze %dma_wait3A_712 : memref<1x128xi32, #tpu.memory_space<vmem>> -> memref<128xi32, #tpu.memory_space<vmem>>
    %dma_wait3A_714 = arith.constant 0 : i32
    %dma_wait3A_715 = tpu.memref_slice %arg19[%dma_wait3A_714] : memref<8704xi32, #tpu.memory_space<vmem_shared>> -> memref<8704xi32, #tpu.memory_space<vmem_shared>>
    tpu.wait_indirect_dma semaphore(%arg30 : memref<!tpu.dma_semaphore, #tpu.memory_space<semaphore_mem>>) src(%dma_wait3A_710 : memref<128xi32, #tpu.memory_space<vmem>>) dst(%dma_wait3A_715 : memref<8704xi32, #tpu.memory_space<vmem_shared>>)
    %dma_wait3A_716 = arith.constant 34 : i32
    %dma_wait3A_717 = arith.constant 4352 : i32
    %dma_wait3A_718 = tpu.memref_slice %arg18[%dma_wait3A_717] : memref<5120xi32, #tpu.memory_space<vmem>> -> memref<128xi32, #tpu.memory_space<vmem>>
    %dma_wait3A_719 = arith.constant 0 : i32
    %dma_wait3A_720 = tpu.memref_slice %arg17[%dma_wait3A_716, %dma_wait3A_719] : memref<40x128xi32, #tpu.memory_space<vmem>> -> memref<1x128xi32, #tpu.memory_space<vmem>>
    %dma_wait3A_721 = tpu.memref_squeeze %dma_wait3A_720 : memref<1x128xi32, #tpu.memory_space<vmem>> -> memref<128xi32, #tpu.memory_space<vmem>>
    %dma_wait3A_722 = arith.constant 0 : i32
    %dma_wait3A_723 = tpu.memref_slice %arg19[%dma_wait3A_722] : memref<8704xi32, #tpu.memory_space<vmem_shared>> -> memref<8704xi32, #tpu.memory_space<vmem_shared>>
    tpu.wait_indirect_dma semaphore(%arg30 : memref<!tpu.dma_semaphore, #tpu.memory_space<semaphore_mem>>) src(%dma_wait3A_718 : memref<128xi32, #tpu.memory_space<vmem>>) dst(%dma_wait3A_723 : memref<8704xi32, #tpu.memory_space<vmem_shared>>)
    %dma_wait3A_724 = arith.constant 35 : i32
    %dma_wait3A_725 = arith.constant 4480 : i32
    %dma_wait3A_726 = tpu.memref_slice %arg18[%dma_wait3A_725] : memref<5120xi32, #tpu.memory_space<vmem>> -> memref<128xi32, #tpu.memory_space<vmem>>
    %dma_wait3A_727 = arith.constant 0 : i32
    %dma_wait3A_728 = tpu.memref_slice %arg17[%dma_wait3A_724, %dma_wait3A_727] : memref<40x128xi32, #tpu.memory_space<vmem>> -> memref<1x128xi32, #tpu.memory_space<vmem>>
    %dma_wait3A_729 = tpu.memref_squeeze %dma_wait3A_728 : memref<1x128xi32, #tpu.memory_space<vmem>> -> memref<128xi32, #tpu.memory_space<vmem>>
    %dma_wait3A_730 = arith.constant 0 : i32
    %dma_wait3A_731 = tpu.memref_slice %arg19[%dma_wait3A_730] : memref<8704xi32, #tpu.memory_space<vmem_shared>> -> memref<8704xi32, #tpu.memory_space<vmem_shared>>
    tpu.wait_indirect_dma semaphore(%arg30 : memref<!tpu.dma_semaphore, #tpu.memory_space<semaphore_mem>>) src(%dma_wait3A_726 : memref<128xi32, #tpu.memory_space<vmem>>) dst(%dma_wait3A_731 : memref<8704xi32, #tpu.memory_space<vmem_shared>>)
    %dma_wait3A_732 = arith.constant 36 : i32
    %dma_wait3A_733 = arith.constant 4608 : i32
    %dma_wait3A_734 = tpu.memref_slice %arg18[%dma_wait3A_733] : memref<5120xi32, #tpu.memory_space<vmem>> -> memref<128xi32, #tpu.memory_space<vmem>>
    %dma_wait3A_735 = arith.constant 0 : i32
    %dma_wait3A_736 = tpu.memref_slice %arg17[%dma_wait3A_732, %dma_wait3A_735] : memref<40x128xi32, #tpu.memory_space<vmem>> -> memref<1x128xi32, #tpu.memory_space<vmem>>
    %dma_wait3A_737 = tpu.memref_squeeze %dma_wait3A_736 : memref<1x128xi32, #tpu.memory_space<vmem>> -> memref<128xi32, #tpu.memory_space<vmem>>
    %dma_wait3A_738 = arith.constant 0 : i32
    %dma_wait3A_739 = tpu.memref_slice %arg19[%dma_wait3A_738] : memref<8704xi32, #tpu.memory_space<vmem_shared>> -> memref<8704xi32, #tpu.memory_space<vmem_shared>>
    tpu.wait_indirect_dma semaphore(%arg30 : memref<!tpu.dma_semaphore, #tpu.memory_space<semaphore_mem>>) src(%dma_wait3A_734 : memref<128xi32, #tpu.memory_space<vmem>>) dst(%dma_wait3A_739 : memref<8704xi32, #tpu.memory_space<vmem_shared>>)
    %dma_wait3A_740 = arith.constant 37 : i32
    %dma_wait3A_741 = arith.constant 4736 : i32
    %dma_wait3A_742 = tpu.memref_slice %arg18[%dma_wait3A_741] : memref<5120xi32, #tpu.memory_space<vmem>> -> memref<128xi32, #tpu.memory_space<vmem>>
    %dma_wait3A_743 = arith.constant 0 : i32
    %dma_wait3A_744 = tpu.memref_slice %arg17[%dma_wait3A_740, %dma_wait3A_743] : memref<40x128xi32, #tpu.memory_space<vmem>> -> memref<1x128xi32, #tpu.memory_space<vmem>>
    %dma_wait3A_745 = tpu.memref_squeeze %dma_wait3A_744 : memref<1x128xi32, #tpu.memory_space<vmem>> -> memref<128xi32, #tpu.memory_space<vmem>>
    %dma_wait3A_746 = arith.constant 0 : i32
    %dma_wait3A_747 = tpu.memref_slice %arg19[%dma_wait3A_746] : memref<8704xi32, #tpu.memory_space<vmem_shared>> -> memref<8704xi32, #tpu.memory_space<vmem_shared>>
    tpu.wait_indirect_dma semaphore(%arg30 : memref<!tpu.dma_semaphore, #tpu.memory_space<semaphore_mem>>) src(%dma_wait3A_742 : memref<128xi32, #tpu.memory_space<vmem>>) dst(%dma_wait3A_747 : memref<8704xi32, #tpu.memory_space<vmem_shared>>)
    %dma_wait3A_748 = arith.constant 38 : i32
    %dma_wait3A_749 = arith.constant 4864 : i32
    %dma_wait3A_750 = tpu.memref_slice %arg18[%dma_wait3A_749] : memref<5120xi32, #tpu.memory_space<vmem>> -> memref<128xi32, #tpu.memory_space<vmem>>
    %dma_wait3A_751 = arith.constant 0 : i32
    %dma_wait3A_752 = tpu.memref_slice %arg17[%dma_wait3A_748, %dma_wait3A_751] : memref<40x128xi32, #tpu.memory_space<vmem>> -> memref<1x128xi32, #tpu.memory_space<vmem>>
    %dma_wait3A_753 = tpu.memref_squeeze %dma_wait3A_752 : memref<1x128xi32, #tpu.memory_space<vmem>> -> memref<128xi32, #tpu.memory_space<vmem>>
    %dma_wait3A_754 = arith.constant 0 : i32
    %dma_wait3A_755 = tpu.memref_slice %arg19[%dma_wait3A_754] : memref<8704xi32, #tpu.memory_space<vmem_shared>> -> memref<8704xi32, #tpu.memory_space<vmem_shared>>
    tpu.wait_indirect_dma semaphore(%arg30 : memref<!tpu.dma_semaphore, #tpu.memory_space<semaphore_mem>>) src(%dma_wait3A_750 : memref<128xi32, #tpu.memory_space<vmem>>) dst(%dma_wait3A_755 : memref<8704xi32, #tpu.memory_space<vmem_shared>>)
    %dma_wait3A_756 = arith.constant 39 : i32
    %dma_wait3A_757 = arith.constant 4992 : i32
    %dma_wait3A_758 = tpu.memref_slice %arg18[%dma_wait3A_757] : memref<5120xi32, #tpu.memory_space<vmem>> -> memref<128xi32, #tpu.memory_space<vmem>>
    %dma_wait3A_759 = arith.constant 0 : i32
    %dma_wait3A_760 = tpu.memref_slice %arg17[%dma_wait3A_756, %dma_wait3A_759] : memref<40x128xi32, #tpu.memory_space<vmem>> -> memref<1x128xi32, #tpu.memory_space<vmem>>
    %dma_wait3A_761 = tpu.memref_squeeze %dma_wait3A_760 : memref<1x128xi32, #tpu.memory_space<vmem>> -> memref<128xi32, #tpu.memory_space<vmem>>
    %dma_wait3A_762 = arith.constant 0 : i32
    %dma_wait3A_763 = tpu.memref_slice %arg19[%dma_wait3A_762] : memref<8704xi32, #tpu.memory_space<vmem_shared>> -> memref<8704xi32, #tpu.memory_space<vmem_shared>>
    tpu.wait_indirect_dma semaphore(%arg30 : memref<!tpu.dma_semaphore, #tpu.memory_space<semaphore_mem>>) src(%dma_wait3A_758 : memref<128xi32, #tpu.memory_space<vmem>>) dst(%dma_wait3A_763 : memref<8704xi32, #tpu.memory_space<vmem_shared>>)
    "tpu.region"() ({
      %run_scoped3A = tpu.sem_alloc : memref<!tpu.dma_semaphore, #tpu.memory_space<semaphore_mem>>
      %dma_start3A_1100 = arith.constant 0 : i32
      %dma_start3A_1101 = tpu.memref_slice %arg20[%dma_start3A_1100] : memref<272xi32, #tpu.memory_space<vmem>> -> memref<256xi32, #tpu.memory_space<vmem>>
      %dma_start3A_1102 = tpu.memref_slice %arg19[%mul3A_37] : memref<8704xi32, #tpu.memory_space<vmem_shared>> -> memref<256xi32, #tpu.memory_space<vmem_shared>>
      %dma_start3A_1103 = arith.constant 0 : i32
      %dma_start3A_1104 = tpu.memref_slice %arg20[%dma_start3A_1103] : memref<272xi32, #tpu.memory_space<vmem>> -> memref<256xi32, #tpu.memory_space<vmem>>
      %dma_start3A_1105 = tpu.memref_slice %arg19[%mul3A_37] : memref<8704xi32, #tpu.memory_space<vmem_shared>> -> memref<256xi32, #tpu.memory_space<vmem_shared>>
      tpu.enqueue_dma source(%dma_start3A_1105 : memref<256xi32, #tpu.memory_space<vmem_shared>>) target(%dma_start3A_1104 : memref<256xi32, #tpu.memory_space<vmem>>) target_semaphore(%run_scoped3A : memref<!tpu.dma_semaphore, #tpu.memory_space<semaphore_mem>>)
      %dma_wait3A_1106 = arith.constant 0 : i32
      %dma_wait3A_1107 = tpu.memref_slice %arg20[%dma_wait3A_1106] : memref<272xi32, #tpu.memory_space<vmem>> -> memref<256xi32, #tpu.memory_space<vmem>>
      %dma_wait3A_1108 = tpu.memref_slice %arg19[%mul3A_37] : memref<8704xi32, #tpu.memory_space<vmem_shared>> -> memref<256xi32, #tpu.memory_space<vmem_shared>>
      %dma_wait3A_1109 = arith.constant 0 : i32
      %dma_wait3A_1110 = tpu.memref_slice %arg20[%dma_wait3A_1109] : memref<272xi32, #tpu.memory_space<vmem>> -> memref<256xi32, #tpu.memory_space<vmem>>
      %dma_wait3A_1111 = tpu.memref_slice %arg19[%mul3A_37] : memref<8704xi32, #tpu.memory_space<vmem_shared>> -> memref<256xi32, #tpu.memory_space<vmem_shared>>
      tpu.wait_dma2 semaphore(%run_scoped3A : memref<!tpu.dma_semaphore, #tpu.memory_space<semaphore_mem>>) src(%dma_wait3A_1111 : memref<256xi32, #tpu.memory_space<vmem_shared>>) dst(%dma_wait3A_1110 : memref<256xi32, #tpu.memory_space<vmem>>)
      tpu.yield
    }) : () -> ()
    %get3A_764 = arith.constant 0 : index
    %get3A_765 = tpu.vector_load %arg20[%get3A_764] {strides = array<i32>} : memref<272xi32, #tpu.memory_space<vmem>>, vector<16xi32>,
    %get3A_766 = vector.shape_cast %get3A_765 : vector<16xi32> to vector<16xi32>
    %swap3A_767 = arith.constant 0 : i32
    %swap3A_768 = arith.index_cast %swap3A_767 : i32 to index
    %swap3A_769 = arith.constant 0 : index
    %swap3A_770 = tpu.vector_load %arg21[%swap3A_768, %swap3A_769] {strides = array<i32>} : memref<2x128xi32, #tpu.memory_space<vmem>>, vector<1x16xi32>,
    %swap3A_771 = vector.shape_cast %swap3A_770 : vector<1x16xi32> to vector<16xi32>
    %swap3A_772 = vector.shape_cast %get3A_766 : vector<16xi32> to vector<1x16xi32>
    tpu.vector_store %arg21[%swap3A_768, %swap3A_769], %swap3A_772 {strides = array<i32>} : memref<2x128xi32, #tpu.memory_space<vmem>>, vector<1x16xi32>,
    %get3A_773 = arith.constant 16 : index
    %get3A_774 = tpu.vector_load %arg20[%get3A_773] {strides = array<i32>} : memref<272xi32, #tpu.memory_space<vmem>>, vector<16xi32>,
    %get3A_775 = vector.shape_cast %get3A_774 : vector<16xi32> to vector<16xi32>
    %swap3A_776 = arith.constant 0 : i32
    %swap3A_777 = arith.index_cast %swap3A_776 : i32 to index
    %swap3A_778 = arith.constant 16 : index
    %swap3A_779 = tpu.vector_load %arg21[%swap3A_777, %swap3A_778] {strides = array<i32>} : memref<2x128xi32, #tpu.memory_space<vmem>>, vector<1x16xi32>,
    %swap3A_780 = vector.shape_cast %swap3A_779 : vector<1x16xi32> to vector<16xi32>
    %swap3A_781 = vector.shape_cast %get3A_775 : vector<16xi32> to vector<1x16xi32>
    tpu.vector_store %arg21[%swap3A_777, %swap3A_778], %swap3A_781 {strides = array<i32>} : memref<2x128xi32, #tpu.memory_space<vmem>>, vector<1x16xi32>,
    %get3A_782 = arith.constant 32 : index
    %get3A_783 = tpu.vector_load %arg20[%get3A_782] {strides = array<i32>} : memref<272xi32, #tpu.memory_space<vmem>>, vector<16xi32>,
    %get3A_784 = vector.shape_cast %get3A_783 : vector<16xi32> to vector<16xi32>
    %swap3A_785 = arith.constant 0 : i32
    %swap3A_786 = arith.index_cast %swap3A_785 : i32 to index
    %swap3A_787 = arith.constant 32 : index
    %swap3A_788 = tpu.vector_load %arg21[%swap3A_786, %swap3A_787] {strides = array<i32>} : memref<2x128xi32, #tpu.memory_space<vmem>>, vector<1x16xi32>,
    %swap3A_789 = vector.shape_cast %swap3A_788 : vector<1x16xi32> to vector<16xi32>
    %swap3A_790 = vector.shape_cast %get3A_784 : vector<16xi32> to vector<1x16xi32>
    tpu.vector_store %arg21[%swap3A_786, %swap3A_787], %swap3A_790 {strides = array<i32>} : memref<2x128xi32, #tpu.memory_space<vmem>>, vector<1x16xi32>,
    %get3A_791 = arith.constant 48 : index
    %get3A_792 = tpu.vector_load %arg20[%get3A_791] {strides = array<i32>} : memref<272xi32, #tpu.memory_space<vmem>>, vector<16xi32>,
    %get3A_793 = vector.shape_cast %get3A_792 : vector<16xi32> to vector<16xi32>
    %swap3A_794 = arith.constant 0 : i32
    %swap3A_795 = arith.index_cast %swap3A_794 : i32 to index
    %swap3A_796 = arith.constant 48 : index
    %swap3A_797 = tpu.vector_load %arg21[%swap3A_795, %swap3A_796] {strides = array<i32>} : memref<2x128xi32, #tpu.memory_space<vmem>>, vector<1x16xi32>,
    %swap3A_798 = vector.shape_cast %swap3A_797 : vector<1x16xi32> to vector<16xi32>
    %swap3A_799 = vector.shape_cast %get3A_793 : vector<16xi32> to vector<1x16xi32>
    tpu.vector_store %arg21[%swap3A_795, %swap3A_796], %swap3A_799 {strides = array<i32>} : memref<2x128xi32, #tpu.memory_space<vmem>>, vector<1x16xi32>,
    %get3A_800 = arith.constant 64 : index
    %get3A_801 = tpu.vector_load %arg20[%get3A_800] {strides = array<i32>} : memref<272xi32, #tpu.memory_space<vmem>>, vector<16xi32>,
    %get3A_802 = vector.shape_cast %get3A_801 : vector<16xi32> to vector<16xi32>
    %swap3A_803 = arith.constant 0 : i32
    %swap3A_804 = arith.index_cast %swap3A_803 : i32 to index
    %swap3A_805 = arith.constant 64 : index
    %swap3A_806 = tpu.vector_load %arg21[%swap3A_804, %swap3A_805] {strides = array<i32>} : memref<2x128xi32, #tpu.memory_space<vmem>>, vector<1x16xi32>,
    %swap3A_807 = vector.shape_cast %swap3A_806 : vector<1x16xi32> to vector<16xi32>
    %swap3A_808 = vector.shape_cast %get3A_802 : vector<16xi32> to vector<1x16xi32>
    tpu.vector_store %arg21[%swap3A_804, %swap3A_805], %swap3A_808 {strides = array<i32>} : memref<2x128xi32, #tpu.memory_space<vmem>>, vector<1x16xi32>,
    %get3A_809 = arith.constant 80 : index
    %get3A_810 = tpu.vector_load %arg20[%get3A_809] {strides = array<i32>} : memref<272xi32, #tpu.memory_space<vmem>>, vector<16xi32>,
    %get3A_811 = vector.shape_cast %get3A_810 : vector<16xi32> to vector<16xi32>
    %swap3A_812 = arith.constant 0 : i32
    %swap3A_813 = arith.index_cast %swap3A_812 : i32 to index
    %swap3A_814 = arith.constant 80 : index
    %swap3A_815 = tpu.vector_load %arg21[%swap3A_813, %swap3A_814] {strides = array<i32>} : memref<2x128xi32, #tpu.memory_space<vmem>>, vector<1x16xi32>,
    %swap3A_816 = vector.shape_cast %swap3A_815 : vector<1x16xi32> to vector<16xi32>
    %swap3A_817 = vector.shape_cast %get3A_811 : vector<16xi32> to vector<1x16xi32>
    tpu.vector_store %arg21[%swap3A_813, %swap3A_814], %swap3A_817 {strides = array<i32>} : memref<2x128xi32, #tpu.memory_space<vmem>>, vector<1x16xi32>,
    %get3A_818 = arith.constant 96 : index
    %get3A_819 = tpu.vector_load %arg20[%get3A_818] {strides = array<i32>} : memref<272xi32, #tpu.memory_space<vmem>>, vector<16xi32>,
    %get3A_820 = vector.shape_cast %get3A_819 : vector<16xi32> to vector<16xi32>
    %swap3A_821 = arith.constant 0 : i32
    %swap3A_822 = arith.index_cast %swap3A_821 : i32 to index
    %swap3A_823 = arith.constant 96 : index
    %swap3A_824 = tpu.vector_load %arg21[%swap3A_822, %swap3A_823] {strides = array<i32>} : memref<2x128xi32, #tpu.memory_space<vmem>>, vector<1x16xi32>,
    %swap3A_825 = vector.shape_cast %swap3A_824 : vector<1x16xi32> to vector<16xi32>
    %swap3A_826 = vector.shape_cast %get3A_820 : vector<16xi32> to vector<1x16xi32>
    tpu.vector_store %arg21[%swap3A_822, %swap3A_823], %swap3A_826 {strides = array<i32>} : memref<2x128xi32, #tpu.memory_space<vmem>>, vector<1x16xi32>,
    %get3A_827 = arith.constant 112 : index
    %get3A_828 = tpu.vector_load %arg20[%get3A_827] {strides = array<i32>} : memref<272xi32, #tpu.memory_space<vmem>>, vector<16xi32>,
    %get3A_829 = vector.shape_cast %get3A_828 : vector<16xi32> to vector<16xi32>
    %swap3A_830 = arith.constant 0 : i32
    %swap3A_831 = arith.index_cast %swap3A_830 : i32 to index
    %swap3A_832 = arith.constant 112 : index
    %swap3A_833 = tpu.vector_load %arg21[%swap3A_831, %swap3A_832] {strides = array<i32>} : memref<2x128xi32, #tpu.memory_space<vmem>>, vector<1x16xi32>,
    %swap3A_834 = vector.shape_cast %swap3A_833 : vector<1x16xi32> to vector<16xi32>
    %swap3A_835 = vector.shape_cast %get3A_829 : vector<16xi32> to vector<1x16xi32>
    tpu.vector_store %arg21[%swap3A_831, %swap3A_832], %swap3A_835 {strides = array<i32>} : memref<2x128xi32, #tpu.memory_space<vmem>>, vector<1x16xi32>,
    %get3A_836 = arith.constant 128 : index
    %get3A_837 = tpu.vector_load %arg20[%get3A_836] {strides = array<i32>} : memref<272xi32, #tpu.memory_space<vmem>>, vector<16xi32>,
    %get3A_838 = vector.shape_cast %get3A_837 : vector<16xi32> to vector<16xi32>
    %swap3A_839 = arith.constant 1 : i32
    %swap3A_840 = arith.index_cast %swap3A_839 : i32 to index
    %swap3A_841 = arith.constant 0 : index
    %swap3A_842 = tpu.vector_load %arg21[%swap3A_840, %swap3A_841] {strides = array<i32>} : memref<2x128xi32, #tpu.memory_space<vmem>>, vector<1x16xi32>,
    %swap3A_843 = vector.shape_cast %swap3A_842 : vector<1x16xi32> to vector<16xi32>
    %swap3A_844 = vector.shape_cast %get3A_838 : vector<16xi32> to vector<1x16xi32>
    tpu.vector_store %arg21[%swap3A_840, %swap3A_841], %swap3A_844 {strides = array<i32>} : memref<2x128xi32, #tpu.memory_space<vmem>>, vector<1x16xi32>,
    %get3A_845 = arith.constant 144 : index
    %get3A_846 = tpu.vector_load %arg20[%get3A_845] {strides = array<i32>} : memref<272xi32, #tpu.memory_space<vmem>>, vector<16xi32>,
    %get3A_847 = vector.shape_cast %get3A_846 : vector<16xi32> to vector<16xi32>
    %swap3A_848 = arith.constant 1 : i32
    %swap3A_849 = arith.index_cast %swap3A_848 : i32 to index
    %swap3A_850 = arith.constant 16 : index
    %swap3A_851 = tpu.vector_load %arg21[%swap3A_849, %swap3A_850] {strides = array<i32>} : memref<2x128xi32, #tpu.memory_space<vmem>>, vector<1x16xi32>,
    %swap3A_852 = vector.shape_cast %swap3A_851 : vector<1x16xi32> to vector<16xi32>
    %swap3A_853 = vector.shape_cast %get3A_847 : vector<16xi32> to vector<1x16xi32>
    tpu.vector_store %arg21[%swap3A_849, %swap3A_850], %swap3A_853 {strides = array<i32>} : memref<2x128xi32, #tpu.memory_space<vmem>>, vector<1x16xi32>,
    %get3A_854 = arith.constant 160 : index
    %get3A_855 = tpu.vector_load %arg20[%get3A_854] {strides = array<i32>} : memref<272xi32, #tpu.memory_space<vmem>>, vector<16xi32>,
    %get3A_856 = vector.shape_cast %get3A_855 : vector<16xi32> to vector<16xi32>
    %swap3A_857 = arith.constant 1 : i32
    %swap3A_858 = arith.index_cast %swap3A_857 : i32 to index
    %swap3A_859 = arith.constant 32 : index
    %swap3A_860 = tpu.vector_load %arg21[%swap3A_858, %swap3A_859] {strides = array<i32>} : memref<2x128xi32, #tpu.memory_space<vmem>>, vector<1x16xi32>,
    %swap3A_861 = vector.shape_cast %swap3A_860 : vector<1x16xi32> to vector<16xi32>
    %swap3A_862 = vector.shape_cast %get3A_856 : vector<16xi32> to vector<1x16xi32>
    tpu.vector_store %arg21[%swap3A_858, %swap3A_859], %swap3A_862 {strides = array<i32>} : memref<2x128xi32, #tpu.memory_space<vmem>>, vector<1x16xi32>,
    %get3A_863 = arith.constant 176 : index
    %get3A_864 = tpu.vector_load %arg20[%get3A_863] {strides = array<i32>} : memref<272xi32, #tpu.memory_space<vmem>>, vector<16xi32>,
    %get3A_865 = vector.shape_cast %get3A_864 : vector<16xi32> to vector<16xi32>
    %swap3A_866 = arith.constant 1 : i32
    %swap3A_867 = arith.index_cast %swap3A_866 : i32 to index
    %swap3A_868 = arith.constant 48 : index
    %swap3A_869 = tpu.vector_load %arg21[%swap3A_867, %swap3A_868] {strides = array<i32>} : memref<2x128xi32, #tpu.memory_space<vmem>>, vector<1x16xi32>,
    %swap3A_870 = vector.shape_cast %swap3A_869 : vector<1x16xi32> to vector<16xi32>
    %swap3A_871 = vector.shape_cast %get3A_865 : vector<16xi32> to vector<1x16xi32>
    tpu.vector_store %arg21[%swap3A_867, %swap3A_868], %swap3A_871 {strides = array<i32>} : memref<2x128xi32, #tpu.memory_space<vmem>>, vector<1x16xi32>,
    %get3A_872 = arith.constant 192 : index
    %get3A_873 = tpu.vector_load %arg20[%get3A_872] {strides = array<i32>} : memref<272xi32, #tpu.memory_space<vmem>>, vector<16xi32>,
    %get3A_874 = vector.shape_cast %get3A_873 : vector<16xi32> to vector<16xi32>
    %swap3A_875 = arith.constant 1 : i32
    %swap3A_876 = arith.index_cast %swap3A_875 : i32 to index
    %swap3A_877 = arith.constant 64 : index
    %swap3A_878 = tpu.vector_load %arg21[%swap3A_876, %swap3A_877] {strides = array<i32>} : memref<2x128xi32, #tpu.memory_space<vmem>>, vector<1x16xi32>,
    %swap3A_879 = vector.shape_cast %swap3A_878 : vector<1x16xi32> to vector<16xi32>
    %swap3A_880 = vector.shape_cast %get3A_874 : vector<16xi32> to vector<1x16xi32>
    tpu.vector_store %arg21[%swap3A_876, %swap3A_877], %swap3A_880 {strides = array<i32>} : memref<2x128xi32, #tpu.memory_space<vmem>>, vector<1x16xi32>,
    %get3A_881 = arith.constant 208 : index
    %get3A_882 = tpu.vector_load %arg20[%get3A_881] {strides = array<i32>} : memref<272xi32, #tpu.memory_space<vmem>>, vector<16xi32>,
    %get3A_883 = vector.shape_cast %get3A_882 : vector<16xi32> to vector<16xi32>
    %swap3A_884 = arith.constant 1 : i32
    %swap3A_885 = arith.index_cast %swap3A_884 : i32 to index
    %swap3A_886 = arith.constant 80 : index
    %swap3A_887 = tpu.vector_load %arg21[%swap3A_885, %swap3A_886] {strides = array<i32>} : memref<2x128xi32, #tpu.memory_space<vmem>>, vector<1x16xi32>,
    %swap3A_888 = vector.shape_cast %swap3A_887 : vector<1x16xi32> to vector<16xi32>
    %swap3A_889 = vector.shape_cast %get3A_883 : vector<16xi32> to vector<1x16xi32>
    tpu.vector_store %arg21[%swap3A_885, %swap3A_886], %swap3A_889 {strides = array<i32>} : memref<2x128xi32, #tpu.memory_space<vmem>>, vector<1x16xi32>,
    %get3A_890 = arith.constant 224 : index
    %get3A_891 = tpu.vector_load %arg20[%get3A_890] {strides = array<i32>} : memref<272xi32, #tpu.memory_space<vmem>>, vector<16xi32>,
    %get3A_892 = vector.shape_cast %get3A_891 : vector<16xi32> to vector<16xi32>
    %swap3A_893 = arith.constant 1 : i32
    %swap3A_894 = arith.index_cast %swap3A_893 : i32 to index
    %swap3A_895 = arith.constant 96 : index
    %swap3A_896 = tpu.vector_load %arg21[%swap3A_894, %swap3A_895] {strides = array<i32>} : memref<2x128xi32, #tpu.memory_space<vmem>>, vector<1x16xi32>,
    %swap3A_897 = vector.shape_cast %swap3A_896 : vector<1x16xi32> to vector<16xi32>
    %swap3A_898 = vector.shape_cast %get3A_892 : vector<16xi32> to vector<1x16xi32>
    tpu.vector_store %arg21[%swap3A_894, %swap3A_895], %swap3A_898 {strides = array<i32>} : memref<2x128xi32, #tpu.memory_space<vmem>>, vector<1x16xi32>,
    %get3A_899 = arith.constant 240 : index
    %get3A_900 = tpu.vector_load %arg20[%get3A_899] {strides = array<i32>} : memref<272xi32, #tpu.memory_space<vmem>>, vector<16xi32>,
    %get3A_901 = vector.shape_cast %get3A_900 : vector<16xi32> to vector<16xi32>
    %swap3A_902 = arith.constant 1 : i32
    %swap3A_903 = arith.index_cast %swap3A_902 : i32 to index
    %swap3A_904 = arith.constant 112 : index
    %swap3A_905 = tpu.vector_load %arg21[%swap3A_903, %swap3A_904] {strides = array<i32>} : memref<2x128xi32, #tpu.memory_space<vmem>>, vector<1x16xi32>,
    %swap3A_906 = vector.shape_cast %swap3A_905 : vector<1x16xi32> to vector<16xi32>
    %swap3A_907 = vector.shape_cast %get3A_901 : vector<16xi32> to vector<1x16xi32>
    tpu.vector_store %arg21[%swap3A_903, %swap3A_904], %swap3A_907 {strides = array<i32>} : memref<2x128xi32, #tpu.memory_space<vmem>>, vector<1x16xi32>,
    %dma_start3A_908 = arith.constant 0 : i32
    %dma_start3A_909 = arith.constant 0 : i32
    %dma_start3A_910 = tpu.memref_slice %arg22[%dma_start3A_909] : memref<256xf32, #tpu.memory_space<vmem>> -> memref<128xf32, #tpu.memory_space<vmem>>
    %dma_start3A_911 = arith.constant 0 : i32
    %dma_start3A_912 = tpu.memref_slice %arg21[%dma_start3A_908, %dma_start3A_911] : memref<2x128xi32, #tpu.memory_space<vmem>> -> memref<1x128xi32, #tpu.memory_space<vmem>>
    %dma_start3A_913 = tpu.memref_squeeze %dma_start3A_912 : memref<1x128xi32, #tpu.memory_space<vmem>> -> memref<128xi32, #tpu.memory_space<vmem>>
    %dma_start3A_914 = arith.constant 0 : i32
    %dma_start3A_915 = tpu.memref_slice %arg2[%dma_start3A_914] : memref<160008xf32, #tpu.memory_space<hbm>> -> memref<160008xf32, #tpu.memory_space<hbm>>
    tpu.enqueue_indirect_dma source(%dma_start3A_915 : memref<160008xf32, #tpu.memory_space<hbm>>) target(%dma_start3A_910 : memref<128xf32, #tpu.memory_space<vmem>>) offsets(%dma_start3A_913 : memref<128xi32, #tpu.memory_space<vmem>>) semaphore(%arg30 : memref<!tpu.dma_semaphore, #tpu.memory_space<semaphore_mem>>)
    %dma_start3A_916 = arith.constant 0 : i32
    %dma_start3A_917 = arith.constant 0 : i32
    %dma_start3A_918 = tpu.memref_slice %arg23[%dma_start3A_917] : memref<256xf32, #tpu.memory_space<vmem>> -> memref<128xf32, #tpu.memory_space<vmem>>
    %dma_start3A_919 = arith.constant 0 : i32
    %dma_start3A_920 = tpu.memref_slice %arg21[%dma_start3A_916, %dma_start3A_919] : memref<2x128xi32, #tpu.memory_space<vmem>> -> memref<1x128xi32, #tpu.memory_space<vmem>>
    %dma_start3A_921 = tpu.memref_squeeze %dma_start3A_920 : memref<1x128xi32, #tpu.memory_space<vmem>> -> memref<128xi32, #tpu.memory_space<vmem>>
    %dma_start3A_922 = arith.constant 0 : i32
    %dma_start3A_923 = tpu.memref_slice %arg3[%dma_start3A_922] : memref<160008xf32, #tpu.memory_space<hbm>> -> memref<160008xf32, #tpu.memory_space<hbm>>
    tpu.enqueue_indirect_dma source(%dma_start3A_923 : memref<160008xf32, #tpu.memory_space<hbm>>) target(%dma_start3A_918 : memref<128xf32, #tpu.memory_space<vmem>>) offsets(%dma_start3A_921 : memref<128xi32, #tpu.memory_space<vmem>>) semaphore(%arg30 : memref<!tpu.dma_semaphore, #tpu.memory_space<semaphore_mem>>)
    %dma_start3A_924 = arith.constant 0 : i32
    %dma_start3A_925 = arith.constant 0 : i32
    %dma_start3A_926 = tpu.memref_slice %arg24[%dma_start3A_925] : memref<256xf32, #tpu.memory_space<vmem>> -> memref<128xf32, #tpu.memory_space<vmem>>
    %dma_start3A_927 = arith.constant 0 : i32
    %dma_start3A_928 = tpu.memref_slice %arg21[%dma_start3A_924, %dma_start3A_927] : memref<2x128xi32, #tpu.memory_space<vmem>> -> memref<1x128xi32, #tpu.memory_space<vmem>>
    %dma_start3A_929 = tpu.memref_squeeze %dma_start3A_928 : memref<1x128xi32, #tpu.memory_space<vmem>> -> memref<128xi32, #tpu.memory_space<vmem>>
    %dma_start3A_930 = arith.constant 0 : i32
    %dma_start3A_931 = tpu.memref_slice %arg4[%dma_start3A_930] : memref<160008xf32, #tpu.memory_space<hbm>> -> memref<160008xf32, #tpu.memory_space<hbm>>
    tpu.enqueue_indirect_dma source(%dma_start3A_931 : memref<160008xf32, #tpu.memory_space<hbm>>) target(%dma_start3A_926 : memref<128xf32, #tpu.memory_space<vmem>>) offsets(%dma_start3A_929 : memref<128xi32, #tpu.memory_space<vmem>>) semaphore(%arg30 : memref<!tpu.dma_semaphore, #tpu.memory_space<semaphore_mem>>)
    %dma_start3A_932 = arith.constant 0 : i32
    %dma_start3A_933 = arith.constant 0 : i32
    %dma_start3A_934 = tpu.memref_slice %arg25[%dma_start3A_933] : memref<256xf32, #tpu.memory_space<vmem>> -> memref<128xf32, #tpu.memory_space<vmem>>
    %dma_start3A_935 = arith.constant 0 : i32
    %dma_start3A_936 = tpu.memref_slice %arg21[%dma_start3A_932, %dma_start3A_935] : memref<2x128xi32, #tpu.memory_space<vmem>> -> memref<1x128xi32, #tpu.memory_space<vmem>>
    %dma_start3A_937 = tpu.memref_squeeze %dma_start3A_936 : memref<1x128xi32, #tpu.memory_space<vmem>> -> memref<128xi32, #tpu.memory_space<vmem>>
    %dma_start3A_938 = arith.constant 0 : i32
    %dma_start3A_939 = tpu.memref_slice %arg5[%dma_start3A_938] : memref<160008xf32, #tpu.memory_space<hbm>> -> memref<160008xf32, #tpu.memory_space<hbm>>
    tpu.enqueue_indirect_dma source(%dma_start3A_939 : memref<160008xf32, #tpu.memory_space<hbm>>) target(%dma_start3A_934 : memref<128xf32, #tpu.memory_space<vmem>>) offsets(%dma_start3A_937 : memref<128xi32, #tpu.memory_space<vmem>>) semaphore(%arg30 : memref<!tpu.dma_semaphore, #tpu.memory_space<semaphore_mem>>)
    %dma_start3A_940 = arith.constant 0 : i32
    %dma_start3A_941 = arith.constant 0 : i32
    %dma_start3A_942 = tpu.memref_slice %arg26[%dma_start3A_941] : memref<256xf32, #tpu.memory_space<vmem>> -> memref<128xf32, #tpu.memory_space<vmem>>
    %dma_start3A_943 = arith.constant 0 : i32
    %dma_start3A_944 = tpu.memref_slice %arg21[%dma_start3A_940, %dma_start3A_943] : memref<2x128xi32, #tpu.memory_space<vmem>> -> memref<1x128xi32, #tpu.memory_space<vmem>>
    %dma_start3A_945 = tpu.memref_squeeze %dma_start3A_944 : memref<1x128xi32, #tpu.memory_space<vmem>> -> memref<128xi32, #tpu.memory_space<vmem>>
    %dma_start3A_946 = arith.constant 0 : i32
    %dma_start3A_947 = tpu.memref_slice %arg6[%dma_start3A_946] : memref<160008xf32, #tpu.memory_space<hbm>> -> memref<160008xf32, #tpu.memory_space<hbm>>
    tpu.enqueue_indirect_dma source(%dma_start3A_947 : memref<160008xf32, #tpu.memory_space<hbm>>) target(%dma_start3A_942 : memref<128xf32, #tpu.memory_space<vmem>>) offsets(%dma_start3A_945 : memref<128xi32, #tpu.memory_space<vmem>>) semaphore(%arg30 : memref<!tpu.dma_semaphore, #tpu.memory_space<semaphore_mem>>)
    %dma_start3A_948 = arith.constant 0 : i32
    %dma_start3A_949 = arith.constant 0 : i32
    %dma_start3A_950 = tpu.memref_slice %arg27[%dma_start3A_949] : memref<256xi32, #tpu.memory_space<vmem>> -> memref<128xi32, #tpu.memory_space<vmem>>
    %dma_start3A_951 = arith.constant 0 : i32
    %dma_start3A_952 = tpu.memref_slice %arg21[%dma_start3A_948, %dma_start3A_951] : memref<2x128xi32, #tpu.memory_space<vmem>> -> memref<1x128xi32, #tpu.memory_space<vmem>>
    %dma_start3A_953 = tpu.memref_squeeze %dma_start3A_952 : memref<1x128xi32, #tpu.memory_space<vmem>> -> memref<128xi32, #tpu.memory_space<vmem>>
    %dma_start3A_954 = arith.constant 0 : i32
    %dma_start3A_955 = tpu.memref_slice %arg7[%dma_start3A_954] : memref<160008xi32, #tpu.memory_space<hbm>> -> memref<160008xi32, #tpu.memory_space<hbm>>
    tpu.enqueue_indirect_dma source(%dma_start3A_955 : memref<160008xi32, #tpu.memory_space<hbm>>) target(%dma_start3A_950 : memref<128xi32, #tpu.memory_space<vmem>>) offsets(%dma_start3A_953 : memref<128xi32, #tpu.memory_space<vmem>>) semaphore(%arg30 : memref<!tpu.dma_semaphore, #tpu.memory_space<semaphore_mem>>)
    %dma_start3A_956 = arith.constant 1 : i32
    %dma_start3A_957 = arith.constant 128 : i32
    %dma_start3A_958 = tpu.memref_slice %arg22[%dma_start3A_957] : memref<256xf32, #tpu.memory_space<vmem>> -> memref<128xf32, #tpu.memory_space<vmem>>
    %dma_start3A_959 = arith.constant 0 : i32
    %dma_start3A_960 = tpu.memref_slice %arg21[%dma_start3A_956, %dma_start3A_959] : memref<2x128xi32, #tpu.memory_space<vmem>> -> memref<1x128xi32, #tpu.memory_space<vmem>>
    %dma_start3A_961 = tpu.memref_squeeze %dma_start3A_960 : memref<1x128xi32, #tpu.memory_space<vmem>> -> memref<128xi32, #tpu.memory_space<vmem>>
    %dma_start3A_962 = arith.constant 0 : i32
    %dma_start3A_963 = tpu.memref_slice %arg2[%dma_start3A_962] : memref<160008xf32, #tpu.memory_space<hbm>> -> memref<160008xf32, #tpu.memory_space<hbm>>
    tpu.enqueue_indirect_dma source(%dma_start3A_963 : memref<160008xf32, #tpu.memory_space<hbm>>) target(%dma_start3A_958 : memref<128xf32, #tpu.memory_space<vmem>>) offsets(%dma_start3A_961 : memref<128xi32, #tpu.memory_space<vmem>>) semaphore(%arg30 : memref<!tpu.dma_semaphore, #tpu.memory_space<semaphore_mem>>)
    %dma_start3A_964 = arith.constant 1 : i32
    %dma_start3A_965 = arith.constant 128 : i32
    %dma_start3A_966 = tpu.memref_slice %arg23[%dma_start3A_965] : memref<256xf32, #tpu.memory_space<vmem>> -> memref<128xf32, #tpu.memory_space<vmem>>
    %dma_start3A_967 = arith.constant 0 : i32
    %dma_start3A_968 = tpu.memref_slice %arg21[%dma_start3A_964, %dma_start3A_967] : memref<2x128xi32, #tpu.memory_space<vmem>> -> memref<1x128xi32, #tpu.memory_space<vmem>>
    %dma_start3A_969 = tpu.memref_squeeze %dma_start3A_968 : memref<1x128xi32, #tpu.memory_space<vmem>> -> memref<128xi32, #tpu.memory_space<vmem>>
    %dma_start3A_970 = arith.constant 0 : i32
    %dma_start3A_971 = tpu.memref_slice %arg3[%dma_start3A_970] : memref<160008xf32, #tpu.memory_space<hbm>> -> memref<160008xf32, #tpu.memory_space<hbm>>
    tpu.enqueue_indirect_dma source(%dma_start3A_971 : memref<160008xf32, #tpu.memory_space<hbm>>) target(%dma_start3A_966 : memref<128xf32, #tpu.memory_space<vmem>>) offsets(%dma_start3A_969 : memref<128xi32, #tpu.memory_space<vmem>>) semaphore(%arg30 : memref<!tpu.dma_semaphore, #tpu.memory_space<semaphore_mem>>)
    %dma_start3A_972 = arith.constant 1 : i32
    %dma_start3A_973 = arith.constant 128 : i32
    %dma_start3A_974 = tpu.memref_slice %arg24[%dma_start3A_973] : memref<256xf32, #tpu.memory_space<vmem>> -> memref<128xf32, #tpu.memory_space<vmem>>
    %dma_start3A_975 = arith.constant 0 : i32
    %dma_start3A_976 = tpu.memref_slice %arg21[%dma_start3A_972, %dma_start3A_975] : memref<2x128xi32, #tpu.memory_space<vmem>> -> memref<1x128xi32, #tpu.memory_space<vmem>>
    %dma_start3A_977 = tpu.memref_squeeze %dma_start3A_976 : memref<1x128xi32, #tpu.memory_space<vmem>> -> memref<128xi32, #tpu.memory_space<vmem>>
    %dma_start3A_978 = arith.constant 0 : i32
    %dma_start3A_979 = tpu.memref_slice %arg4[%dma_start3A_978] : memref<160008xf32, #tpu.memory_space<hbm>> -> memref<160008xf32, #tpu.memory_space<hbm>>
    tpu.enqueue_indirect_dma source(%dma_start3A_979 : memref<160008xf32, #tpu.memory_space<hbm>>) target(%dma_start3A_974 : memref<128xf32, #tpu.memory_space<vmem>>) offsets(%dma_start3A_977 : memref<128xi32, #tpu.memory_space<vmem>>) semaphore(%arg30 : memref<!tpu.dma_semaphore, #tpu.memory_space<semaphore_mem>>)
    %dma_start3A_980 = arith.constant 1 : i32
    %dma_start3A_981 = arith.constant 128 : i32
    %dma_start3A_982 = tpu.memref_slice %arg25[%dma_start3A_981] : memref<256xf32, #tpu.memory_space<vmem>> -> memref<128xf32, #tpu.memory_space<vmem>>
    %dma_start3A_983 = arith.constant 0 : i32
    %dma_start3A_984 = tpu.memref_slice %arg21[%dma_start3A_980, %dma_start3A_983] : memref<2x128xi32, #tpu.memory_space<vmem>> -> memref<1x128xi32, #tpu.memory_space<vmem>>
    %dma_start3A_985 = tpu.memref_squeeze %dma_start3A_984 : memref<1x128xi32, #tpu.memory_space<vmem>> -> memref<128xi32, #tpu.memory_space<vmem>>
    %dma_start3A_986 = arith.constant 0 : i32
    %dma_start3A_987 = tpu.memref_slice %arg5[%dma_start3A_986] : memref<160008xf32, #tpu.memory_space<hbm>> -> memref<160008xf32, #tpu.memory_space<hbm>>
    tpu.enqueue_indirect_dma source(%dma_start3A_987 : memref<160008xf32, #tpu.memory_space<hbm>>) target(%dma_start3A_982 : memref<128xf32, #tpu.memory_space<vmem>>) offsets(%dma_start3A_985 : memref<128xi32, #tpu.memory_space<vmem>>) semaphore(%arg30 : memref<!tpu.dma_semaphore, #tpu.memory_space<semaphore_mem>>)
    %dma_start3A_988 = arith.constant 1 : i32
    %dma_start3A_989 = arith.constant 128 : i32
    %dma_start3A_990 = tpu.memref_slice %arg26[%dma_start3A_989] : memref<256xf32, #tpu.memory_space<vmem>> -> memref<128xf32, #tpu.memory_space<vmem>>
    %dma_start3A_991 = arith.constant 0 : i32
    %dma_start3A_992 = tpu.memref_slice %arg21[%dma_start3A_988, %dma_start3A_991] : memref<2x128xi32, #tpu.memory_space<vmem>> -> memref<1x128xi32, #tpu.memory_space<vmem>>
    %dma_start3A_993 = tpu.memref_squeeze %dma_start3A_992 : memref<1x128xi32, #tpu.memory_space<vmem>> -> memref<128xi32, #tpu.memory_space<vmem>>
    %dma_start3A_994 = arith.constant 0 : i32
    %dma_start3A_995 = tpu.memref_slice %arg6[%dma_start3A_994] : memref<160008xf32, #tpu.memory_space<hbm>> -> memref<160008xf32, #tpu.memory_space<hbm>>
    tpu.enqueue_indirect_dma source(%dma_start3A_995 : memref<160008xf32, #tpu.memory_space<hbm>>) target(%dma_start3A_990 : memref<128xf32, #tpu.memory_space<vmem>>) offsets(%dma_start3A_993 : memref<128xi32, #tpu.memory_space<vmem>>) semaphore(%arg30 : memref<!tpu.dma_semaphore, #tpu.memory_space<semaphore_mem>>)
    %dma_start3A_996 = arith.constant 1 : i32
    %dma_start3A_997 = arith.constant 128 : i32
    %dma_start3A_998 = tpu.memref_slice %arg27[%dma_start3A_997] : memref<256xi32, #tpu.memory_space<vmem>> -> memref<128xi32, #tpu.memory_space<vmem>>
    %dma_start3A_999 = arith.constant 0 : i32
    %dma_start3A_1000 = tpu.memref_slice %arg21[%dma_start3A_996, %dma_start3A_999] : memref<2x128xi32, #tpu.memory_space<vmem>> -> memref<1x128xi32, #tpu.memory_space<vmem>>
    %dma_start3A_1001 = tpu.memref_squeeze %dma_start3A_1000 : memref<1x128xi32, #tpu.memory_space<vmem>> -> memref<128xi32, #tpu.memory_space<vmem>>
    %dma_start3A_1002 = arith.constant 0 : i32
    %dma_start3A_1003 = tpu.memref_slice %arg7[%dma_start3A_1002] : memref<160008xi32, #tpu.memory_space<hbm>> -> memref<160008xi32, #tpu.memory_space<hbm>>
    tpu.enqueue_indirect_dma source(%dma_start3A_1003 : memref<160008xi32, #tpu.memory_space<hbm>>) target(%dma_start3A_998 : memref<128xi32, #tpu.memory_space<vmem>>) offsets(%dma_start3A_1001 : memref<128xi32, #tpu.memory_space<vmem>>) semaphore(%arg30 : memref<!tpu.dma_semaphore, #tpu.memory_space<semaphore_mem>>)
    %dma_wait3A_1004 = arith.constant 0 : i32
    %dma_wait3A_1005 = arith.constant 0 : i32
    %dma_wait3A_1006 = tpu.memref_slice %arg22[%dma_wait3A_1005] : memref<256xf32, #tpu.memory_space<vmem>> -> memref<128xf32, #tpu.memory_space<vmem>>
    %dma_wait3A_1007 = arith.constant 0 : i32
    %dma_wait3A_1008 = tpu.memref_slice %arg21[%dma_wait3A_1004, %dma_wait3A_1007] : memref<2x128xi32, #tpu.memory_space<vmem>> -> memref<1x128xi32, #tpu.memory_space<vmem>>
    %dma_wait3A_1009 = tpu.memref_squeeze %dma_wait3A_1008 : memref<1x128xi32, #tpu.memory_space<vmem>> -> memref<128xi32, #tpu.memory_space<vmem>>
    %dma_wait3A_1010 = arith.constant 0 : i32
    %dma_wait3A_1011 = tpu.memref_slice %arg2[%dma_wait3A_1010] : memref<160008xf32, #tpu.memory_space<hbm>> -> memref<160008xf32, #tpu.memory_space<hbm>>
    tpu.wait_indirect_dma semaphore(%arg30 : memref<!tpu.dma_semaphore, #tpu.memory_space<semaphore_mem>>) src(%dma_wait3A_1011 : memref<160008xf32, #tpu.memory_space<hbm>>) dst(%dma_wait3A_1006 : memref<128xf32, #tpu.memory_space<vmem>>)
    %dma_wait3A_1012 = arith.constant 0 : i32
    %dma_wait3A_1013 = arith.constant 0 : i32
    %dma_wait3A_1014 = tpu.memref_slice %arg23[%dma_wait3A_1013] : memref<256xf32, #tpu.memory_space<vmem>> -> memref<128xf32, #tpu.memory_space<vmem>>
    %dma_wait3A_1015 = arith.constant 0 : i32
    %dma_wait3A_1016 = tpu.memref_slice %arg21[%dma_wait3A_1012, %dma_wait3A_1015] : memref<2x128xi32, #tpu.memory_space<vmem>> -> memref<1x128xi32, #tpu.memory_space<vmem>>
    %dma_wait3A_1017 = tpu.memref_squeeze %dma_wait3A_1016 : memref<1x128xi32, #tpu.memory_space<vmem>> -> memref<128xi32, #tpu.memory_space<vmem>>
    %dma_wait3A_1018 = arith.constant 0 : i32
    %dma_wait3A_1019 = tpu.memref_slice %arg3[%dma_wait3A_1018] : memref<160008xf32, #tpu.memory_space<hbm>> -> memref<160008xf32, #tpu.memory_space<hbm>>
    tpu.wait_indirect_dma semaphore(%arg30 : memref<!tpu.dma_semaphore, #tpu.memory_space<semaphore_mem>>) src(%dma_wait3A_1019 : memref<160008xf32, #tpu.memory_space<hbm>>) dst(%dma_wait3A_1014 : memref<128xf32, #tpu.memory_space<vmem>>)
    %dma_wait3A_1020 = arith.constant 0 : i32
    %dma_wait3A_1021 = arith.constant 0 : i32
    %dma_wait3A_1022 = tpu.memref_slice %arg24[%dma_wait3A_1021] : memref<256xf32, #tpu.memory_space<vmem>> -> memref<128xf32, #tpu.memory_space<vmem>>
    %dma_wait3A_1023 = arith.constant 0 : i32
    %dma_wait3A_1024 = tpu.memref_slice %arg21[%dma_wait3A_1020, %dma_wait3A_1023] : memref<2x128xi32, #tpu.memory_space<vmem>> -> memref<1x128xi32, #tpu.memory_space<vmem>>
    %dma_wait3A_1025 = tpu.memref_squeeze %dma_wait3A_1024 : memref<1x128xi32, #tpu.memory_space<vmem>> -> memref<128xi32, #tpu.memory_space<vmem>>
    %dma_wait3A_1026 = arith.constant 0 : i32
    %dma_wait3A_1027 = tpu.memref_slice %arg4[%dma_wait3A_1026] : memref<160008xf32, #tpu.memory_space<hbm>> -> memref<160008xf32, #tpu.memory_space<hbm>>
    tpu.wait_indirect_dma semaphore(%arg30 : memref<!tpu.dma_semaphore, #tpu.memory_space<semaphore_mem>>) src(%dma_wait3A_1027 : memref<160008xf32, #tpu.memory_space<hbm>>) dst(%dma_wait3A_1022 : memref<128xf32, #tpu.memory_space<vmem>>)
    %dma_wait3A_1028 = arith.constant 0 : i32
    %dma_wait3A_1029 = arith.constant 0 : i32
    %dma_wait3A_1030 = tpu.memref_slice %arg25[%dma_wait3A_1029] : memref<256xf32, #tpu.memory_space<vmem>> -> memref<128xf32, #tpu.memory_space<vmem>>
    %dma_wait3A_1031 = arith.constant 0 : i32
    %dma_wait3A_1032 = tpu.memref_slice %arg21[%dma_wait3A_1028, %dma_wait3A_1031] : memref<2x128xi32, #tpu.memory_space<vmem>> -> memref<1x128xi32, #tpu.memory_space<vmem>>
    %dma_wait3A_1033 = tpu.memref_squeeze %dma_wait3A_1032 : memref<1x128xi32, #tpu.memory_space<vmem>> -> memref<128xi32, #tpu.memory_space<vmem>>
    %dma_wait3A_1034 = arith.constant 0 : i32
    %dma_wait3A_1035 = tpu.memref_slice %arg5[%dma_wait3A_1034] : memref<160008xf32, #tpu.memory_space<hbm>> -> memref<160008xf32, #tpu.memory_space<hbm>>
    tpu.wait_indirect_dma semaphore(%arg30 : memref<!tpu.dma_semaphore, #tpu.memory_space<semaphore_mem>>) src(%dma_wait3A_1035 : memref<160008xf32, #tpu.memory_space<hbm>>) dst(%dma_wait3A_1030 : memref<128xf32, #tpu.memory_space<vmem>>)
    %dma_wait3A_1036 = arith.constant 0 : i32
    %dma_wait3A_1037 = arith.constant 0 : i32
    %dma_wait3A_1038 = tpu.memref_slice %arg26[%dma_wait3A_1037] : memref<256xf32, #tpu.memory_space<vmem>> -> memref<128xf32, #tpu.memory_space<vmem>>
    %dma_wait3A_1039 = arith.constant 0 : i32
    %dma_wait3A_1040 = tpu.memref_slice %arg21[%dma_wait3A_1036, %dma_wait3A_1039] : memref<2x128xi32, #tpu.memory_space<vmem>> -> memref<1x128xi32, #tpu.memory_space<vmem>>
    %dma_wait3A_1041 = tpu.memref_squeeze %dma_wait3A_1040 : memref<1x128xi32, #tpu.memory_space<vmem>> -> memref<128xi32, #tpu.memory_space<vmem>>
    %dma_wait3A_1042 = arith.constant 0 : i32
    %dma_wait3A_1043 = tpu.memref_slice %arg6[%dma_wait3A_1042] : memref<160008xf32, #tpu.memory_space<hbm>> -> memref<160008xf32, #tpu.memory_space<hbm>>
    tpu.wait_indirect_dma semaphore(%arg30 : memref<!tpu.dma_semaphore, #tpu.memory_space<semaphore_mem>>) src(%dma_wait3A_1043 : memref<160008xf32, #tpu.memory_space<hbm>>) dst(%dma_wait3A_1038 : memref<128xf32, #tpu.memory_space<vmem>>)
    %dma_wait3A_1044 = arith.constant 0 : i32
    %dma_wait3A_1045 = arith.constant 0 : i32
    %dma_wait3A_1046 = tpu.memref_slice %arg27[%dma_wait3A_1045] : memref<256xi32, #tpu.memory_space<vmem>> -> memref<128xi32, #tpu.memory_space<vmem>>
    %dma_wait3A_1047 = arith.constant 0 : i32
    %dma_wait3A_1048 = tpu.memref_slice %arg21[%dma_wait3A_1044, %dma_wait3A_1047] : memref<2x128xi32, #tpu.memory_space<vmem>> -> memref<1x128xi32, #tpu.memory_space<vmem>>
    %dma_wait3A_1049 = tpu.memref_squeeze %dma_wait3A_1048 : memref<1x128xi32, #tpu.memory_space<vmem>> -> memref<128xi32, #tpu.memory_space<vmem>>
    %dma_wait3A_1050 = arith.constant 0 : i32
    %dma_wait3A_1051 = tpu.memref_slice %arg7[%dma_wait3A_1050] : memref<160008xi32, #tpu.memory_space<hbm>> -> memref<160008xi32, #tpu.memory_space<hbm>>
    tpu.wait_indirect_dma semaphore(%arg30 : memref<!tpu.dma_semaphore, #tpu.memory_space<semaphore_mem>>) src(%dma_wait3A_1051 : memref<160008xi32, #tpu.memory_space<hbm>>) dst(%dma_wait3A_1046 : memref<128xi32, #tpu.memory_space<vmem>>)
    %dma_wait3A_1052 = arith.constant 1 : i32
    %dma_wait3A_1053 = arith.constant 128 : i32
    %dma_wait3A_1054 = tpu.memref_slice %arg22[%dma_wait3A_1053] : memref<256xf32, #tpu.memory_space<vmem>> -> memref<128xf32, #tpu.memory_space<vmem>>
    %dma_wait3A_1055 = arith.constant 0 : i32
    %dma_wait3A_1056 = tpu.memref_slice %arg21[%dma_wait3A_1052, %dma_wait3A_1055] : memref<2x128xi32, #tpu.memory_space<vmem>> -> memref<1x128xi32, #tpu.memory_space<vmem>>
    %dma_wait3A_1057 = tpu.memref_squeeze %dma_wait3A_1056 : memref<1x128xi32, #tpu.memory_space<vmem>> -> memref<128xi32, #tpu.memory_space<vmem>>
    %dma_wait3A_1058 = arith.constant 0 : i32
    %dma_wait3A_1059 = tpu.memref_slice %arg2[%dma_wait3A_1058] : memref<160008xf32, #tpu.memory_space<hbm>> -> memref<160008xf32, #tpu.memory_space<hbm>>
    tpu.wait_indirect_dma semaphore(%arg30 : memref<!tpu.dma_semaphore, #tpu.memory_space<semaphore_mem>>) src(%dma_wait3A_1059 : memref<160008xf32, #tpu.memory_space<hbm>>) dst(%dma_wait3A_1054 : memref<128xf32, #tpu.memory_space<vmem>>)
    %dma_wait3A_1060 = arith.constant 1 : i32
    %dma_wait3A_1061 = arith.constant 128 : i32
    %dma_wait3A_1062 = tpu.memref_slice %arg23[%dma_wait3A_1061] : memref<256xf32, #tpu.memory_space<vmem>> -> memref<128xf32, #tpu.memory_space<vmem>>
    %dma_wait3A_1063 = arith.constant 0 : i32
    %dma_wait3A_1064 = tpu.memref_slice %arg21[%dma_wait3A_1060, %dma_wait3A_1063] : memref<2x128xi32, #tpu.memory_space<vmem>> -> memref<1x128xi32, #tpu.memory_space<vmem>>
    %dma_wait3A_1065 = tpu.memref_squeeze %dma_wait3A_1064 : memref<1x128xi32, #tpu.memory_space<vmem>> -> memref<128xi32, #tpu.memory_space<vmem>>
    %dma_wait3A_1066 = arith.constant 0 : i32
    %dma_wait3A_1067 = tpu.memref_slice %arg3[%dma_wait3A_1066] : memref<160008xf32, #tpu.memory_space<hbm>> -> memref<160008xf32, #tpu.memory_space<hbm>>
    tpu.wait_indirect_dma semaphore(%arg30 : memref<!tpu.dma_semaphore, #tpu.memory_space<semaphore_mem>>) src(%dma_wait3A_1067 : memref<160008xf32, #tpu.memory_space<hbm>>) dst(%dma_wait3A_1062 : memref<128xf32, #tpu.memory_space<vmem>>)
    %dma_wait3A_1068 = arith.constant 1 : i32
    %dma_wait3A_1069 = arith.constant 128 : i32
    %dma_wait3A_1070 = tpu.memref_slice %arg24[%dma_wait3A_1069] : memref<256xf32, #tpu.memory_space<vmem>> -> memref<128xf32, #tpu.memory_space<vmem>>
    %dma_wait3A_1071 = arith.constant 0 : i32
    %dma_wait3A_1072 = tpu.memref_slice %arg21[%dma_wait3A_1068, %dma_wait3A_1071] : memref<2x128xi32, #tpu.memory_space<vmem>> -> memref<1x128xi32, #tpu.memory_space<vmem>>
    %dma_wait3A_1073 = tpu.memref_squeeze %dma_wait3A_1072 : memref<1x128xi32, #tpu.memory_space<vmem>> -> memref<128xi32, #tpu.memory_space<vmem>>
    %dma_wait3A_1074 = arith.constant 0 : i32
    %dma_wait3A_1075 = tpu.memref_slice %arg4[%dma_wait3A_1074] : memref<160008xf32, #tpu.memory_space<hbm>> -> memref<160008xf32, #tpu.memory_space<hbm>>
    tpu.wait_indirect_dma semaphore(%arg30 : memref<!tpu.dma_semaphore, #tpu.memory_space<semaphore_mem>>) src(%dma_wait3A_1075 : memref<160008xf32, #tpu.memory_space<hbm>>) dst(%dma_wait3A_1070 : memref<128xf32, #tpu.memory_space<vmem>>)
    %dma_wait3A_1076 = arith.constant 1 : i32
    %dma_wait3A_1077 = arith.constant 128 : i32
    %dma_wait3A_1078 = tpu.memref_slice %arg25[%dma_wait3A_1077] : memref<256xf32, #tpu.memory_space<vmem>> -> memref<128xf32, #tpu.memory_space<vmem>>
    %dma_wait3A_1079 = arith.constant 0 : i32
    %dma_wait3A_1080 = tpu.memref_slice %arg21[%dma_wait3A_1076, %dma_wait3A_1079] : memref<2x128xi32, #tpu.memory_space<vmem>> -> memref<1x128xi32, #tpu.memory_space<vmem>>
    %dma_wait3A_1081 = tpu.memref_squeeze %dma_wait3A_1080 : memref<1x128xi32, #tpu.memory_space<vmem>> -> memref<128xi32, #tpu.memory_space<vmem>>
    %dma_wait3A_1082 = arith.constant 0 : i32
    %dma_wait3A_1083 = tpu.memref_slice %arg5[%dma_wait3A_1082] : memref<160008xf32, #tpu.memory_space<hbm>> -> memref<160008xf32, #tpu.memory_space<hbm>>
    tpu.wait_indirect_dma semaphore(%arg30 : memref<!tpu.dma_semaphore, #tpu.memory_space<semaphore_mem>>) src(%dma_wait3A_1083 : memref<160008xf32, #tpu.memory_space<hbm>>) dst(%dma_wait3A_1078 : memref<128xf32, #tpu.memory_space<vmem>>)
    %dma_wait3A_1084 = arith.constant 1 : i32
    %dma_wait3A_1085 = arith.constant 128 : i32
    %dma_wait3A_1086 = tpu.memref_slice %arg26[%dma_wait3A_1085] : memref<256xf32, #tpu.memory_space<vmem>> -> memref<128xf32, #tpu.memory_space<vmem>>
    %dma_wait3A_1087 = arith.constant 0 : i32
    %dma_wait3A_1088 = tpu.memref_slice %arg21[%dma_wait3A_1084, %dma_wait3A_1087] : memref<2x128xi32, #tpu.memory_space<vmem>> -> memref<1x128xi32, #tpu.memory_space<vmem>>
    %dma_wait3A_1089 = tpu.memref_squeeze %dma_wait3A_1088 : memref<1x128xi32, #tpu.memory_space<vmem>> -> memref<128xi32, #tpu.memory_space<vmem>>
    %dma_wait3A_1090 = arith.constant 0 : i32
    %dma_wait3A_1091 = tpu.memref_slice %arg6[%dma_wait3A_1090] : memref<160008xf32, #tpu.memory_space<hbm>> -> memref<160008xf32, #tpu.memory_space<hbm>>
    tpu.wait_indirect_dma semaphore(%arg30 : memref<!tpu.dma_semaphore, #tpu.memory_space<semaphore_mem>>) src(%dma_wait3A_1091 : memref<160008xf32, #tpu.memory_space<hbm>>) dst(%dma_wait3A_1086 : memref<128xf32, #tpu.memory_space<vmem>>)
    %dma_wait3A_1092 = arith.constant 1 : i32
    %dma_wait3A_1093 = arith.constant 128 : i32
    %dma_wait3A_1094 = tpu.memref_slice %arg27[%dma_wait3A_1093] : memref<256xi32, #tpu.memory_space<vmem>> -> memref<128xi32, #tpu.memory_space<vmem>>
    %dma_wait3A_1095 = arith.constant 0 : i32
    %dma_wait3A_1096 = tpu.memref_slice %arg21[%dma_wait3A_1092, %dma_wait3A_1095] : memref<2x128xi32, #tpu.memory_space<vmem>> -> memref<1x128xi32, #tpu.memory_space<vmem>>
    %dma_wait3A_1097 = tpu.memref_squeeze %dma_wait3A_1096 : memref<1x128xi32, #tpu.memory_space<vmem>> -> memref<128xi32, #tpu.memory_space<vmem>>
    %dma_wait3A_1098 = arith.constant 0 : i32
    %dma_wait3A_1099 = tpu.memref_slice %arg7[%dma_wait3A_1098] : memref<160008xi32, #tpu.memory_space<hbm>> -> memref<160008xi32, #tpu.memory_space<hbm>>
    tpu.wait_indirect_dma semaphore(%arg30 : memref<!tpu.dma_semaphore, #tpu.memory_space<semaphore_mem>>) src(%dma_wait3A_1099 : memref<160008xi32, #tpu.memory_space<hbm>>) dst(%dma_wait3A_1094 : memref<128xi32, #tpu.memory_space<vmem>>)
    "tpu.region"() ({
      %run_scoped3A = tpu.sem_alloc : memref<!tpu.dma_semaphore, #tpu.memory_space<semaphore_mem>>
      %dma_start3A_1100 = arith.constant 0 : i32
      %dma_start3A_1101 = tpu.memref_slice %arg9[%select_n3A, %select_n3A_30, %dma_start3A_1100] : memref<8x4x256xf32, #tpu.memory_space<hbm>> -> memref<1x1x256xf32, #tpu.memory_space<hbm>>
      %dma_start3A_1102 = tpu.memref_squeeze %dma_start3A_1101 : memref<1x1x256xf32, #tpu.memory_space<hbm>> -> memref<256xf32, #tpu.memory_space<hbm>>
      %dma_start3A_1103 = arith.constant 0 : i32
      %dma_start3A_1104 = tpu.memref_slice %arg9[%select_n3A, %select_n3A_30, %dma_start3A_1103] : memref<8x4x256xf32, #tpu.memory_space<hbm>> -> memref<1x1x256xf32, #tpu.memory_space<hbm>>
      %dma_start3A_1105 = tpu.memref_squeeze %dma_start3A_1104 : memref<1x1x256xf32, #tpu.memory_space<hbm>> -> memref<256xf32, #tpu.memory_space<hbm>>
      tpu.enqueue_dma source(%arg22 : memref<256xf32, #tpu.memory_space<vmem>>) target(%dma_start3A_1105 : memref<256xf32, #tpu.memory_space<hbm>>) target_semaphore(%run_scoped3A : memref<!tpu.dma_semaphore, #tpu.memory_space<semaphore_mem>>)
      %dma_wait3A_1106 = arith.constant 0 : i32
      %dma_wait3A_1107 = tpu.memref_slice %arg9[%select_n3A, %select_n3A_30, %dma_wait3A_1106] : memref<8x4x256xf32, #tpu.memory_space<hbm>> -> memref<1x1x256xf32, #tpu.memory_space<hbm>>
      %dma_wait3A_1108 = tpu.memref_squeeze %dma_wait3A_1107 : memref<1x1x256xf32, #tpu.memory_space<hbm>> -> memref<256xf32, #tpu.memory_space<hbm>>
      %dma_wait3A_1109 = arith.constant 0 : i32
      %dma_wait3A_1110 = tpu.memref_slice %arg9[%select_n3A, %select_n3A_30, %dma_wait3A_1109] : memref<8x4x256xf32, #tpu.memory_space<hbm>> -> memref<1x1x256xf32, #tpu.memory_space<hbm>>
      %dma_wait3A_1111 = tpu.memref_squeeze %dma_wait3A_1110 : memref<1x1x256xf32, #tpu.memory_space<hbm>> -> memref<256xf32, #tpu.memory_space<hbm>>
      tpu.wait_dma2 semaphore(%run_scoped3A : memref<!tpu.dma_semaphore, #tpu.memory_space<semaphore_mem>>) src(%arg22 : memref<256xf32, #tpu.memory_space<vmem>>) dst(%dma_wait3A_1111 : memref<256xf32, #tpu.memory_space<hbm>>)
      tpu.yield
    }) : () -> ()
    "tpu.region"() ({
      %run_scoped3A = tpu.sem_alloc : memref<!tpu.dma_semaphore, #tpu.memory_space<semaphore_mem>>
      %dma_start3A_1100 = arith.constant 0 : i32
      %dma_start3A_1101 = tpu.memref_slice %arg10[%select_n3A, %select_n3A_30, %dma_start3A_1100] : memref<8x4x256xf32, #tpu.memory_space<hbm>> -> memref<1x1x256xf32, #tpu.memory_space<hbm>>
      %dma_start3A_1102 = tpu.memref_squeeze %dma_start3A_1101 : memref<1x1x256xf32, #tpu.memory_space<hbm>> -> memref<256xf32, #tpu.memory_space<hbm>>
      %dma_start3A_1103 = arith.constant 0 : i32
      %dma_start3A_1104 = tpu.memref_slice %arg10[%select_n3A, %select_n3A_30, %dma_start3A_1103] : memref<8x4x256xf32, #tpu.memory_space<hbm>> -> memref<1x1x256xf32, #tpu.memory_space<hbm>>
      %dma_start3A_1105 = tpu.memref_squeeze %dma_start3A_1104 : memref<1x1x256xf32, #tpu.memory_space<hbm>> -> memref<256xf32, #tpu.memory_space<hbm>>
      tpu.enqueue_dma source(%arg23 : memref<256xf32, #tpu.memory_space<vmem>>) target(%dma_start3A_1105 : memref<256xf32, #tpu.memory_space<hbm>>) target_semaphore(%run_scoped3A : memref<!tpu.dma_semaphore, #tpu.memory_space<semaphore_mem>>)
      %dma_wait3A_1106 = arith.constant 0 : i32
      %dma_wait3A_1107 = tpu.memref_slice %arg10[%select_n3A, %select_n3A_30, %dma_wait3A_1106] : memref<8x4x256xf32, #tpu.memory_space<hbm>> -> memref<1x1x256xf32, #tpu.memory_space<hbm>>
      %dma_wait3A_1108 = tpu.memref_squeeze %dma_wait3A_1107 : memref<1x1x256xf32, #tpu.memory_space<hbm>> -> memref<256xf32, #tpu.memory_space<hbm>>
      %dma_wait3A_1109 = arith.constant 0 : i32
      %dma_wait3A_1110 = tpu.memref_slice %arg10[%select_n3A, %select_n3A_30, %dma_wait3A_1109] : memref<8x4x256xf32, #tpu.memory_space<hbm>> -> memref<1x1x256xf32, #tpu.memory_space<hbm>>
      %dma_wait3A_1111 = tpu.memref_squeeze %dma_wait3A_1110 : memref<1x1x256xf32, #tpu.memory_space<hbm>> -> memref<256xf32, #tpu.memory_space<hbm>>
      tpu.wait_dma2 semaphore(%run_scoped3A : memref<!tpu.dma_semaphore, #tpu.memory_space<semaphore_mem>>) src(%arg23 : memref<256xf32, #tpu.memory_space<vmem>>) dst(%dma_wait3A_1111 : memref<256xf32, #tpu.memory_space<hbm>>)
      tpu.yield
    }) : () -> ()
    "tpu.region"() ({
      %run_scoped3A = tpu.sem_alloc : memref<!tpu.dma_semaphore, #tpu.memory_space<semaphore_mem>>
      %dma_start3A_1100 = arith.constant 0 : i32
      %dma_start3A_1101 = tpu.memref_slice %arg11[%select_n3A, %select_n3A_30, %dma_start3A_1100] : memref<8x4x256xf32, #tpu.memory_space<hbm>> -> memref<1x1x256xf32, #tpu.memory_space<hbm>>
      %dma_start3A_1102 = tpu.memref_squeeze %dma_start3A_1101 : memref<1x1x256xf32, #tpu.memory_space<hbm>> -> memref<256xf32, #tpu.memory_space<hbm>>
      %dma_start3A_1103 = arith.constant 0 : i32
      %dma_start3A_1104 = tpu.memref_slice %arg11[%select_n3A, %select_n3A_30, %dma_start3A_1103] : memref<8x4x256xf32, #tpu.memory_space<hbm>> -> memref<1x1x256xf32, #tpu.memory_space<hbm>>
      %dma_start3A_1105 = tpu.memref_squeeze %dma_start3A_1104 : memref<1x1x256xf32, #tpu.memory_space<hbm>> -> memref<256xf32, #tpu.memory_space<hbm>>
      tpu.enqueue_dma source(%arg24 : memref<256xf32, #tpu.memory_space<vmem>>) target(%dma_start3A_1105 : memref<256xf32, #tpu.memory_space<hbm>>) target_semaphore(%run_scoped3A : memref<!tpu.dma_semaphore, #tpu.memory_space<semaphore_mem>>)
      %dma_wait3A_1106 = arith.constant 0 : i32
      %dma_wait3A_1107 = tpu.memref_slice %arg11[%select_n3A, %select_n3A_30, %dma_wait3A_1106] : memref<8x4x256xf32, #tpu.memory_space<hbm>> -> memref<1x1x256xf32, #tpu.memory_space<hbm>>
      %dma_wait3A_1108 = tpu.memref_squeeze %dma_wait3A_1107 : memref<1x1x256xf32, #tpu.memory_space<hbm>> -> memref<256xf32, #tpu.memory_space<hbm>>
      %dma_wait3A_1109 = arith.constant 0 : i32
      %dma_wait3A_1110 = tpu.memref_slice %arg11[%select_n3A, %select_n3A_30, %dma_wait3A_1109] : memref<8x4x256xf32, #tpu.memory_space<hbm>> -> memref<1x1x256xf32, #tpu.memory_space<hbm>>
      %dma_wait3A_1111 = tpu.memref_squeeze %dma_wait3A_1110 : memref<1x1x256xf32, #tpu.memory_space<hbm>> -> memref<256xf32, #tpu.memory_space<hbm>>
      tpu.wait_dma2 semaphore(%run_scoped3A : memref<!tpu.dma_semaphore, #tpu.memory_space<semaphore_mem>>) src(%arg24 : memref<256xf32, #tpu.memory_space<vmem>>) dst(%dma_wait3A_1111 : memref<256xf32, #tpu.memory_space<hbm>>)
      tpu.yield
    }) : () -> ()
    "tpu.region"() ({
      %run_scoped3A = tpu.sem_alloc : memref<!tpu.dma_semaphore, #tpu.memory_space<semaphore_mem>>
      %dma_start3A_1100 = arith.constant 0 : i32
      %dma_start3A_1101 = tpu.memref_slice %arg12[%select_n3A, %select_n3A_30, %dma_start3A_1100] : memref<8x4x256xf32, #tpu.memory_space<hbm>> -> memref<1x1x256xf32, #tpu.memory_space<hbm>>
      %dma_start3A_1102 = tpu.memref_squeeze %dma_start3A_1101 : memref<1x1x256xf32, #tpu.memory_space<hbm>> -> memref<256xf32, #tpu.memory_space<hbm>>
      %dma_start3A_1103 = arith.constant 0 : i32
      %dma_start3A_1104 = tpu.memref_slice %arg12[%select_n3A, %select_n3A_30, %dma_start3A_1103] : memref<8x4x256xf32, #tpu.memory_space<hbm>> -> memref<1x1x256xf32, #tpu.memory_space<hbm>>
      %dma_start3A_1105 = tpu.memref_squeeze %dma_start3A_1104 : memref<1x1x256xf32, #tpu.memory_space<hbm>> -> memref<256xf32, #tpu.memory_space<hbm>>
      tpu.enqueue_dma source(%arg25 : memref<256xf32, #tpu.memory_space<vmem>>) target(%dma_start3A_1105 : memref<256xf32, #tpu.memory_space<hbm>>) target_semaphore(%run_scoped3A : memref<!tpu.dma_semaphore, #tpu.memory_space<semaphore_mem>>)
      %dma_wait3A_1106 = arith.constant 0 : i32
      %dma_wait3A_1107 = tpu.memref_slice %arg12[%select_n3A, %select_n3A_30, %dma_wait3A_1106] : memref<8x4x256xf32, #tpu.memory_space<hbm>> -> memref<1x1x256xf32, #tpu.memory_space<hbm>>
      %dma_wait3A_1108 = tpu.memref_squeeze %dma_wait3A_1107 : memref<1x1x256xf32, #tpu.memory_space<hbm>> -> memref<256xf32, #tpu.memory_space<hbm>>
      %dma_wait3A_1109 = arith.constant 0 : i32
      %dma_wait3A_1110 = tpu.memref_slice %arg12[%select_n3A, %select_n3A_30, %dma_wait3A_1109] : memref<8x4x256xf32, #tpu.memory_space<hbm>> -> memref<1x1x256xf32, #tpu.memory_space<hbm>>
      %dma_wait3A_1111 = tpu.memref_squeeze %dma_wait3A_1110 : memref<1x1x256xf32, #tpu.memory_space<hbm>> -> memref<256xf32, #tpu.memory_space<hbm>>
      tpu.wait_dma2 semaphore(%run_scoped3A : memref<!tpu.dma_semaphore, #tpu.memory_space<semaphore_mem>>) src(%arg25 : memref<256xf32, #tpu.memory_space<vmem>>) dst(%dma_wait3A_1111 : memref<256xf32, #tpu.memory_space<hbm>>)
      tpu.yield
    }) : () -> ()
    "tpu.region"() ({
      %run_scoped3A = tpu.sem_alloc : memref<!tpu.dma_semaphore, #tpu.memory_space<semaphore_mem>>
      %dma_start3A_1100 = arith.constant 0 : i32
      %dma_start3A_1101 = tpu.memref_slice %arg13[%select_n3A, %select_n3A_30, %dma_start3A_1100] : memref<8x4x256xf32, #tpu.memory_space<hbm>> -> memref<1x1x256xf32, #tpu.memory_space<hbm>>
      %dma_start3A_1102 = tpu.memref_squeeze %dma_start3A_1101 : memref<1x1x256xf32, #tpu.memory_space<hbm>> -> memref<256xf32, #tpu.memory_space<hbm>>
      %dma_start3A_1103 = arith.constant 0 : i32
      %dma_start3A_1104 = tpu.memref_slice %arg13[%select_n3A, %select_n3A_30, %dma_start3A_1103] : memref<8x4x256xf32, #tpu.memory_space<hbm>> -> memref<1x1x256xf32, #tpu.memory_space<hbm>>
      %dma_start3A_1105 = tpu.memref_squeeze %dma_start3A_1104 : memref<1x1x256xf32, #tpu.memory_space<hbm>> -> memref<256xf32, #tpu.memory_space<hbm>>
      tpu.enqueue_dma source(%arg26 : memref<256xf32, #tpu.memory_space<vmem>>) target(%dma_start3A_1105 : memref<256xf32, #tpu.memory_space<hbm>>) target_semaphore(%run_scoped3A : memref<!tpu.dma_semaphore, #tpu.memory_space<semaphore_mem>>)
      %dma_wait3A_1106 = arith.constant 0 : i32
      %dma_wait3A_1107 = tpu.memref_slice %arg13[%select_n3A, %select_n3A_30, %dma_wait3A_1106] : memref<8x4x256xf32, #tpu.memory_space<hbm>> -> memref<1x1x256xf32, #tpu.memory_space<hbm>>
      %dma_wait3A_1108 = tpu.memref_squeeze %dma_wait3A_1107 : memref<1x1x256xf32, #tpu.memory_space<hbm>> -> memref<256xf32, #tpu.memory_space<hbm>>
      %dma_wait3A_1109 = arith.constant 0 : i32
      %dma_wait3A_1110 = tpu.memref_slice %arg13[%select_n3A, %select_n3A_30, %dma_wait3A_1109] : memref<8x4x256xf32, #tpu.memory_space<hbm>> -> memref<1x1x256xf32, #tpu.memory_space<hbm>>
      %dma_wait3A_1111 = tpu.memref_squeeze %dma_wait3A_1110 : memref<1x1x256xf32, #tpu.memory_space<hbm>> -> memref<256xf32, #tpu.memory_space<hbm>>
      tpu.wait_dma2 semaphore(%run_scoped3A : memref<!tpu.dma_semaphore, #tpu.memory_space<semaphore_mem>>) src(%arg26 : memref<256xf32, #tpu.memory_space<vmem>>) dst(%dma_wait3A_1111 : memref<256xf32, #tpu.memory_space<hbm>>)
      tpu.yield
    }) : () -> ()
    "tpu.region"() ({
      %run_scoped3A = tpu.sem_alloc : memref<!tpu.dma_semaphore, #tpu.memory_space<semaphore_mem>>
      %dma_start3A_1100 = arith.constant 0 : i32
      %dma_start3A_1101 = tpu.memref_slice %arg14[%select_n3A, %select_n3A_30, %dma_start3A_1100] : memref<8x4x256xi32, #tpu.memory_space<hbm>> -> memref<1x1x256xi32, #tpu.memory_space<hbm>>
      %dma_start3A_1102 = tpu.memref_squeeze %dma_start3A_1101 : memref<1x1x256xi32, #tpu.memory_space<hbm>> -> memref<256xi32, #tpu.memory_space<hbm>>
      %dma_start3A_1103 = arith.constant 0 : i32
      %dma_start3A_1104 = tpu.memref_slice %arg14[%select_n3A, %select_n3A_30, %dma_start3A_1103] : memref<8x4x256xi32, #tpu.memory_space<hbm>> -> memref<1x1x256xi32, #tpu.memory_space<hbm>>
      %dma_start3A_1105 = tpu.memref_squeeze %dma_start3A_1104 : memref<1x1x256xi32, #tpu.memory_space<hbm>> -> memref<256xi32, #tpu.memory_space<hbm>>
      tpu.enqueue_dma source(%arg27 : memref<256xi32, #tpu.memory_space<vmem>>) target(%dma_start3A_1105 : memref<256xi32, #tpu.memory_space<hbm>>) target_semaphore(%run_scoped3A : memref<!tpu.dma_semaphore, #tpu.memory_space<semaphore_mem>>)
      %dma_wait3A_1106 = arith.constant 0 : i32
      %dma_wait3A_1107 = tpu.memref_slice %arg14[%select_n3A, %select_n3A_30, %dma_wait3A_1106] : memref<8x4x256xi32, #tpu.memory_space<hbm>> -> memref<1x1x256xi32, #tpu.memory_space<hbm>>
      %dma_wait3A_1108 = tpu.memref_squeeze %dma_wait3A_1107 : memref<1x1x256xi32, #tpu.memory_space<hbm>> -> memref<256xi32, #tpu.memory_space<hbm>>
      %dma_wait3A_1109 = arith.constant 0 : i32
      %dma_wait3A_1110 = tpu.memref_slice %arg14[%select_n3A, %select_n3A_30, %dma_wait3A_1109] : memref<8x4x256xi32, #tpu.memory_space<hbm>> -> memref<1x1x256xi32, #tpu.memory_space<hbm>>
      %dma_wait3A_1111 = tpu.memref_squeeze %dma_wait3A_1110 : memref<1x1x256xi32, #tpu.memory_space<hbm>> -> memref<256xi32, #tpu.memory_space<hbm>>
      tpu.wait_dma2 semaphore(%run_scoped3A : memref<!tpu.dma_semaphore, #tpu.memory_space<semaphore_mem>>) src(%arg27 : memref<256xi32, #tpu.memory_space<vmem>>) dst(%dma_wait3A_1111 : memref<256xi32, #tpu.memory_space<hbm>>)
      tpu.yield
    }) : () -> ()
    return
  }
}

module attributes {stable_mosaic.version = 14 : i64} {
  func.func @_score_kernel(%arg0: i32, %arg1: memref<1x80x20000xf32, #tpu.memory_space<vmem>>, %arg2: memref<1x1x20000xf32, #tpu.memory_space<vmem>>, %arg3: memref<1x1x20000xi32, #tpu.memory_space<vmem>>) attributes {dimension_semantics = [#tpu.dimension_semantics<arbitrary>], iteration_bounds = array<i64: 8>, scalar_prefetch = 0 : i64, scratch_operands = 0 : i64, tpu.core_type = #tpu.core_type<tc>, window_params = [{transform_indices = @transform_0, window_bounds = array<i64: 1, 80, 20000>}, {transform_indices = @transform_1, window_bounds = array<i64: 1, 1, 20000>}, {transform_indices = @transform_2, window_bounds = array<i64: 1, 1, 20000>}]} {
    %get3A = arith.constant 0 : index
    %get3A_0 = arith.constant 0 : index
    %get3A_1 = arith.constant 0 : index
    %get3A_2 = vector.load %arg1[%get3A, %get3A_0, %get3A_1] : memref<1x80x20000xf32, #tpu.memory_space<vmem>>, vector<1x80x20000xf32>
    %get3A_3 = vector.shape_cast %get3A_2 : vector<1x80x20000xf32> to vector<80x20000xf32>
    %reduce_max3A = arith.constant dense<0xFF800000> : vector<20000xf32>
    %reduce_max3A_4 = vector.multi_reduction <maximumf>, %get3A_3, %reduce_max3A [0] : vector<80x20000xf32> to vector<20000xf32>
    %iota3A = tpu.iota {dimensions = array<i32: 0>} : vector<80x20000xi32>
    %broadcast_in_dim3A = vector.shape_cast %reduce_max3A_4 : vector<20000xf32> to vector<1x20000xf32>
    %eq3A = vector.broadcast %broadcast_in_dim3A : vector<1x20000xf32> to vector<80x20000xf32>
    %eq3A_5 = arith.cmpf oeq, %get3A_3, %eq3A : vector<80x20000xf32>
    %jit3A = arith.constant 80 : i32
    %broadcast_in_dim3A_6 = vector.broadcast %jit3A : i32 to vector<80x20000xi32>
    %select_n3A = arith.select %eq3A_5, %iota3A, %broadcast_in_dim3A_6 : vector<80x20000xi1>, vector<80x20000xi32>
    %reduce_min3A = arith.constant dense<2147483647> : vector<20000xi32>
    %reduce_min3A_7 = vector.multi_reduction <minsi>, %select_n3A, %reduce_min3A [0] : vector<80x20000xi32> to vector<20000xi32>
    %swap3A = arith.constant 0 : index
    %swap3A_8 = arith.constant 0 : index
    %swap3A_9 = arith.constant 0 : index
    %swap3A_10 = vector.load %arg2[%swap3A, %swap3A_8, %swap3A_9] : memref<1x1x20000xf32, #tpu.memory_space<vmem>>, vector<1x1x20000xf32>
    %swap3A_11 = vector.shape_cast %swap3A_10 : vector<1x1x20000xf32> to vector<20000xf32>
    %swap3A_12 = vector.shape_cast %reduce_max3A_4 : vector<20000xf32> to vector<1x1x20000xf32>
    tpu.vector_store %arg2[%swap3A, %swap3A_8, %swap3A_9], %swap3A_12 {strides = array<i32>} : memref<1x1x20000xf32, #tpu.memory_space<vmem>>, vector<1x1x20000xf32>,
    %swap3A_13 = arith.constant 0 : index
    %swap3A_14 = arith.constant 0 : index
    %swap3A_15 = arith.constant 0 : index
    %swap3A_16 = vector.load %arg3[%swap3A_13, %swap3A_14, %swap3A_15] : memref<1x1x20000xi32, #tpu.memory_space<vmem>>, vector<1x1x20000xi32>
    %swap3A_17 = vector.shape_cast %swap3A_16 : vector<1x1x20000xi32> to vector<20000xi32>
    %swap3A_18 = vector.shape_cast %reduce_min3A_7 : vector<20000xi32> to vector<1x1x20000xi32>
    tpu.vector_store %arg3[%swap3A_13, %swap3A_14, %swap3A_15], %swap3A_18 {strides = array<i32>} : memref<1x1x20000xi32, #tpu.memory_space<vmem>>, vector<1x1x20000xi32>,
    return
  }
  func.func @transform_0(%arg0: i32) -> (i32, i32, i32) {
    %c0_i32 = arith.constant 0 : i32
    %c0_i32_0 = arith.constant 0 : i32
    %c0_i32_1 = arith.constant 0 : i32
    return %arg0, %c0_i32, %c0_i32_0 : i32, i32, i32
  }
  func.func @transform_1(%arg0: i32) -> (i32, i32, i32) {
    %c0_i32 = arith.constant 0 : i32
    %c0_i32_0 = arith.constant 0 : i32
    %c0_i32_1 = arith.constant 0 : i32
    return %arg0, %c0_i32, %c0_i32_0 : i32, i32, i32
  }
  func.func @transform_2(%arg0: i32) -> (i32, i32, i32) {
    %c0_i32 = arith.constant 0 : i32
    %c0_i32_0 = arith.constant 0 : i32
    %c0_i32_1 = arith.constant 0 : i32
    return %arg0, %c0_i32, %c0_i32_0 : i32, i32, i32
  }
}

module attributes {stable_mosaic.version = 14 : i64} {
  func.func @_bisect_kernel(%arg0: memref<8x20000xf32, #tpu.memory_space<vmem>>, %arg1: memref<8x16xf32, #tpu.memory_space<vmem>>, %arg2: memref<8x16xi32, #tpu.memory_space<vmem>>) attributes {dimension_semantics = [], scalar_prefetch = 0 : i64, scratch_operands = 0 : i64, tpu.core_type = #tpu.core_type<tc>} {
    %get3A = arith.constant 0 : index
    %get3A_0 = arith.constant 0 : index
    %get3A_1 = vector.load %arg0[%get3A, %get3A_0] : memref<8x20000xf32, #tpu.memory_space<vmem>>, vector<8x20000xf32>
    %gt3A = arith.constant 0.00999999977 : f32
    %gt3A_2 = vector.broadcast %gt3A : f32 to vector<8x20000xf32>
    %gt3A_3 = arith.cmpf ogt, %get3A_1, %gt3A_2 : vector<8x20000xf32>
    %convert_element_type3A = arith.extui %gt3A_3 : vector<8x20000xi1> to vector<8x20000xi32>
    %reduce_sum3A = arith.constant dense<0> : vector<8xi32>
    %reduce_sum3A_4 = vector.multi_reduction <add>, %convert_element_type3A, %reduce_sum3A [1] : vector<8x20000xi32> to vector<8xi32>
    %broadcast_in_dim3A = vector.shape_cast %reduce_sum3A_4 : vector<8xi32> to vector<8x1xi32>
    %le3A = arith.constant 512 : i32
    %le3A_5 = vector.broadcast %le3A : i32 to vector<8x1xi32>
    %le3A_6 = arith.cmpi sle, %broadcast_in_dim3A, %le3A_5 : vector<8x1xi32>
    %broadcast_in_dim3A_7 = arith.constant 0.00999999977 : f32
    %broadcast_in_dim3A_8 = vector.broadcast %broadcast_in_dim3A_7 : f32 to vector<8x1xf32>
    %broadcast_in_dim3A_9 = arith.constant 1.000000e+00 : f32
    %broadcast_in_dim3A_10 = vector.broadcast %broadcast_in_dim3A_9 : f32 to vector<8x1xf32>
    %broadcast_in_dim3A_11 = arith.constant 0.00999999977 : f32
    %broadcast_in_dim3A_12 = vector.broadcast %broadcast_in_dim3A_11 : f32 to vector<8x1xf32>
    %convert_element_type3A_13 = arith.extui %le3A_6 : vector<8x1xi1> to vector<8x1xi32>
    %scan3A = arith.constant 0 : i32
    %scan3A_14 = arith.constant 30 : i32
    %scan3A_15 = arith.addi %scan3A, %scan3A_14 : i32
    %scan3A_16 = arith.constant 1 : i32
    %scan3A_17:4 = scf.for %scan3A_36 = %scan3A to %scan3A_15 step %scan3A_16 iter_args(%scan3A_37 = %broadcast_in_dim3A_8, %scan3A_38 = %broadcast_in_dim3A_10, %scan3A_39 = %broadcast_in_dim3A_12, %scan3A_40 = %convert_element_type3A_13) -> (vector<8x1xf32>, vector<8x1xf32>, vector<8x1xf32>, vector<8x1xi32>)  : i32 {
      %gt3A_41 = arith.constant 0 : i32
      %gt3A_42 = vector.broadcast %gt3A_41 : i32 to vector<8x1xi32>
      %gt3A_43 = arith.cmpi sgt, %scan3A_40, %gt3A_42 : vector<8x1xi32>
      %add3A = arith.addf %scan3A_37, %scan3A_38 : vector<8x1xf32>
      %mul3A = arith.constant 5.000000e-01 : f32
      %mul3A_44 = vector.broadcast %mul3A : f32 to vector<8x1xf32>
      %mul3A_45 = arith.mulf %add3A, %mul3A_44 : vector<8x1xf32>
      %gt3A_46 = vector.broadcast %mul3A_45 : vector<8x1xf32> to vector<8x20000xf32>
      %gt3A_47 = arith.cmpf ogt, %get3A_1, %gt3A_46 : vector<8x20000xf32>
      %convert_element_type3A_48 = arith.extui %gt3A_47 : vector<8x20000xi1> to vector<8x20000xi32>
      %reduce_sum3A_49 = arith.constant dense<0> : vector<8xi32>
      %reduce_sum3A_50 = vector.multi_reduction <add>, %convert_element_type3A_48, %reduce_sum3A_49 [1] : vector<8x20000xi32> to vector<8xi32>
      %broadcast_in_dim3A_51 = vector.shape_cast %reduce_sum3A_50 : vector<8xi32> to vector<8x1xi32>
      %ge3A = arith.constant 256 : i32
      %ge3A_52 = vector.broadcast %ge3A : i32 to vector<8x1xi32>
      %ge3A_53 = arith.cmpi sge, %broadcast_in_dim3A_51, %ge3A_52 : vector<8x1xi32>
      %le3A_54 = arith.constant 512 : i32
      %le3A_55 = vector.broadcast %le3A_54 : i32 to vector<8x1xi32>
      %le3A_56 = arith.cmpi sle, %broadcast_in_dim3A_51, %le3A_55 : vector<8x1xi32>
      %and3A = arith.andi %ge3A_53, %le3A_56 : vector<8x1xi1>
      %not3A = arith.constant dense<true> : vector<8x1xi1>
      %not3A_57 = arith.xori %gt3A_43, %not3A : vector<8x1xi1>
      %and3A_58 = arith.andi %and3A, %not3A_57 : vector<8x1xi1>
      %select_n3A_59 = arith.select %and3A_58, %mul3A_45, %scan3A_39 : vector<8x1xi1>, vector<8x1xf32>
      %not3A_60 = arith.constant dense<true> : vector<8x1xi1>
      %not3A_61 = arith.xori %gt3A_43, %not3A_60 : vector<8x1xi1>
      %gt3A_62 = arith.constant 512 : i32
      %gt3A_63 = vector.broadcast %gt3A_62 : i32 to vector<8x1xi32>
      %gt3A_64 = arith.cmpi sgt, %broadcast_in_dim3A_51, %gt3A_63 : vector<8x1xi32>
      %and3A_65 = arith.andi %not3A_61, %gt3A_64 : vector<8x1xi1>
      %select_n3A_66 = arith.select %and3A_65, %mul3A_45, %scan3A_37 : vector<8x1xi1>, vector<8x1xf32>
      %not3A_67 = arith.constant dense<true> : vector<8x1xi1>
      %not3A_68 = arith.xori %gt3A_43, %not3A_67 : vector<8x1xi1>
      %lt3A = arith.constant 256 : i32
      %lt3A_69 = vector.broadcast %lt3A : i32 to vector<8x1xi32>
      %lt3A_70 = arith.cmpi slt, %broadcast_in_dim3A_51, %lt3A_69 : vector<8x1xi32>
      %and3A_71 = arith.andi %not3A_68, %lt3A_70 : vector<8x1xi1>
      %select_n3A_72 = arith.select %and3A_71, %mul3A_45, %scan3A_38 : vector<8x1xi1>, vector<8x1xf32>
      %convert_element_type3A_73 = arith.extui %and3A : vector<8x1xi1> to vector<8x1xi32>
      %max3A = arith.maxsi %scan3A_40, %convert_element_type3A_73 : vector<8x1xi32>
      scf.yield %select_n3A_66, %select_n3A_72, %select_n3A_59, %max3A : vector<8x1xf32>, vector<8x1xf32>, vector<8x1xf32>, vector<8x1xi32>
    }
    %gt3A_18 = arith.constant 0 : i32
    %gt3A_19 = vector.broadcast %gt3A_18 : i32 to vector<8x1xi32>
    %gt3A_20 = arith.cmpi sgt, %scan3A_17#3, %gt3A_19 : vector<8x1xi32>
    %jit3A = arith.constant 1 : i32
    %jit3A_21 = arith.constant 0 : i32
    %broadcast_in_dim3A_22 = vector.broadcast %jit3A : i32 to vector<8x1xi32>
    %broadcast_in_dim3A_23 = vector.broadcast %jit3A_21 : i32 to vector<8x1xi32>
    %select_n3A = arith.select %gt3A_20, %broadcast_in_dim3A_22, %broadcast_in_dim3A_23 : vector<8x1xi1>, vector<8x1xi32>
    %jit3A_24 = arith.constant 2 : i32
    %broadcast_in_dim3A_25 = vector.broadcast %jit3A_24 : i32 to vector<8x1xi32>
    %select_n3A_26 = arith.select %le3A_6, %broadcast_in_dim3A_25, %select_n3A : vector<8x1xi1>, vector<8x1xi32>
    %broadcast_in_dim3A_27 = vector.shape_cast %scan3A_17#2 : vector<8x1xf32> to vector<8x1xf32>
    %broadcast_in_dim3A_28 = vector.broadcast %broadcast_in_dim3A_27 : vector<8x1xf32> to vector<8x16xf32>
    %swap3A = arith.constant 0 : index
    %swap3A_29 = arith.constant 0 : index
    %swap3A_30 = vector.load %arg1[%swap3A, %swap3A_29] : memref<8x16xf32, #tpu.memory_space<vmem>>, vector<8x16xf32>
    tpu.vector_store %arg1[%swap3A, %swap3A_29], %broadcast_in_dim3A_28 {strides = array<i32>} : memref<8x16xf32, #tpu.memory_space<vmem>>, vector<8x16xf32>,
    %broadcast_in_dim3A_31 = vector.shape_cast %select_n3A_26 : vector<8x1xi32> to vector<8x1xi32>
    %broadcast_in_dim3A_32 = vector.broadcast %broadcast_in_dim3A_31 : vector<8x1xi32> to vector<8x16xi32>
    %swap3A_33 = arith.constant 0 : index
    %swap3A_34 = arith.constant 0 : index
    %swap3A_35 = vector.load %arg2[%swap3A_33, %swap3A_34] : memref<8x16xi32, #tpu.memory_space<vmem>>, vector<8x16xi32>
    tpu.vector_store %arg2[%swap3A_33, %swap3A_34], %broadcast_in_dim3A_32 {strides = array<i32>} : memref<8x16xi32, #tpu.memory_space<vmem>>, vector<8x16xi32>,
    return
  }
}

module attributes {stable_mosaic.version = 14 : i64} {
  func.func @_greedy_kernel(%arg0: memref<8x1024xf32, #tpu.memory_space<vmem>>, %arg1: memref<8x1024xf32, #tpu.memory_space<vmem>>, %arg2: memref<8x1024xf32, #tpu.memory_space<vmem>>, %arg3: memref<8x1024xf32, #tpu.memory_space<vmem>>, %arg4: memref<8x1024xf32, #tpu.memory_space<vmem>>, %arg5: memref<8x1024xi32, #tpu.memory_space<vmem>>, %arg6: memref<8x16xi32, #tpu.memory_space<vmem>>, %arg7: memref<8x64xi32, #tpu.memory_space<vmem>>, %arg8: memref<8x20000xf32, #tpu.memory_space<vmem>>, %arg9: memref<8x20000xf32, #tpu.memory_space<vmem>>, %arg10: memref<8x20000xf32, #tpu.memory_space<vmem>>, %arg11: memref<8x20000xf32, #tpu.memory_space<vmem>>, %arg12: memref<8x20000xf32, #tpu.memory_space<vmem>>, %arg13: memref<8x20000xi32, #tpu.memory_space<vmem>>, %arg14: memref<8x100xf32, #tpu.memory_space<vmem>>, %arg15: memref<8x100xf32, #tpu.memory_space<vmem>>, %arg16: memref<8x100xf32, #tpu.memory_space<vmem>>, %arg17: memref<8x100xf32, #tpu.memory_space<vmem>>, %arg18: memref<8x100xf32, #tpu.memory_space<vmem>>, %arg19: memref<8x100xi32, #tpu.memory_space<vmem>>, %arg20: memref<8x1024xf32, #tpu.memory_space<vmem>>, %arg21: memref<8x1024xf32, #tpu.memory_space<vmem>>, %arg22: memref<8x20000xf32, #tpu.memory_space<vmem>>, %arg23: memref<8x20000xf32, #tpu.memory_space<vmem>>) attributes {dimension_semantics = [], scalar_prefetch = 0 : i64, scratch_operands = 4 : i64, tpu.core_type = #tpu.core_type<tc>} {
    %iota3A = tpu.iota {dimensions = array<i32: 1>} : vector<8x100xi32>
    %get3A = arith.constant 0 : index
    %get3A_0 = arith.constant 0 : index
    %get3A_1 = vector.load %arg0[%get3A, %get3A_0] : memref<8x1024xf32, #tpu.memory_space<vmem>>, vector<8x1024xf32>
    %swap3A = arith.constant 0 : index
    %swap3A_2 = arith.constant 0 : index
    %swap3A_3 = vector.load %arg20[%swap3A, %swap3A_2] : memref<8x1024xf32, #tpu.memory_space<vmem>>, vector<8x1024xf32>
    tpu.vector_store %arg20[%swap3A, %swap3A_2], %get3A_1 {strides = array<i32>} : memref<8x1024xf32, #tpu.memory_space<vmem>>, vector<8x1024xf32>,
    %get3A_4 = arith.constant 0 : index
    %get3A_5 = arith.constant 0 : index
    %get3A_6 = vector.load %arg3[%get3A_4, %get3A_5] : memref<8x1024xf32, #tpu.memory_space<vmem>>, vector<8x1024xf32>
    %get3A_7 = arith.constant 0 : index
    %get3A_8 = arith.constant 0 : index
    %get3A_9 = vector.load %arg1[%get3A_7, %get3A_8] : memref<8x1024xf32, #tpu.memory_space<vmem>>, vector<8x1024xf32>
    %sub3A = arith.subf %get3A_6, %get3A_9 : vector<8x1024xf32>
    %get3A_10 = arith.constant 0 : index
    %get3A_11 = arith.constant 0 : index
    %get3A_12 = vector.load %arg4[%get3A_10, %get3A_11] : memref<8x1024xf32, #tpu.memory_space<vmem>>, vector<8x1024xf32>
    %get3A_13 = arith.constant 0 : index
    %get3A_14 = arith.constant 0 : index
    %get3A_15 = vector.load %arg2[%get3A_13, %get3A_14] : memref<8x1024xf32, #tpu.memory_space<vmem>>, vector<8x1024xf32>
    %sub3A_16 = arith.subf %get3A_12, %get3A_15 : vector<8x1024xf32>
    %mul3A = arith.mulf %sub3A, %sub3A_16 : vector<8x1024xf32>
    %swap3A_17 = arith.constant 0 : index
    %swap3A_18 = arith.constant 0 : index
    %swap3A_19 = vector.load %arg21[%swap3A_17, %swap3A_18] : memref<8x1024xf32, #tpu.memory_space<vmem>>, vector<8x1024xf32>
    tpu.vector_store %arg21[%swap3A_17, %swap3A_18], %mul3A {strides = array<i32>} : memref<8x1024xf32, #tpu.memory_space<vmem>>, vector<8x1024xf32>,
    %iota3A_20 = tpu.iota {dimensions = array<i32: 1>} : vector<8x1024xi32>
    %broadcast_in_dim3A = arith.constant 0 : i32
    %broadcast_in_dim3A_21 = vector.broadcast %broadcast_in_dim3A : i32 to vector<8x1xi32>
    %scan3A = arith.constant 0 : i32
    %scan3A_22 = arith.constant 100 : i32
    %scan3A_23 = arith.addi %scan3A, %scan3A_22 : i32
    %scan3A_24 = arith.constant 1 : i32
    %scan3A_25 = scf.for %scan3A_54 = %scan3A to %scan3A_23 step %scan3A_24 iter_args(%scan3A_55 = %broadcast_in_dim3A_21) -> (vector<8x1xi32>)  : i32 {
      %get3A_56 = arith.constant 0 : index
      %get3A_57 = arith.constant 0 : index
      %get3A_58 = vector.load %arg20[%get3A_56, %get3A_57] : memref<8x1024xf32, #tpu.memory_space<vmem>>, vector<8x1024xf32>
      %reduce_max3A_59 = arith.constant dense<0xFF800000> : vector<8xf32>
      %reduce_max3A_60 = vector.multi_reduction <maximumf>, %get3A_58, %reduce_max3A_59 [1] : vector<8x1024xf32> to vector<8xf32>
      %broadcast_in_dim3A_61 = vector.shape_cast %reduce_max3A_60 : vector<8xf32> to vector<8x1xf32>
      %eq3A_62 = vector.broadcast %broadcast_in_dim3A_61 : vector<8x1xf32> to vector<8x1024xf32>
      %eq3A_63 = arith.cmpf oeq, %get3A_58, %eq3A_62 : vector<8x1024xf32>
      %jit3A = arith.constant 1024 : i32
      %broadcast_in_dim3A_64 = vector.broadcast %jit3A : i32 to vector<8x1024xi32>
      %select_n3A = arith.select %eq3A_63, %iota3A_20, %broadcast_in_dim3A_64 : vector<8x1024xi1>, vector<8x1024xi32>
      %reduce_min3A = arith.constant dense<2147483647> : vector<8xi32>
      %reduce_min3A_65 = vector.multi_reduction <minsi>, %select_n3A, %reduce_min3A [1] : vector<8x1024xi32> to vector<8xi32>
      %broadcast_in_dim3A_66 = vector.shape_cast %reduce_min3A_65 : vector<8xi32> to vector<8x1xi32>
      %eq3A_67 = vector.broadcast %broadcast_in_dim3A_66 : vector<8x1xi32> to vector<8x1024xi32>
      %eq3A_68 = arith.cmpi eq, %iota3A_20, %eq3A_67 : vector<8x1024xi32>
      %get3A_69 = arith.constant 0 : index
      %get3A_70 = arith.constant 0 : index
      %get3A_71 = vector.load %arg1[%get3A_69, %get3A_70] : memref<8x1024xf32, #tpu.memory_space<vmem>>, vector<8x1024xf32>
      %get3A_72 = arith.constant 0 : index
      %get3A_73 = arith.constant 0 : index
      %get3A_74 = vector.load %arg2[%get3A_72, %get3A_73] : memref<8x1024xf32, #tpu.memory_space<vmem>>, vector<8x1024xf32>
      %get3A_75 = arith.constant 0 : index
      %get3A_76 = arith.constant 0 : index
      %get3A_77 = vector.load %arg3[%get3A_75, %get3A_76] : memref<8x1024xf32, #tpu.memory_space<vmem>>, vector<8x1024xf32>
      %get3A_78 = arith.constant 0 : index
      %get3A_79 = arith.constant 0 : index
      %get3A_80 = vector.load %arg4[%get3A_78, %get3A_79] : memref<8x1024xf32, #tpu.memory_space<vmem>>, vector<8x1024xf32>
      %jit3A_81 = arith.constant 0.000000e+00 : f32
      %broadcast_in_dim3A_82 = vector.broadcast %jit3A_81 : f32 to vector<8x1024xf32>
      %select_n3A_83 = arith.select %eq3A_68, %get3A_71, %broadcast_in_dim3A_82 : vector<8x1024xi1>, vector<8x1024xf32>
      %reduce_sum3A = arith.constant dense<0.000000e+00> : vector<8xf32>
      %reduce_sum3A_84 = vector.multi_reduction <add>, %select_n3A_83, %reduce_sum3A [1] : vector<8x1024xf32> to vector<8xf32>
      %broadcast_in_dim3A_85 = vector.shape_cast %reduce_sum3A_84 : vector<8xf32> to vector<8x1xf32>
      %jit3A_86 = arith.constant 0.000000e+00 : f32
      %broadcast_in_dim3A_87 = vector.broadcast %jit3A_86 : f32 to vector<8x1024xf32>
      %select_n3A_88 = arith.select %eq3A_68, %get3A_74, %broadcast_in_dim3A_87 : vector<8x1024xi1>, vector<8x1024xf32>
      %reduce_sum3A_89 = arith.constant dense<0.000000e+00> : vector<8xf32>
      %reduce_sum3A_90 = vector.multi_reduction <add>, %select_n3A_88, %reduce_sum3A_89 [1] : vector<8x1024xf32> to vector<8xf32>
      %broadcast_in_dim3A_91 = vector.shape_cast %reduce_sum3A_90 : vector<8xf32> to vector<8x1xf32>
      %jit3A_92 = arith.constant 0.000000e+00 : f32
      %broadcast_in_dim3A_93 = vector.broadcast %jit3A_92 : f32 to vector<8x1024xf32>
      %select_n3A_94 = arith.select %eq3A_68, %get3A_77, %broadcast_in_dim3A_93 : vector<8x1024xi1>, vector<8x1024xf32>
      %reduce_sum3A_95 = arith.constant dense<0.000000e+00> : vector<8xf32>
      %reduce_sum3A_96 = vector.multi_reduction <add>, %select_n3A_94, %reduce_sum3A_95 [1] : vector<8x1024xf32> to vector<8xf32>
      %broadcast_in_dim3A_97 = vector.shape_cast %reduce_sum3A_96 : vector<8xf32> to vector<8x1xf32>
      %jit3A_98 = arith.constant 0.000000e+00 : f32
      %broadcast_in_dim3A_99 = vector.broadcast %jit3A_98 : f32 to vector<8x1024xf32>
      %select_n3A_100 = arith.select %eq3A_68, %get3A_80, %broadcast_in_dim3A_99 : vector<8x1024xi1>, vector<8x1024xf32>
      %reduce_sum3A_101 = arith.constant dense<0.000000e+00> : vector<8xf32>
      %reduce_sum3A_102 = vector.multi_reduction <add>, %select_n3A_100, %reduce_sum3A_101 [1] : vector<8x1024xf32> to vector<8xf32>
      %broadcast_in_dim3A_103 = vector.shape_cast %reduce_sum3A_102 : vector<8xf32> to vector<8x1xf32>
      %get3A_104 = arith.constant 0 : index
      %get3A_105 = arith.constant 0 : index
      %get3A_106 = vector.load %arg5[%get3A_104, %get3A_105] : memref<8x1024xi32, #tpu.memory_space<vmem>>, vector<8x1024xi32>
      %jit3A_107 = arith.constant 0 : i32
      %broadcast_in_dim3A_108 = vector.broadcast %jit3A_107 : i32 to vector<8x1024xi32>
      %select_n3A_109 = arith.select %eq3A_68, %get3A_106, %broadcast_in_dim3A_108 : vector<8x1024xi1>, vector<8x1024xi32>
      %reduce_sum3A_110 = arith.constant dense<0> : vector<8xi32>
      %reduce_sum3A_111 = vector.multi_reduction <add>, %select_n3A_109, %reduce_sum3A_110 [1] : vector<8x1024xi32> to vector<8xi32>
      %broadcast_in_dim3A_112 = vector.shape_cast %reduce_sum3A_111 : vector<8xi32> to vector<8x1xi32>
      %max3A = vector.broadcast %broadcast_in_dim3A_85 : vector<8x1xf32> to vector<8x1024xf32>
      %max3A_113 = arith.maximumf %max3A, %get3A_71 : vector<8x1024xf32>
      %max3A_114 = vector.broadcast %broadcast_in_dim3A_91 : vector<8x1xf32> to vector<8x1024xf32>
      %max3A_115 = arith.maximumf %max3A_114, %get3A_74 : vector<8x1024xf32>
      %min3A = vector.broadcast %broadcast_in_dim3A_97 : vector<8x1xf32> to vector<8x1024xf32>
      %min3A_116 = arith.minimumf %min3A, %get3A_77 : vector<8x1024xf32>
      %min3A_117 = vector.broadcast %broadcast_in_dim3A_103 : vector<8x1xf32> to vector<8x1024xf32>
      %min3A_118 = arith.minimumf %min3A_117, %get3A_80 : vector<8x1024xf32>
      %sub3A_119 = arith.subf %min3A_116, %max3A_113 : vector<8x1024xf32>
      %max3A_120 = arith.constant 0.000000e+00 : f32
      %max3A_121 = vector.broadcast %max3A_120 : f32 to vector<8x1024xf32>
      %max3A_122 = arith.maximumf %sub3A_119, %max3A_121 : vector<8x1024xf32>
      %sub3A_123 = arith.subf %min3A_118, %max3A_115 : vector<8x1024xf32>
      %max3A_124 = arith.constant 0.000000e+00 : f32
      %max3A_125 = vector.broadcast %max3A_124 : f32 to vector<8x1024xf32>
      %max3A_126 = arith.maximumf %sub3A_123, %max3A_125 : vector<8x1024xf32>
      %mul3A_127 = arith.mulf %max3A_122, %max3A_126 : vector<8x1024xf32>
      %sub3A_128 = arith.subf %broadcast_in_dim3A_97, %broadcast_in_dim3A_85 : vector<8x1xf32>
      %sub3A_129 = arith.subf %broadcast_in_dim3A_103, %broadcast_in_dim3A_91 : vector<8x1xf32>
      %mul3A_130 = arith.mulf %sub3A_128, %sub3A_129 : vector<8x1xf32>
      %get3A_131 = arith.constant 0 : index
      %get3A_132 = arith.constant 0 : index
      %get3A_133 = vector.load %arg21[%get3A_131, %get3A_132] : memref<8x1024xf32, #tpu.memory_space<vmem>>, vector<8x1024xf32>
      %add3A = vector.broadcast %mul3A_130 : vector<8x1xf32> to vector<8x1024xf32>
      %add3A_134 = arith.addf %add3A, %get3A_133 : vector<8x1024xf32>
      %sub3A_135 = arith.subf %add3A_134, %mul3A_127 : vector<8x1024xf32>
      %add3A_136 = arith.constant 9.99999993E-9 : f32
      %add3A_137 = vector.broadcast %add3A_136 : f32 to vector<8x1024xf32>
      %add3A_138 = arith.addf %sub3A_135, %add3A_137 : vector<8x1024xf32>
      %div3A = arith.divf %mul3A_127, %add3A_138 : vector<8x1024xf32>
      %gt3A_139 = arith.constant 5.000000e-01 : f32
      %gt3A_140 = vector.broadcast %gt3A_139 : f32 to vector<8x1024xf32>
      %gt3A_141 = arith.cmpf ogt, %div3A, %gt3A_140 : vector<8x1024xf32>
      %or3A_142 = arith.ori %gt3A_141, %eq3A_68 : vector<8x1024xi1>
      %jit3A_143 = arith.constant 0xFF800000 : f32
      %broadcast_in_dim3A_144 = vector.broadcast %jit3A_143 : f32 to vector<8x1024xf32>
      %select_n3A_145 = arith.select %or3A_142, %broadcast_in_dim3A_144, %get3A_58 : vector<8x1024xi1>, vector<8x1024xf32>
      %swap3A_146 = arith.constant 0 : index
      %swap3A_147 = arith.constant 0 : index
      %swap3A_148 = vector.load %arg20[%swap3A_146, %swap3A_147] : memref<8x1024xf32, #tpu.memory_space<vmem>>, vector<8x1024xf32>
      tpu.vector_store %arg20[%swap3A_146, %swap3A_147], %select_n3A_145 {strides = array<i32>} : memref<8x1024xf32, #tpu.memory_space<vmem>>, vector<8x1024xf32>,
      %gt3A_149 = arith.constant 0xFF800000 : f32
      %gt3A_150 = vector.broadcast %gt3A_149 : f32 to vector<8x1xf32>
      %gt3A_151 = arith.cmpf ogt, %broadcast_in_dim3A_61, %gt3A_150 : vector<8x1xf32>
      %eq3A_152 = vector.broadcast %scan3A_54 : i32 to vector<8x100xi32>
      %eq3A_153 = arith.cmpi eq, %iota3A, %eq3A_152 : vector<8x100xi32>
      %jit3A_154 = arith.constant -1.000000e+00 : f32
      %broadcast_in_dim3A_155 = vector.broadcast %jit3A_154 : f32 to vector<8x1xf32>
      %select_n3A_156 = arith.select %gt3A_151, %broadcast_in_dim3A_61, %broadcast_in_dim3A_155 : vector<8x1xi1>, vector<8x1xf32>
      %get3A_157 = arith.constant 0 : index
      %get3A_158 = arith.constant 0 : index
      %get3A_159 = vector.load %arg14[%get3A_157, %get3A_158] : memref<8x100xf32, #tpu.memory_space<vmem>>, vector<8x100xf32>
      %broadcast_in_dim3A_160 = vector.shape_cast %select_n3A_156 : vector<8x1xf32> to vector<8x1xf32>
      %broadcast_in_dim3A_161 = vector.broadcast %broadcast_in_dim3A_160 : vector<8x1xf32> to vector<8x100xf32>
      %select_n3A_162 = arith.select %eq3A_153, %broadcast_in_dim3A_161, %get3A_159 : vector<8x100xi1>, vector<8x100xf32>
      %swap3A_163 = arith.constant 0 : index
      %swap3A_164 = arith.constant 0 : index
      %swap3A_165 = vector.load %arg14[%swap3A_163, %swap3A_164] : memref<8x100xf32, #tpu.memory_space<vmem>>, vector<8x100xf32>
      tpu.vector_store %arg14[%swap3A_163, %swap3A_164], %select_n3A_162 {strides = array<i32>} : memref<8x100xf32, #tpu.memory_space<vmem>>, vector<8x100xf32>,
      %jit3A_166 = arith.constant -1.000000e+00 : f32
      %broadcast_in_dim3A_167 = vector.broadcast %jit3A_166 : f32 to vector<8x1xf32>
      %select_n3A_168 = arith.select %gt3A_151, %broadcast_in_dim3A_85, %broadcast_in_dim3A_167 : vector<8x1xi1>, vector<8x1xf32>
      %get3A_169 = arith.constant 0 : index
      %get3A_170 = arith.constant 0 : index
      %get3A_171 = vector.load %arg15[%get3A_169, %get3A_170] : memref<8x100xf32, #tpu.memory_space<vmem>>, vector<8x100xf32>
      %broadcast_in_dim3A_172 = vector.shape_cast %select_n3A_168 : vector<8x1xf32> to vector<8x1xf32>
      %broadcast_in_dim3A_173 = vector.broadcast %broadcast_in_dim3A_172 : vector<8x1xf32> to vector<8x100xf32>
      %select_n3A_174 = arith.select %eq3A_153, %broadcast_in_dim3A_173, %get3A_171 : vector<8x100xi1>, vector<8x100xf32>
      %swap3A_175 = arith.constant 0 : index
      %swap3A_176 = arith.constant 0 : index
      %swap3A_177 = vector.load %arg15[%swap3A_175, %swap3A_176] : memref<8x100xf32, #tpu.memory_space<vmem>>, vector<8x100xf32>
      tpu.vector_store %arg15[%swap3A_175, %swap3A_176], %select_n3A_174 {strides = array<i32>} : memref<8x100xf32, #tpu.memory_space<vmem>>, vector<8x100xf32>,
      %jit3A_178 = arith.constant -1.000000e+00 : f32
      %broadcast_in_dim3A_179 = vector.broadcast %jit3A_178 : f32 to vector<8x1xf32>
      %select_n3A_180 = arith.select %gt3A_151, %broadcast_in_dim3A_91, %broadcast_in_dim3A_179 : vector<8x1xi1>, vector<8x1xf32>
      %get3A_181 = arith.constant 0 : index
      %get3A_182 = arith.constant 0 : index
      %get3A_183 = vector.load %arg16[%get3A_181, %get3A_182] : memref<8x100xf32, #tpu.memory_space<vmem>>, vector<8x100xf32>
      %broadcast_in_dim3A_184 = vector.shape_cast %select_n3A_180 : vector<8x1xf32> to vector<8x1xf32>
      %broadcast_in_dim3A_185 = vector.broadcast %broadcast_in_dim3A_184 : vector<8x1xf32> to vector<8x100xf32>
      %select_n3A_186 = arith.select %eq3A_153, %broadcast_in_dim3A_185, %get3A_183 : vector<8x100xi1>, vector<8x100xf32>
      %swap3A_187 = arith.constant 0 : index
      %swap3A_188 = arith.constant 0 : index
      %swap3A_189 = vector.load %arg16[%swap3A_187, %swap3A_188] : memref<8x100xf32, #tpu.memory_space<vmem>>, vector<8x100xf32>
      tpu.vector_store %arg16[%swap3A_187, %swap3A_188], %select_n3A_186 {strides = array<i32>} : memref<8x100xf32, #tpu.memory_space<vmem>>, vector<8x100xf32>,
      %jit3A_190 = arith.constant -1.000000e+00 : f32
      %broadcast_in_dim3A_191 = vector.broadcast %jit3A_190 : f32 to vector<8x1xf32>
      %select_n3A_192 = arith.select %gt3A_151, %broadcast_in_dim3A_97, %broadcast_in_dim3A_191 : vector<8x1xi1>, vector<8x1xf32>
      %get3A_193 = arith.constant 0 : index
      %get3A_194 = arith.constant 0 : index
      %get3A_195 = vector.load %arg17[%get3A_193, %get3A_194] : memref<8x100xf32, #tpu.memory_space<vmem>>, vector<8x100xf32>
      %broadcast_in_dim3A_196 = vector.shape_cast %select_n3A_192 : vector<8x1xf32> to vector<8x1xf32>
      %broadcast_in_dim3A_197 = vector.broadcast %broadcast_in_dim3A_196 : vector<8x1xf32> to vector<8x100xf32>
      %select_n3A_198 = arith.select %eq3A_153, %broadcast_in_dim3A_197, %get3A_195 : vector<8x100xi1>, vector<8x100xf32>
      %swap3A_199 = arith.constant 0 : index
      %swap3A_200 = arith.constant 0 : index
      %swap3A_201 = vector.load %arg17[%swap3A_199, %swap3A_200] : memref<8x100xf32, #tpu.memory_space<vmem>>, vector<8x100xf32>
      tpu.vector_store %arg17[%swap3A_199, %swap3A_200], %select_n3A_198 {strides = array<i32>} : memref<8x100xf32, #tpu.memory_space<vmem>>, vector<8x100xf32>,
      %jit3A_202 = arith.constant -1.000000e+00 : f32
      %broadcast_in_dim3A_203 = vector.broadcast %jit3A_202 : f32 to vector<8x1xf32>
      %select_n3A_204 = arith.select %gt3A_151, %broadcast_in_dim3A_103, %broadcast_in_dim3A_203 : vector<8x1xi1>, vector<8x1xf32>
      %get3A_205 = arith.constant 0 : index
      %get3A_206 = arith.constant 0 : index
      %get3A_207 = vector.load %arg18[%get3A_205, %get3A_206] : memref<8x100xf32, #tpu.memory_space<vmem>>, vector<8x100xf32>
      %broadcast_in_dim3A_208 = vector.shape_cast %select_n3A_204 : vector<8x1xf32> to vector<8x1xf32>
      %broadcast_in_dim3A_209 = vector.broadcast %broadcast_in_dim3A_208 : vector<8x1xf32> to vector<8x100xf32>
      %select_n3A_210 = arith.select %eq3A_153, %broadcast_in_dim3A_209, %get3A_207 : vector<8x100xi1>, vector<8x100xf32>
      %swap3A_211 = arith.constant 0 : index
      %swap3A_212 = arith.constant 0 : index
      %swap3A_213 = vector.load %arg18[%swap3A_211, %swap3A_212] : memref<8x100xf32, #tpu.memory_space<vmem>>, vector<8x100xf32>
      tpu.vector_store %arg18[%swap3A_211, %swap3A_212], %select_n3A_210 {strides = array<i32>} : memref<8x100xf32, #tpu.memory_space<vmem>>, vector<8x100xf32>,
      %jit3A_214 = arith.constant -1 : i32
      %broadcast_in_dim3A_215 = vector.broadcast %jit3A_214 : i32 to vector<8x1xi32>
      %select_n3A_216 = arith.select %gt3A_151, %broadcast_in_dim3A_112, %broadcast_in_dim3A_215 : vector<8x1xi1>, vector<8x1xi32>
      %get3A_217 = arith.constant 0 : index
      %get3A_218 = arith.constant 0 : index
      %get3A_219 = vector.load %arg19[%get3A_217, %get3A_218] : memref<8x100xi32, #tpu.memory_space<vmem>>, vector<8x100xi32>
      %broadcast_in_dim3A_220 = vector.shape_cast %select_n3A_216 : vector<8x1xi32> to vector<8x1xi32>
      %broadcast_in_dim3A_221 = vector.broadcast %broadcast_in_dim3A_220 : vector<8x1xi32> to vector<8x100xi32>
      %select_n3A_222 = arith.select %eq3A_153, %broadcast_in_dim3A_221, %get3A_219 : vector<8x100xi1>, vector<8x100xi32>
      %swap3A_223 = arith.constant 0 : index
      %swap3A_224 = arith.constant 0 : index
      %swap3A_225 = vector.load %arg19[%swap3A_223, %swap3A_224] : memref<8x100xi32, #tpu.memory_space<vmem>>, vector<8x100xi32>
      tpu.vector_store %arg19[%swap3A_223, %swap3A_224], %select_n3A_222 {strides = array<i32>} : memref<8x100xi32, #tpu.memory_space<vmem>>, vector<8x100xi32>,
      %convert_element_type3A_226 = arith.extui %gt3A_151 : vector<8x1xi1> to vector<8x1xi32>
      %add3A_227 = arith.addi %scan3A_55, %convert_element_type3A_226 : vector<8x1xi32>
      scf.yield %add3A_227 : vector<8x1xi32>
    }
    %scan3A_26 = arith.constant 100 : i32
    %get3A_27 = arith.constant 0 : index
    %get3A_28 = arith.constant 0 : index
    %get3A_29 = vector.load %arg6[%get3A_27, %get3A_28] : memref<8x16xi32, #tpu.memory_space<vmem>>, vector<8x1xi32>
    %get3A_30 = arith.constant 0 : index
    %get3A_31 = arith.constant 0 : index
    %get3A_32 = vector.load %arg7[%get3A_30, %get3A_31] : memref<8x64xi32, #tpu.memory_space<vmem>>, vector<8x64xi32>
    %reduce_max3A = arith.constant dense<-2147483648> : vector<8xi32>
    %reduce_max3A_33 = vector.multi_reduction <maxsi>, %get3A_32, %reduce_max3A [1] : vector<8x64xi32> to vector<8xi32>
    %broadcast_in_dim3A_34 = vector.shape_cast %reduce_max3A_33 : vector<8xi32> to vector<8x1xi32>
    %gt3A = arith.constant 0 : i32
    %gt3A_35 = vector.broadcast %gt3A : i32 to vector<8x1xi32>
    %gt3A_36 = arith.cmpi sgt, %broadcast_in_dim3A_34, %gt3A_35 : vector<8x1xi32>
    %eq3A = arith.constant 0 : i32
    %eq3A_37 = vector.broadcast %eq3A : i32 to vector<8x1xi32>
    %eq3A_38 = arith.cmpi eq, %get3A_29, %eq3A_37 : vector<8x1xi32>
    %or3A = arith.ori %gt3A_36, %eq3A_38 : vector<8x1xi1>
    %eq3A_39 = arith.constant 1 : i32
    %eq3A_40 = vector.broadcast %eq3A_39 : i32 to vector<8x1xi32>
    %eq3A_41 = arith.cmpi eq, %get3A_29, %eq3A_40 : vector<8x1xi32>
    %lt3A = arith.constant 100 : i32
    %lt3A_42 = vector.broadcast %lt3A : i32 to vector<8x1xi32>
    %lt3A_43 = arith.cmpi slt, %scan3A_25, %lt3A_42 : vector<8x1xi32>
    %and3A = arith.andi %eq3A_41, %lt3A_43 : vector<8x1xi1>
    %or3A_44 = arith.ori %or3A, %and3A : vector<8x1xi1>
    %convert_element_type3A = arith.extui %or3A_44 : vector<8x1xi1> to vector<8x1xi32>
    %reduce_max3A_45 = vector.shape_cast %convert_element_type3A : vector<8x1xi32> to vector<1x8x1xi32>
    %reduce_max3A_46 = arith.constant dense<-2147483648> : vector<1xi32>
    %reduce_max3A_47 = vector.multi_reduction <maxsi>, %reduce_max3A_45, %reduce_max3A_46 [1, 2] : vector<1x8x1xi32> to vector<1xi32>
    %reduce_max3A_48 = vector.shape_cast %reduce_max3A_47 : vector<1xi32> to vector<1x1x1xi32>
    %reduce_max3A_49 = vector.extract %reduce_max3A_48[0, 0, 0] : i32 from vector<1x1x1xi32>
    %gt3A_50 = arith.constant 0 : i32
    %gt3A_51 = arith.cmpi sgt, %reduce_max3A_49, %gt3A_50 : i32
    %convert_element_type3A_52 = arith.extui %gt3A_51 : i1 to i32
    %cond3A = arith.constant 0 : i32
    %cond3A_53 = arith.cmpi ne, %convert_element_type3A_52, %cond3A : i32
    scf.if %cond3A_53 {
      %get3A_54 = arith.constant 0 : index
      %get3A_55 = arith.constant 0 : index
      %get3A_56 = vector.load %arg8[%get3A_54, %get3A_55] : memref<8x20000xf32, #tpu.memory_space<vmem>>, vector<8x20000xf32>
      %gt3A_57 = arith.constant 0.00999999977 : f32
      %gt3A_58 = vector.broadcast %gt3A_57 : f32 to vector<8x20000xf32>
      %gt3A_59 = arith.cmpf ogt, %get3A_56, %gt3A_58 : vector<8x20000xf32>
      %jit3A = arith.constant 0xFF800000 : f32
      %broadcast_in_dim3A_60 = vector.broadcast %jit3A : f32 to vector<8x20000xf32>
      %select_n3A = arith.select %gt3A_59, %get3A_56, %broadcast_in_dim3A_60 : vector<8x20000xi1>, vector<8x20000xf32>
      %swap3A_61 = arith.constant 0 : index
      %swap3A_62 = arith.constant 0 : index
      %swap3A_63 = vector.load %arg22[%swap3A_61, %swap3A_62] : memref<8x20000xf32, #tpu.memory_space<vmem>>, vector<8x20000xf32>
      tpu.vector_store %arg22[%swap3A_61, %swap3A_62], %select_n3A {strides = array<i32>} : memref<8x20000xf32, #tpu.memory_space<vmem>>, vector<8x20000xf32>,
      %get3A_64 = arith.constant 0 : index
      %get3A_65 = arith.constant 0 : index
      %get3A_66 = vector.load %arg11[%get3A_64, %get3A_65] : memref<8x20000xf32, #tpu.memory_space<vmem>>, vector<8x20000xf32>
      %get3A_67 = arith.constant 0 : index
      %get3A_68 = arith.constant 0 : index
      %get3A_69 = vector.load %arg9[%get3A_67, %get3A_68] : memref<8x20000xf32, #tpu.memory_space<vmem>>, vector<8x20000xf32>
      %sub3A_70 = arith.subf %get3A_66, %get3A_69 : vector<8x20000xf32>
      %get3A_71 = arith.constant 0 : index
      %get3A_72 = arith.constant 0 : index
      %get3A_73 = vector.load %arg12[%get3A_71, %get3A_72] : memref<8x20000xf32, #tpu.memory_space<vmem>>, vector<8x20000xf32>
      %get3A_74 = arith.constant 0 : index
      %get3A_75 = arith.constant 0 : index
      %get3A_76 = vector.load %arg10[%get3A_74, %get3A_75] : memref<8x20000xf32, #tpu.memory_space<vmem>>, vector<8x20000xf32>
      %sub3A_77 = arith.subf %get3A_73, %get3A_76 : vector<8x20000xf32>
      %mul3A_78 = arith.mulf %sub3A_70, %sub3A_77 : vector<8x20000xf32>
      %swap3A_79 = arith.constant 0 : index
      %swap3A_80 = arith.constant 0 : index
      %swap3A_81 = vector.load %arg23[%swap3A_79, %swap3A_80] : memref<8x20000xf32, #tpu.memory_space<vmem>>, vector<8x20000xf32>
      tpu.vector_store %arg23[%swap3A_79, %swap3A_80], %mul3A_78 {strides = array<i32>} : memref<8x20000xf32, #tpu.memory_space<vmem>>, vector<8x20000xf32>,
      %iota3A_82 = tpu.iota {dimensions = array<i32: 1>} : vector<8x20000xi32>
      %scan3A_83 = arith.constant 0 : i32
      %scan3A_84 = arith.constant 100 : i32
      %scan3A_85 = arith.addi %scan3A_83, %scan3A_84 : i32
      %scan3A_86 = arith.constant 1 : i32
      scf.for %scan3A_88 = %scan3A_83 to %scan3A_85 step %scan3A_86  : i32 {
        %get3A_89 = arith.constant 0 : index
        %get3A_90 = arith.constant 0 : index
        %get3A_91 = vector.load %arg22[%get3A_89, %get3A_90] : memref<8x20000xf32, #tpu.memory_space<vmem>>, vector<8x20000xf32>
        %reduce_max3A_92 = arith.constant dense<0xFF800000> : vector<8xf32>
        %reduce_max3A_93 = vector.multi_reduction <maximumf>, %get3A_91, %reduce_max3A_92 [1] : vector<8x20000xf32> to vector<8xf32>
        %broadcast_in_dim3A_94 = vector.shape_cast %reduce_max3A_93 : vector<8xf32> to vector<8x1xf32>
        %eq3A_95 = vector.broadcast %broadcast_in_dim3A_94 : vector<8x1xf32> to vector<8x20000xf32>
        %eq3A_96 = arith.cmpf oeq, %get3A_91, %eq3A_95 : vector<8x20000xf32>
        %jit3A_97 = arith.constant 20000 : i32
        %broadcast_in_dim3A_98 = vector.broadcast %jit3A_97 : i32 to vector<8x20000xi32>
        %select_n3A_99 = arith.select %eq3A_96, %iota3A_82, %broadcast_in_dim3A_98 : vector<8x20000xi1>, vector<8x20000xi32>
        %reduce_min3A = arith.constant dense<2147483647> : vector<8xi32>
        %reduce_min3A_100 = vector.multi_reduction <minsi>, %select_n3A_99, %reduce_min3A [1] : vector<8x20000xi32> to vector<8xi32>
        %broadcast_in_dim3A_101 = vector.shape_cast %reduce_min3A_100 : vector<8xi32> to vector<8x1xi32>
        %eq3A_102 = vector.broadcast %broadcast_in_dim3A_101 : vector<8x1xi32> to vector<8x20000xi32>
        %eq3A_103 = arith.cmpi eq, %iota3A_82, %eq3A_102 : vector<8x20000xi32>
        %get3A_104 = arith.constant 0 : index
        %get3A_105 = arith.constant 0 : index
        %get3A_106 = vector.load %arg9[%get3A_104, %get3A_105] : memref<8x20000xf32, #tpu.memory_space<vmem>>, vector<8x20000xf32>
        %get3A_107 = arith.constant 0 : index
        %get3A_108 = arith.constant 0 : index
        %get3A_109 = vector.load %arg10[%get3A_107, %get3A_108] : memref<8x20000xf32, #tpu.memory_space<vmem>>, vector<8x20000xf32>
        %get3A_110 = arith.constant 0 : index
        %get3A_111 = arith.constant 0 : index
        %get3A_112 = vector.load %arg11[%get3A_110, %get3A_111] : memref<8x20000xf32, #tpu.memory_space<vmem>>, vector<8x20000xf32>
        %get3A_113 = arith.constant 0 : index
        %get3A_114 = arith.constant 0 : index
        %get3A_115 = vector.load %arg12[%get3A_113, %get3A_114] : memref<8x20000xf32, #tpu.memory_space<vmem>>, vector<8x20000xf32>
        %jit3A_116 = arith.constant 0.000000e+00 : f32
        %broadcast_in_dim3A_117 = vector.broadcast %jit3A_116 : f32 to vector<8x20000xf32>
        %select_n3A_118 = arith.select %eq3A_103, %get3A_106, %broadcast_in_dim3A_117 : vector<8x20000xi1>, vector<8x20000xf32>
        %reduce_sum3A = arith.constant dense<0.000000e+00> : vector<8xf32>
        %reduce_sum3A_119 = vector.multi_reduction <add>, %select_n3A_118, %reduce_sum3A [1] : vector<8x20000xf32> to vector<8xf32>
        %broadcast_in_dim3A_120 = vector.shape_cast %reduce_sum3A_119 : vector<8xf32> to vector<8x1xf32>
        %jit3A_121 = arith.constant 0.000000e+00 : f32
        %broadcast_in_dim3A_122 = vector.broadcast %jit3A_121 : f32 to vector<8x20000xf32>
        %select_n3A_123 = arith.select %eq3A_103, %get3A_109, %broadcast_in_dim3A_122 : vector<8x20000xi1>, vector<8x20000xf32>
        %reduce_sum3A_124 = arith.constant dense<0.000000e+00> : vector<8xf32>
        %reduce_sum3A_125 = vector.multi_reduction <add>, %select_n3A_123, %reduce_sum3A_124 [1] : vector<8x20000xf32> to vector<8xf32>
        %broadcast_in_dim3A_126 = vector.shape_cast %reduce_sum3A_125 : vector<8xf32> to vector<8x1xf32>
        %jit3A_127 = arith.constant 0.000000e+00 : f32
        %broadcast_in_dim3A_128 = vector.broadcast %jit3A_127 : f32 to vector<8x20000xf32>
        %select_n3A_129 = arith.select %eq3A_103, %get3A_112, %broadcast_in_dim3A_128 : vector<8x20000xi1>, vector<8x20000xf32>
        %reduce_sum3A_130 = arith.constant dense<0.000000e+00> : vector<8xf32>
        %reduce_sum3A_131 = vector.multi_reduction <add>, %select_n3A_129, %reduce_sum3A_130 [1] : vector<8x20000xf32> to vector<8xf32>
        %broadcast_in_dim3A_132 = vector.shape_cast %reduce_sum3A_131 : vector<8xf32> to vector<8x1xf32>
        %jit3A_133 = arith.constant 0.000000e+00 : f32
        %broadcast_in_dim3A_134 = vector.broadcast %jit3A_133 : f32 to vector<8x20000xf32>
        %select_n3A_135 = arith.select %eq3A_103, %get3A_115, %broadcast_in_dim3A_134 : vector<8x20000xi1>, vector<8x20000xf32>
        %reduce_sum3A_136 = arith.constant dense<0.000000e+00> : vector<8xf32>
        %reduce_sum3A_137 = vector.multi_reduction <add>, %select_n3A_135, %reduce_sum3A_136 [1] : vector<8x20000xf32> to vector<8xf32>
        %broadcast_in_dim3A_138 = vector.shape_cast %reduce_sum3A_137 : vector<8xf32> to vector<8x1xf32>
        %get3A_139 = arith.constant 0 : index
        %get3A_140 = arith.constant 0 : index
        %get3A_141 = vector.load %arg13[%get3A_139, %get3A_140] : memref<8x20000xi32, #tpu.memory_space<vmem>>, vector<8x20000xi32>
        %jit3A_142 = arith.constant 0 : i32
        %broadcast_in_dim3A_143 = vector.broadcast %jit3A_142 : i32 to vector<8x20000xi32>
        %select_n3A_144 = arith.select %eq3A_103, %get3A_141, %broadcast_in_dim3A_143 : vector<8x20000xi1>, vector<8x20000xi32>
        %reduce_sum3A_145 = arith.constant dense<0> : vector<8xi32>
        %reduce_sum3A_146 = vector.multi_reduction <add>, %select_n3A_144, %reduce_sum3A_145 [1] : vector<8x20000xi32> to vector<8xi32>
        %broadcast_in_dim3A_147 = vector.shape_cast %reduce_sum3A_146 : vector<8xi32> to vector<8x1xi32>
        %max3A = vector.broadcast %broadcast_in_dim3A_120 : vector<8x1xf32> to vector<8x20000xf32>
        %max3A_148 = arith.maximumf %max3A, %get3A_106 : vector<8x20000xf32>
        %max3A_149 = vector.broadcast %broadcast_in_dim3A_126 : vector<8x1xf32> to vector<8x20000xf32>
        %max3A_150 = arith.maximumf %max3A_149, %get3A_109 : vector<8x20000xf32>
        %min3A = vector.broadcast %broadcast_in_dim3A_132 : vector<8x1xf32> to vector<8x20000xf32>
        %min3A_151 = arith.minimumf %min3A, %get3A_112 : vector<8x20000xf32>
        %min3A_152 = vector.broadcast %broadcast_in_dim3A_138 : vector<8x1xf32> to vector<8x20000xf32>
        %min3A_153 = arith.minimumf %min3A_152, %get3A_115 : vector<8x20000xf32>
        %sub3A_154 = arith.subf %min3A_151, %max3A_148 : vector<8x20000xf32>
        %max3A_155 = arith.constant 0.000000e+00 : f32
        %max3A_156 = vector.broadcast %max3A_155 : f32 to vector<8x20000xf32>
        %max3A_157 = arith.maximumf %sub3A_154, %max3A_156 : vector<8x20000xf32>
        %sub3A_158 = arith.subf %min3A_153, %max3A_150 : vector<8x20000xf32>
        %max3A_159 = arith.constant 0.000000e+00 : f32
        %max3A_160 = vector.broadcast %max3A_159 : f32 to vector<8x20000xf32>
        %max3A_161 = arith.maximumf %sub3A_158, %max3A_160 : vector<8x20000xf32>
        %mul3A_162 = arith.mulf %max3A_157, %max3A_161 : vector<8x20000xf32>
        %sub3A_163 = arith.subf %broadcast_in_dim3A_132, %broadcast_in_dim3A_120 : vector<8x1xf32>
        %sub3A_164 = arith.subf %broadcast_in_dim3A_138, %broadcast_in_dim3A_126 : vector<8x1xf32>
        %mul3A_165 = arith.mulf %sub3A_163, %sub3A_164 : vector<8x1xf32>
        %get3A_166 = arith.constant 0 : index
        %get3A_167 = arith.constant 0 : index
        %get3A_168 = vector.load %arg23[%get3A_166, %get3A_167] : memref<8x20000xf32, #tpu.memory_space<vmem>>, vector<8x20000xf32>
        %add3A = vector.broadcast %mul3A_165 : vector<8x1xf32> to vector<8x20000xf32>
        %add3A_169 = arith.addf %add3A, %get3A_168 : vector<8x20000xf32>
        %sub3A_170 = arith.subf %add3A_169, %mul3A_162 : vector<8x20000xf32>
        %add3A_171 = arith.constant 9.99999993E-9 : f32
        %add3A_172 = vector.broadcast %add3A_171 : f32 to vector<8x20000xf32>
        %add3A_173 = arith.addf %sub3A_170, %add3A_172 : vector<8x20000xf32>
        %div3A = arith.divf %mul3A_162, %add3A_173 : vector<8x20000xf32>
        %gt3A_174 = arith.constant 5.000000e-01 : f32
        %gt3A_175 = vector.broadcast %gt3A_174 : f32 to vector<8x20000xf32>
        %gt3A_176 = arith.cmpf ogt, %div3A, %gt3A_175 : vector<8x20000xf32>
        %or3A_177 = arith.ori %gt3A_176, %eq3A_103 : vector<8x20000xi1>
        %jit3A_178 = arith.constant 0xFF800000 : f32
        %broadcast_in_dim3A_179 = vector.broadcast %jit3A_178 : f32 to vector<8x20000xf32>
        %select_n3A_180 = arith.select %or3A_177, %broadcast_in_dim3A_179, %get3A_91 : vector<8x20000xi1>, vector<8x20000xf32>
        %swap3A_181 = arith.constant 0 : index
        %swap3A_182 = arith.constant 0 : index
        %swap3A_183 = vector.load %arg22[%swap3A_181, %swap3A_182] : memref<8x20000xf32, #tpu.memory_space<vmem>>, vector<8x20000xf32>
        tpu.vector_store %arg22[%swap3A_181, %swap3A_182], %select_n3A_180 {strides = array<i32>} : memref<8x20000xf32, #tpu.memory_space<vmem>>, vector<8x20000xf32>,
        %gt3A_184 = arith.constant 0xFF800000 : f32
        %gt3A_185 = vector.broadcast %gt3A_184 : f32 to vector<8x1xf32>
        %gt3A_186 = arith.cmpf ogt, %broadcast_in_dim3A_94, %gt3A_185 : vector<8x1xf32>
        %eq3A_187 = vector.broadcast %scan3A_88 : i32 to vector<8x100xi32>
        %eq3A_188 = arith.cmpi eq, %iota3A, %eq3A_187 : vector<8x100xi32>
        %jit3A_189 = arith.constant -1.000000e+00 : f32
        %broadcast_in_dim3A_190 = vector.broadcast %jit3A_189 : f32 to vector<8x1xf32>
        %select_n3A_191 = arith.select %gt3A_186, %broadcast_in_dim3A_94, %broadcast_in_dim3A_190 : vector<8x1xi1>, vector<8x1xf32>
        %get3A_192 = arith.constant 0 : index
        %get3A_193 = arith.constant 0 : index
        %get3A_194 = vector.load %arg14[%get3A_192, %get3A_193] : memref<8x100xf32, #tpu.memory_space<vmem>>, vector<8x100xf32>
        %broadcast_in_dim3A_195 = vector.shape_cast %select_n3A_191 : vector<8x1xf32> to vector<8x1xf32>
        %broadcast_in_dim3A_196 = vector.broadcast %broadcast_in_dim3A_195 : vector<8x1xf32> to vector<8x100xf32>
        %select_n3A_197 = arith.select %eq3A_188, %broadcast_in_dim3A_196, %get3A_194 : vector<8x100xi1>, vector<8x100xf32>
        %swap3A_198 = arith.constant 0 : index
        %swap3A_199 = arith.constant 0 : index
        %swap3A_200 = vector.load %arg14[%swap3A_198, %swap3A_199] : memref<8x100xf32, #tpu.memory_space<vmem>>, vector<8x100xf32>
        tpu.vector_store %arg14[%swap3A_198, %swap3A_199], %select_n3A_197 {strides = array<i32>} : memref<8x100xf32, #tpu.memory_space<vmem>>, vector<8x100xf32>,
        %jit3A_201 = arith.constant -1.000000e+00 : f32
        %broadcast_in_dim3A_202 = vector.broadcast %jit3A_201 : f32 to vector<8x1xf32>
        %select_n3A_203 = arith.select %gt3A_186, %broadcast_in_dim3A_120, %broadcast_in_dim3A_202 : vector<8x1xi1>, vector<8x1xf32>
        %get3A_204 = arith.constant 0 : index
        %get3A_205 = arith.constant 0 : index
        %get3A_206 = vector.load %arg15[%get3A_204, %get3A_205] : memref<8x100xf32, #tpu.memory_space<vmem>>, vector<8x100xf32>
        %broadcast_in_dim3A_207 = vector.shape_cast %select_n3A_203 : vector<8x1xf32> to vector<8x1xf32>
        %broadcast_in_dim3A_208 = vector.broadcast %broadcast_in_dim3A_207 : vector<8x1xf32> to vector<8x100xf32>
        %select_n3A_209 = arith.select %eq3A_188, %broadcast_in_dim3A_208, %get3A_206 : vector<8x100xi1>, vector<8x100xf32>
        %swap3A_210 = arith.constant 0 : index
        %swap3A_211 = arith.constant 0 : index
        %swap3A_212 = vector.load %arg15[%swap3A_210, %swap3A_211] : memref<8x100xf32, #tpu.memory_space<vmem>>, vector<8x100xf32>
        tpu.vector_store %arg15[%swap3A_210, %swap3A_211], %select_n3A_209 {strides = array<i32>} : memref<8x100xf32, #tpu.memory_space<vmem>>, vector<8x100xf32>,
        %jit3A_213 = arith.constant -1.000000e+00 : f32
        %broadcast_in_dim3A_214 = vector.broadcast %jit3A_213 : f32 to vector<8x1xf32>
        %select_n3A_215 = arith.select %gt3A_186, %broadcast_in_dim3A_126, %broadcast_in_dim3A_214 : vector<8x1xi1>, vector<8x1xf32>
        %get3A_216 = arith.constant 0 : index
        %get3A_217 = arith.constant 0 : index
        %get3A_218 = vector.load %arg16[%get3A_216, %get3A_217] : memref<8x100xf32, #tpu.memory_space<vmem>>, vector<8x100xf32>
        %broadcast_in_dim3A_219 = vector.shape_cast %select_n3A_215 : vector<8x1xf32> to vector<8x1xf32>
        %broadcast_in_dim3A_220 = vector.broadcast %broadcast_in_dim3A_219 : vector<8x1xf32> to vector<8x100xf32>
        %select_n3A_221 = arith.select %eq3A_188, %broadcast_in_dim3A_220, %get3A_218 : vector<8x100xi1>, vector<8x100xf32>
        %swap3A_222 = arith.constant 0 : index
        %swap3A_223 = arith.constant 0 : index
        %swap3A_224 = vector.load %arg16[%swap3A_222, %swap3A_223] : memref<8x100xf32, #tpu.memory_space<vmem>>, vector<8x100xf32>
        tpu.vector_store %arg16[%swap3A_222, %swap3A_223], %select_n3A_221 {strides = array<i32>} : memref<8x100xf32, #tpu.memory_space<vmem>>, vector<8x100xf32>,
        %jit3A_225 = arith.constant -1.000000e+00 : f32
        %broadcast_in_dim3A_226 = vector.broadcast %jit3A_225 : f32 to vector<8x1xf32>
        %select_n3A_227 = arith.select %gt3A_186, %broadcast_in_dim3A_132, %broadcast_in_dim3A_226 : vector<8x1xi1>, vector<8x1xf32>
        %get3A_228 = arith.constant 0 : index
        %get3A_229 = arith.constant 0 : index
        %get3A_230 = vector.load %arg17[%get3A_228, %get3A_229] : memref<8x100xf32, #tpu.memory_space<vmem>>, vector<8x100xf32>
        %broadcast_in_dim3A_231 = vector.shape_cast %select_n3A_227 : vector<8x1xf32> to vector<8x1xf32>
        %broadcast_in_dim3A_232 = vector.broadcast %broadcast_in_dim3A_231 : vector<8x1xf32> to vector<8x100xf32>
        %select_n3A_233 = arith.select %eq3A_188, %broadcast_in_dim3A_232, %get3A_230 : vector<8x100xi1>, vector<8x100xf32>
        %swap3A_234 = arith.constant 0 : index
        %swap3A_235 = arith.constant 0 : index
        %swap3A_236 = vector.load %arg17[%swap3A_234, %swap3A_235] : memref<8x100xf32, #tpu.memory_space<vmem>>, vector<8x100xf32>
        tpu.vector_store %arg17[%swap3A_234, %swap3A_235], %select_n3A_233 {strides = array<i32>} : memref<8x100xf32, #tpu.memory_space<vmem>>, vector<8x100xf32>,
        %jit3A_237 = arith.constant -1.000000e+00 : f32
        %broadcast_in_dim3A_238 = vector.broadcast %jit3A_237 : f32 to vector<8x1xf32>
        %select_n3A_239 = arith.select %gt3A_186, %broadcast_in_dim3A_138, %broadcast_in_dim3A_238 : vector<8x1xi1>, vector<8x1xf32>
        %get3A_240 = arith.constant 0 : index
        %get3A_241 = arith.constant 0 : index
        %get3A_242 = vector.load %arg18[%get3A_240, %get3A_241] : memref<8x100xf32, #tpu.memory_space<vmem>>, vector<8x100xf32>
        %broadcast_in_dim3A_243 = vector.shape_cast %select_n3A_239 : vector<8x1xf32> to vector<8x1xf32>
        %broadcast_in_dim3A_244 = vector.broadcast %broadcast_in_dim3A_243 : vector<8x1xf32> to vector<8x100xf32>
        %select_n3A_245 = arith.select %eq3A_188, %broadcast_in_dim3A_244, %get3A_242 : vector<8x100xi1>, vector<8x100xf32>
        %swap3A_246 = arith.constant 0 : index
        %swap3A_247 = arith.constant 0 : index
        %swap3A_248 = vector.load %arg18[%swap3A_246, %swap3A_247] : memref<8x100xf32, #tpu.memory_space<vmem>>, vector<8x100xf32>
        tpu.vector_store %arg18[%swap3A_246, %swap3A_247], %select_n3A_245 {strides = array<i32>} : memref<8x100xf32, #tpu.memory_space<vmem>>, vector<8x100xf32>,
        %jit3A_249 = arith.constant -1 : i32
        %broadcast_in_dim3A_250 = vector.broadcast %jit3A_249 : i32 to vector<8x1xi32>
        %select_n3A_251 = arith.select %gt3A_186, %broadcast_in_dim3A_147, %broadcast_in_dim3A_250 : vector<8x1xi1>, vector<8x1xi32>
        %get3A_252 = arith.constant 0 : index
        %get3A_253 = arith.constant 0 : index
        %get3A_254 = vector.load %arg19[%get3A_252, %get3A_253] : memref<8x100xi32, #tpu.memory_space<vmem>>, vector<8x100xi32>
        %broadcast_in_dim3A_255 = vector.shape_cast %select_n3A_251 : vector<8x1xi32> to vector<8x1xi32>
        %broadcast_in_dim3A_256 = vector.broadcast %broadcast_in_dim3A_255 : vector<8x1xi32> to vector<8x100xi32>
        %select_n3A_257 = arith.select %eq3A_188, %broadcast_in_dim3A_256, %get3A_254 : vector<8x100xi1>, vector<8x100xi32>
        %swap3A_258 = arith.constant 0 : index
        %swap3A_259 = arith.constant 0 : index
        %swap3A_260 = vector.load %arg19[%swap3A_258, %swap3A_259] : memref<8x100xi32, #tpu.memory_space<vmem>>, vector<8x100xi32>
        tpu.vector_store %arg19[%swap3A_258, %swap3A_259], %select_n3A_257 {strides = array<i32>} : memref<8x100xi32, #tpu.memory_space<vmem>>, vector<8x100xi32>,
      }
      %scan3A_87 = arith.constant 100 : i32
    } else {
    }
    return
  }
}

</mosaic_0001>

<sc_bundles>
// kernel: kernel.6.cloned.1.call-start
scs
__scs_entry_jumppad:
0x0: {  	(pc) =	sbr.rel $0x88, $3  }
0x1: {  	(tag) =	ssettag $0x0;
	lr =	simm.s32 $0x1  }
0x2: {  	[smem:$0x3F9F] =	sst lr;
	_ =	strace $0xD0000000  }
0x3: {  	_ = 	snop  }
0x4: {  	_ = 	snop  }
0x5: {  	_ = 	snop  }
0x6: {  	_ = 	snop  }
0x7: {  	_ = 	snop  }
__scs_overlays_trampoline_lowered:
0x8: {  	[smem:$0x3FAE] =	sst s0  }
0x9: {  	[smem:$0x3FAF] =	sst s1  }
0xa: {  	[smem:$0x3FB0] =	sst s2  }
0xb: {  	[smem:$0x3FB1] =	sst s3  }
0xc: {  	[smem:$0x3FB2] =	sst s4  }
0xd: {  	[smem:$0x3FB3] =	sst s5  }
0xe: {  	[smem:$0x3FB4] =	sst s6  }
0xf: {  	[smem:$0x3FB5] =	sst s7  }
0x10: {  	[smem:$0x3FB6] =	sst s8  }
0x11: {  	[smem:$0x3FB7] =	sst s9;
	s0 =	simm.s32 @!p0 $0x0  }
0x12: {  	s1 =	sld [smem:$0x3F9D];
	s0 =	simm.s32 @p0 $0x1  }
0x13: {  	[smem:$0x3FB8] =	sst s0;
	s0 =	simm.s32 @!p1 $0x0  }
0x14: {  	s2 =	sld [smem:$0x3F9C];
	s0 =	simm.s32 @p1 $0x1  }
0x15: {  	[smem:$0x3FB9] =	sst s0;
	s0 =	simm.s32 @!p2 $0x0  }
0x16: {  	s3 =	sld [smem:$0x3FDB];
	s0 =	simm.s32 @p2 $0x1  }
0x17: {  	s4 =	simm.s32 $0x1BF5;
	[smem:$0x3FBB] =	sst s0  }
0x18: {  	s0 =	sld [smem:$0x3F9E];
	_ =	swait.ge [sflag:s4], $0x0  }
0x19: {  	s7 =	sld [smem:$0x3F9F]  }
0x1a: {  	s8 =	sadd.s32 $0xFFFFE003, lr  }
0x1b: {  	s9 =	sadd.s32 $0xFFFFFEF7, lr;
	s5 =	simm.s32 $0xFFFFFFFF;
	p2 =	slt.u32 s8, $0xFFFFF086  }
0x1c: {  	p1 =	slt.u32 s9, $0xF7A;
	s5 =	simm.s32 @!p2 $0x0  }
0x1d: {  	s5 =	simm.s32 @p1 $0x1;
	p0 =	seq.s32 s7, s2  }
0x1e: {  	s7 =	smul.u32 @!p0 $0xF7A, s2;
	p2 =	seq.s32 @!p0 s5, $0x0  }
0x1f: {  	s9 =	smul.u32 $0xF7A, s1;
	s8 =	simm.s32 @!p0 $0x1BF5;
	p2 =	por !p2, p0  }
0x20: {  	[sflag:s8] =	ssyncset.s32 @!p0 $0xFFFFF086;
	s6 =	sadd.s32 @!p0 s3, s7;
	s7 =	simm.s32 @!p0 $0x108  }
0x21: {  	s3 =	sadd.s32 s3, s9;
	s6 =	sadd.s32 @!p0 $0x88, s6;
	s7 =	simm.s32 @p2 $0x1082  }
0x22: {  	[simem:s7], [sflag:s8] =	dma.local @!p0 [hbm:s6], $0xF7A  }
0x23: {  	s9 =	sor.u32 $0xD0000000, s2;
	s6 =	simm.s32 $0x108;
	_ =	swait.ge @!p0 [sflag:s8], $0x0  }
0x24: {  	s3 =	sadd.s32 $0x88, s3;
	s6 =	simm.s32 @!p1 $0x1082;
	[sflag:s4] =	ssyncset.s32 $0xFFFFF086  }
0x25: {  	[simem:s6], [sflag:s4] =	dma.local [hbm:s3], $0xF7A  }
0x26: {  	[smem:$0x3F9F] =	sst s1;
	(tag) =	ssettag s2;
	_ =	strace s9  }
0x27: {  	s1 =	sld [smem:$0x3FAF]  }
0x28: {  	s2 =	sld [smem:$0x3FB0]  }
0x29: {  	s4 =	sld [smem:$0x3FB2]  }
0x2a: {  	p0 =	seq.s32 s5, $0x0;
	s5 =	sld [smem:$0x3FB3]  }
0x2b: {  	s6 =	sld [smem:$0x3FB4]  }
0x2c: {  	s7 =	sld [smem:$0x3FB5]  }
0x2d: {  	s3 =	simm.s32 $0x108;
	s8 =	sld [smem:$0x3FB6]  }
0x2e: {  	s3 =	simm.s32 @!p0 $0x1082;
	s9 =	sld [smem:$0x3FB7]  }
0x2f: {  	lr =	sadd.s32 s0, s3;
	s0 =	sld [smem:$0x3FAE]  }
0x30: {  	s3 =	sld [smem:$0x3FB1]  }
0x31: {  	[smem:$0x3FBA] =	sst s10  }
0x32: {  	s10 =	sld [smem:$0x3FB8];
	_ =	sdelay $0x3  }
0x33: {  	p0 =	seq.s32 s10, $0x1;
	s10 =	sld [smem:$0x3FBA];
	_ =	sdelay $0x3  }
0x34: {  	[smem:$0x3FBA] =	sst s10  }
0x35: {  	s10 =	sld [smem:$0x3FB9];
	_ =	sdelay $0x3  }
0x36: {  	p1 =	seq.s32 s10, $0x1;
	s10 =	sld [smem:$0x3FBA];
	_ =	sdelay $0x3  }
0x37: {  	[smem:$0x3FBA] =	sst s10  }
0x38: {  	s10 =	sld [smem:$0x3FBB]  }
0x39: {  	_ = 	snop;
	(pc) =	sbr.ind lr, $3  }
0x3a: {  	_ = 	snop  }
0x3b: {  	_ = 	snop  }
0x3c: {  	p2 =	seq.s32 s10, $0x1;
	s10 =	sld [smem:$0x3FBA]  }
0x3d: {  	_ =	shalt  }
0x3e: {  	_ =	shalt  }
0x3f: {  	_ =	shalt  }
0x40: {  	_ =	shalt  }
0x41: {  	_ =	shalt  }
0x42: {  	_ =	shalt  }
0x43: {  	_ =	shalt  }
0x44: {  	_ =	shalt  }
0x45: {  	_ =	shalt  }
0x46: {  	_ =	shalt  }
0x47: {  	_ =	shalt  }
0x48: {  	_ =	shalt  }
0x49: {  	_ =	shalt  }
0x4a: {  	_ =	shalt  }
0x4b: {  	_ =	shalt  }
0x4c: {  	_ =	shalt  }
0x4d: {  	_ =	shalt  }
0x4e: {  	_ =	shalt  }
0x4f: {  	_ =	shalt  }
0x50: {  	_ =	shalt  }
0x51: {  	_ =	shalt  }
0x52: {  	_ =	shalt  }
0x53: {  	_ =	shalt  }
0x54: {  	_ =	shalt  }
0x55: {  	_ =	shalt  }
0x56: {  	_ =	shalt  }
0x57: {  	_ =	shalt  }
0x58: {  	_ =	shalt  }
0x59: {  	_ =	shalt  }
0x5a: {  	_ =	shalt  }
0x5b: {  	_ =	shalt  }
0x5c: {  	_ =	shalt  }
0x5d: {  	_ =	shalt  }
0x5e: {  	_ =	shalt  }
0x5f: {  	_ =	shalt  }
0x60: {  	_ =	shalt  }
0x61: {  	_ =	shalt  }
0x62: {  	_ =	shalt  }
0x63: {  	_ =	shalt  }
0x64: {  	_ =	shalt  }
0x65: {  	_ =	shalt  }
0x66: {  	_ =	shalt  }
0x67: {  	_ =	shalt  }
0x68: {  	_ =	shalt  }
0x69: {  	_ =	shalt  }
0x6a: {  	_ =	shalt  }
0x6b: {  	_ =	shalt  }
0x6c: {  	_ =	shalt  }
0x6d: {  	_ =	shalt  }
0x6e: {  	_ =	shalt  }
0x6f: {  	_ =	shalt  }
0x70: {  	_ =	shalt  }
0x71: {  	_ =	shalt  }
0x72: {  	_ =	shalt  }
0x73: {  	_ =	shalt  }
0x74: {  	_ =	shalt  }
0x75: {  	_ =	shalt  }
0x76: {  	_ =	shalt  }
0x77: {  	_ =	shalt  }
0x78: {  	_ =	shalt  }
0x79: {  	_ =	shalt  }
0x7a: {  	_ =	shalt  }
0x7b: {  	_ =	shalt  }
0x7c: {  	_ =	shalt  }
0x7d: {  	_ =	shalt  }
0x7e: {  	_ =	shalt  }
0x7f: {  	_ =	shalt  }
0x80: {  	_ =	shalt  }
0x81: {  	_ =	shalt  }
0x82: {  	_ =	shalt  }
0x83: {  	_ =	shalt  }
0x84: {  	_ =	shalt  }
0x85: {  	_ =	shalt  }
0x86: {  	_ =	shalt  }
0x87: {  	_ =	shalt  }
.Lfunc_end0:
.L_simem_size_0:
called_computation_lowered:
.L_overlay_start_0:
0x88: {  	s2 =	sld [smem:$0x3FD9]  }
0x89: {  	s3 =	sld [smem:$0x3FFE];
	_ =	sdelay $0x1  }
0x8a: {  	s1 =	srdreg.scid  }
0x8b: {  	s0 =	sand.u32 $0x1, s1  }
0x8c: {  	s14 =	sshll.u32 s0, $0xA;
	s2 =	sadd.s32 s3, s2  }
0x8d: {  	s2 =	sadd.s32 s2, s14  }
0x8e: {  	[smem:$0x3FC6] =	sst s2  }
0x8f: {  	_ = 	snop  }
0x90: {  	s2 =	sld [smem:$0x3FD0];
	_ =	sdelay $0x2  }
0x91: {  	s15 =	simm.s32 $0xA;
	s4 =	simm.s32 $0x10  }
0x92: {  	[smem:s4], [sflag:s15] =	dma.local [hbm:s2], $0x1  }
0x93: {  	_ =	swait.eq [sflag:s15], $0x1  }
0x94: {  	[sflag:s15] =	ssyncset.done $0x0  }
0x95: {  	s16 =	sld [smem:$0x10];
	[sflag:s15] =	ssyncadd.s32 $0xFFFFFFFF  }
0x96: {  	s17 =	sld [smem:$0x12];
	(tm) =	ssettm $0x1  }
0x97: {  	s18 =	sld [smem:$0x3FFB];
	_ =	sdelay $0x3  }
0x98: {  	_ =	strace s18  }
0x99: {  	s4 =	sld [smem:$0x3FFC];
	_ =	sdelay $0x3  }
0x9a: {  	_ =	strace s4  }
0x9b: {  	s4 =	sld [smem:$0x3FFD];
	_ =	sdelay $0x3  }
0x9c: {  	_ =	strace s4  }
0x9d: {  	_ =	strace $0x8FFFFFFF  }
0x9e: {  	s19 =	sld [smem:$0x3FDB];
	_ =	sdelay $0x1  }
0x9f: {  	s5 =	simm.s32 $_scs_section_size  }
0xa0: {  	s6 =	simm.s32 $_size__tile_overlayer_lowered;
	s7 =	simm.s32 $_tile_overlayer_lowered  }
0xa1: {  	s22 =	simm.s32 $0x1BFF;
	s21 =	sshll.u32 s7, $0x1;
	s4 =	sadd.s32 s5, s19  }
0xa2: {  	s8 =	simm.s32 $0x0;
	s20 =	sshll.u32 s6, $0x1;
	s6 =	sadd.s32 s21, s4  }
0xa3: {  	[timem:s8], [sflag:s22] =	dma.local [hbm:s6], s20  }
0xa4: {  	_ =	swait.ge [sflag:s22], s20  }
0xa5: {  	s5 =	ssub.s32 $0x0, s20;
	[sflag:s22] =	ssyncset.done $0x0  }
0xa6: {  	[sflag:s22] =	ssyncadd.s32 s5;
	_ =	sdelay $0x1  }
0xa7: {  	s23 =	simm.s32 $0x1B8B  }
0xa8: {  	_ =	swait.ge [sflag:s23], $0x1  }
0xa9: {  	[sflag:s23] =	ssyncset.done $0x0  }
0xaa: {  	s25 =	simm.s32 $0x1B8E;
	s24 =	sld [smem:$0x3FFE];
	[sflag:s23] =	ssyncadd.s32 $0xFFFFFFFF  }
0xab: {  	s26 =	simm.s32 $execute0_lowered;
	[smem:$0x3FD2] =	sst s25  }
0xac: {  	s6 =	sshll.u32 s26, $0x1;
	_ =	strace $0x80000046;
	[dreg:$0x1] =	wrdreg $0xFFFFFFFF  }
0xad: {  	s28 =	simm.s32 $_size_execute0_lowered;
	s4 =	sadd.s32 s4, s6;
	[dreg:$0x0] =	wrdreg $0x0  }
0xae: {  	s6 =	sshll.u32 s28, $0x1;
	[dreg:$0x2] =	wrdreg s4  }
0xaf: {  	[dreg:$0x3] =	wrdreg s6  }
0xb0: {  	[dreg:$0x4] =	wrdreg $0xC0  }
0xb1: {  	_ =	task [dreg:s8], $0x5FFFF  }
0xb2: {  	[dreg:$0x1] =	wrdreg $0xFFFFFFFF  }
0xb3: {  	[dreg:$0x0] =	wrdreg $0x60  }
0xb4: {  	[dreg:$0x2] =	wrdreg s24  }
0xb5: {  	[dreg:$0x3] =	wrdreg s17  }
0xb6: {  	[dreg:$0x4] =	wrdreg s16  }
0xb7: {  	[dreg:$0x5] =	wrdreg $0x3C000  }
0xb8: {  	[dreg:$0x6] =	wrdreg $0x9  }
0xb9: {  	_ =	task.clear_ibuf [dreg:s8], $0x7FFFF;
	_ =	strace $0x90000046  }
0xba: {  	s29 =	simm.s32 $0x9;
	_ =	strace $0x80000048  }
0xbb: {  	_ =	swait.ge [sflag:s29], $0x1  }
0xbc: {  	[sflag:s29] =	ssyncadd.s32 $0xFFFFFFFF  }
0xbd: {  	_ =	strace $0x90000048  }
0xbe: {  	_ =	sfence  }
0xbf: {  	s30 =	sld [smem:$0x0];
	_ =	sdelay $0x2  }
0xc0: {  	s31 =	sshll.u32 s1, $0xD;
	s1 =	sshrl.u32 s1, $0x2  }
0xc1: {  	s3 =	sand.u32 $0x4000, s31;
	s1 =	sadd.s32 s1, s30  }
0xc2: {  	s0 =	sor.u32 s3, s0;
	s1 =	sshll.u32 s1, $0x11  }
0xc3: {  	s0 =	sor.u32 s1, s0  }
0xc4: {  	s0 =	sadd.s32 $0x8F2B, s0  }
0xc5: {  	[sflag:s0] =	ssyncadd.remote.s32 $0x1  }
0xc6: {  	_ =	sfence.sel $0xFFFF  }
0xc7: {  	[dreg:$0x0] =	wrdreg $0xFFFFFFFF;
	(pc) =	sbr.abs _section_cstart, $3  }
0xc8: {  	[dreg:$0x1] =	wrdreg $0xFFFFFFFF  }
0xc9: {  	_ =	task.clear_ibuf [dreg:s8], $0x2FFFF;
	_ =	strace $0x9FFFFFFF  }
0xca: {  	(tm) =	ssettm $0x7FFFFFFF  }
0xcb: {  	_ =	shalt  }
tec
execute0_lowered:
.L_overlay_start_1:
0x0: {  	(tag) =	ssettag $0x1  }
0x1: {  	s1 =	rddreg [dreg:$0x0]  }
0x2: {  	s4 =	rddreg [dreg:$0x1]  }
0x3: {  	s11 =	rddreg [dreg:$0x2]  }
0x4: {  	s2 =	rddreg [dreg:$0x3]  }
0x5: {  	s3 =	simm.s32 $0x0;
	s0 =	srdreg.scid;
	s10 =	stileid.u32  }
0x6: {  	s28 =	simm.s32 $0x1;
	s29 =	simm.s32 $0x3FA0;
	s30 =	simm.s32 $0x40A0  }
0x7: {  	s31 =	simm.s32 $0x41A0;
	[smem:$0x7FF] =	sst s3;
	s5 =	sadd.s32 $0x19000, s1  }
0x8: {  	s6 =	sadd.s32 $0x5000, s1;
	s7 =	sadd.s32 $0xA000, s1;
	s0 =	sand.u32 $0x1, s0  }
0x9: {  	s9 =	sshll.u32 s10, $0x1;
	s8 =	sadd.s32 $0xF000, s1;
	s13 =	sshrl.u32 s10, $0x1  }
0xa: {  	_ =	strace $0x80000047;
	s12 =	sor.u32 s0, s9;
	s10 =	sshll.u32 s13, $0x7  }
0xb: {  	v0 =	vimm.s32 $0xEDCBA987;
	s14 =	smul.u32 $0x4E20, s13;
	s0 =	ssub.s32 $0x2, s0;
	s13 =	sshll.u32 s13, $0x4  }
0xc: {  	v1 =	vimm.s32 $0x65432100;
	v2 =	vlaneseq.u32;
	v5 =	vimm.s32 $0xDCBA9876;
	s9 =	sand.u32 $0x3, s12;
	s18 =	sshrl.u32 s0, $0x1;
	s19 =	smul.u32 $0x110, s12  }
0xd: {  	v6 =	vimm.s32 $0xBA987654;
	v7 =	vimm.s32 $0x32100000;
	v8 =	vimm.s32 $0xE40000;
	s4 =	sadd.s32 s4, s13;
	s20 =	sshll.u32 s12, $0x4;
	s12 =	simm.s32 $0x200  }
0xe: {  	vm0 =	vmmov $0x3;
	vm1 =	vmmov $0xf;
	v0 =	vunpack.c.l.s4.s8 v0;
	s15 =	sshll.u32 s9, $0x4;
	s16 =	smul.u32 $0x1388, s9;
	s9 =	sadd.s32 $0x14000, s1  }
0xf: {  	vm2 =	vcmask $0x3F30;
	v1 =	vunpack.c.l.s4.s8 v1;
	v5 =	vunpack.c.l.s4.s8 v5;
	[dreg:$0x6] =	wrdreg s4;
	s4 =	sadd.s32 s11, s20;
	s10 =	sor.u32 s10, s15  }
0x10: {  	v6 =	vunpack.c.l.s4.s8 v6;
	v7 =	vunpack.c.l.s4.s8 v7;
	v3 =	vunpack.c.0.s8.s32 v0;
	s11 =	simm.s32 $0x4020;
	s15 =	ssub.s32 s0, s18;
	s17 =	sadd.s32 s10, s1  }
0x11: {  	v8 =	vunpack.c.l.s2.s4 v8;
	v9 =	vmul.u32 $0xFFFFFFFF, v2;
	v4 =	vunpack.c.0.s8.s32 v1;
	s13 =	sadd.s32 s19, s2;
	[dreg:$0x7] =	wrdreg s4;
	s21 =	sadd.s32 $0x1E000, s17  }
0x12: {  	v1 =	vimm.s32 $0x27100;
	v6 =	vunpack.c.0.s8.s32 v6;
	v3 =	vand.u32 $0xF, v3;
	s0 =	simm.s32 $0x42A0;
	s22 =	sadd.s32 $0x1E400, s17;
	[dreg:$0x8] =	wrdreg s21  }
0x13: {  	v8 =	vunpack.c.l.s4.s8 v8;
	s4 =	simm.s32 $0x43A0;
	v3 =	vcombine.low v4, v3;
	v4 =	vimm.s32 $0x54321000;
	s23 =	sadd.s32 $0x1E800, s17;
	[dreg:$0x9] =	wrdreg s22  }
0x14: {  	v5 =	vunpack.c.0.s8.s32 v5;
	v7 =	vunpack.c.0.s8.s32 v7;
	s10 =	sadd.s32 s14, s16;
	s24 =	sadd.s32 $0x1EC00, s17;
	v4 =	vunpack.c.l.s4.s8 v4;
	[dreg:$0xa] =	wrdreg s23  }
0x15: {  	v0 =	vmov s19;
	v6 =	vand.u32 $0xF, v6;
	v8 =	vunpack.c.0.s8.s32 v8;
	s14 =	sshrl.u32 s10, $0x3;
	s25 =	sadd.s32 $0x1F000, s17;
	[dreg:$0xb] =	wrdreg s24  }
0x16: {  	s26 =	sadd.s32 $0x1F400, s17;
	s17 =	simm.s32 $0x3E20;
	[dreg:$0xc] =	wrdreg s25;
	v10 =	vunpack.c.0.s8.s32 v4;
	v4 =	vadd.s32 $0x1388, v9;
	v9 =	vimm.s32 $0x7060504  }
0x17: {  	v5 =	vand.u32 $0xF, v5;
	v6 =	vcombine.low v7, v6;
	s14 =	sadd.s32 s5, s14;
	[dreg:$0xd] =	wrdreg s26;
	s21 =	smax.u32 s15, $0x1;
	v9 =	vunpack.c.0.s8.s32 v9  }
0x18: {  	v7 =	vimm.s32 $0x0;
	v8 =	vand.u32 $0x3, v8;
	s22 =	simm.s32 $0x2;
	s26 =	simm.s32 $0x80;
	s23 =	simm.s32 $0x44A0;
	v5 =	vcombine.low v10, v5  }
0x19: {  	s25 =	simm.s32 $0x45A0;
	[dreg:$0x5] =	wrdreg s14;
	s14 =	simm.s32 $0x0;
	v8 =	vsel vm2, v9, v8;
	vm2 =	vmmov $0xff;
	v9 =	vimm.s32 $0xF  }
.LBB2_1:
0x1a: {  	s15 =	rddreg [dreg:$0x5]  }
0x1b: {  	[tilespmem:s3], [sflag:$0x2] =	stream.linear.gather [hbm4b:s15+s3], $0x1388, $0x38;
	[tilespmem:$0x47A0] =	vst v63  }
0x1c: {  	_ =	swait.ge [sflag:s22], $0x1388  }
0x1d: {  	[sflag:s22] =	ssyncset.done $0x0  }
0x1e: {  	s16 =	simm.s32 $0x46A0;
	s24 =	rddreg [dreg:$0x6];
	[sflag:s22] =	ssyncadd.s32 $0xFFFFEC78  }
0x1f: {  	[tilespmem:s16], [sflag:$0x2] =	stream.linear.gather [hbm4b:s24+s3], $0x80, $0x38;
	[tilespmem:$0x47A0] =	vst v63  }
0x20: {  	_ =	swait.ge [sflag:s22], $0x80  }
0x21: {  	[sflag:s22] =	ssyncset.done $0x0  }
0x22: {  	[sflag:s22] =	ssyncadd.s32 $0xFFFFFF80  }
0x23: {  	[tilespmem:$0x3E20] =	vst v1  }
0x24: {  	[tilespmem:$0x3E30] =	vst v1  }
0x25: {  	[tilespmem:$0x3E40] =	vst v1  }
0x26: {  	[tilespmem:$0x3E50] =	vst v1  }
0x27: {  	[tilespmem:$0x3E60] =	vst v1  }
0x28: {  	[tilespmem:$0x3E70] =	vst v1  }
0x29: {  	[tilespmem:$0x3E80] =	vst v1  }
0x2a: {  	[tilespmem:$0x3E90] =	vst v1  }
0x2b: {  	[tilespmem:$0x3EA0] =	vst v1  }
0x2c: {  	[tilespmem:$0x3EB0] =	vst v1  }
0x2d: {  	[tilespmem:$0x3EC0] =	vst v1  }
0x2e: {  	[tilespmem:$0x3ED0] =	vst v1  }
0x2f: {  	[tilespmem:$0x3EE0] =	vst v1  }
0x30: {  	[tilespmem:$0x3EF0] =	vst v1  }
0x31: {  	[tilespmem:$0x3F00] =	vst v1  }
0x32: {  	[tilespmem:$0x3F10] =	vst v1  }
0x33: {  	[tilespmem:$0x3F20] =	vst v1  }
0x34: {  	[spmem:s13] =	stream.linear.scatter [tilespmem:s17], [sflag:$0x2], $0x110, $0x38;
	[tilespmem:$0x47A0] =	vst v63  }
0x35: {  	_ =	swait.ge [sflag:s22], $0x110  }
0x36: {  	[sflag:s22] =	ssyncset.done $0x0  }
0x37: {  	[sflag:s22] =	ssyncadd.s32 $0xFFFFFEF0  }
0x38: {  	s24 =	simm.s32 $0x0;
	v10 =	vld [tilespmem:$0x46A0]  }
0x39: {  	v11 =	vld [tilespmem:s24+$0x0];
	_ =	sdelay $0x3  }
0x3a: {  	v12 =	vmov s3  }
0x3b: {  	vm4 =	vlt.u32 v12, v4;
	vm3 =	vgt.f32 v11, v10  }
0x3c: {  	vm4 =	vmand vm4, vm3  }
0x3d: {  	v11 =	vsel vm4, $0x1, v7  }
0x3e: {  	v12 =	vperm.xlane v11, v3  }
0x3f: {  	vm3 =	veq.s32 v2, $0x0  }
0x40: {  	v12 =	vsel vm3, $0x0, v12  }
0x41: {  	v11 =	vadd.s32 v11, v12  }
0x42: {  	v12 =	vperm.xlane v11, v5;
	_ =	sdelay $0x1  }
0x43: {  	v12 =	vsel vm0, $0x0, v12  }
0x44: {  	v11 =	vadd.s32 v12, v11  }
0x45: {  	v12 =	vperm.xlane v11, v6;
	_ =	sdelay $0x1  }
0x46: {  	v12 =	vsel vm1, $0x0, v12  }
0x47: {  	v11 =	vadd.s32 v12, v11  }
0x48: {  	v12 =	vperm.xlane v11, v8;
	_ =	sdelay $0x1  }
0x49: {  	v12 =	vsel vm2, $0x0, v12  }
0x4a: {  	v11 =	vadd.s32 v12, v11  }
0x4b: {  	v12 =	vadd.s32 v11, v7  }
0x4c: {  	v12 =	vadd.s32 $0xFFFFFFFF, v12  }
0x4d: {  	vm5 =	vlt.s32 v12, $0x100  }
0x4e: {  	s18 =	sand.u32 $0x7E00, s3;
	v12 =	vnsel vm5, $0x100, v12  }
0x4f: {  	s19 =	sand.u32 $0x70, s3;
	s20 =	sshrl.u32 s18, $0x2;
	v11 =	vperm.xlane v11, v9;
	v12 =	vnsel vm4, $0x100, v12  }
0x50: {  	s15 =	simm.s32 $0x40;
	s17 =	sor.u32 s19, s20;
	s19 =	sadd.s32 $0x0, s10;
	v12 =	vadd.s32 v0, v12  }
0x51: {  	s18 =	simm.s32 $0x10;
	s16 =	simm.s32 $0x80;
	v11 =	vadd.s32 v7, v11;
	[tilespmem:s17+$0x1400] =	vst v12;
	v12 =	vadd.s32 s19, v2;
	s17 =	simm.s32 $0x0  }
.LBB2_2:
0x52: {  	p0 =	sne.s32 s16, $0x4FC0;
	v13 =	vld [tilespmem:s18+$0x0];
	[tilespmem:s24+$0x2800] =	vst v12;
	s24 =	smov.u32 s18;
	_ =	sdelay $0x2  }
0x53: {  	s17 =	sadd.s32 $0x10, s17  }
0x54: {  	v12 =	vmov s17  }
0x55: {  	vm5 =	vlt.u32 v12, v4;
	vm4 =	vgt.f32 v13, v10  }
0x56: {  	vm4 =	vmand vm5, vm4  }
0x57: {  	v12 =	vsel vm4, $0x1, v7  }
0x58: {  	v13 =	vperm.xlane v12, v3;
	_ =	sdelay $0x1  }
0x59: {  	v13 =	vsel vm3, $0x0, v13  }
0x5a: {  	v12 =	vadd.s32 v12, v13  }
0x5b: {  	v13 =	vperm.xlane v12, v5;
	_ =	sdelay $0x1  }
0x5c: {  	v13 =	vsel vm0, $0x0, v13  }
0x5d: {  	v12 =	vadd.s32 v13, v12  }
0x5e: {  	v13 =	vperm.xlane v12, v6;
	_ =	sdelay $0x1  }
0x5f: {  	v13 =	vsel vm1, $0x0, v13  }
0x60: {  	v12 =	vadd.s32 v13, v12  }
0x61: {  	v13 =	vperm.xlane v12, v8;
	_ =	sdelay $0x1  }
0x62: {  	v13 =	vsel vm2, $0x0, v13  }
0x63: {  	v12 =	vadd.s32 v13, v12  }
0x64: {  	v13 =	vadd.s32 v12, v11;
	v12 =	vperm.xlane v12, v9  }
0x65: {  	v13 =	vadd.s32 $0xFFFFFFFF, v13  }
.Ltmp0:
0x66: {  	vm5 =	vlt.s32 v13, $0x100;
	v11 =	vadd.s32 v11, v12;
	(pc) =	sbr.rel @p0 .LBB2_2-.Ltmp0, $4  }
0x67: {  	s18 =	sand.u32 $0x7E00, s15;
	s15 =	smov.u32 s16;
	v12 =	vnsel vm5, $0x100, v13  }
0x68: {  	s19 =	sand.u32 $0x70, s17;
	s18 =	sshrl.u32 s18, $0x2;
	v12 =	vnsel vm4, $0x100, v12  }
0x69: {  	s20 =	sadd.s32 s17, s10;
	s19 =	sor.u32 s19, s18;
	v12 =	vadd.s32 v0, v12  }
0x6a: {  	s16 =	sadd.s32 $0x40, s16;
	s18 =	sshra.s32 s15, $0x2;
	[tilespmem:s19+$0x1400] =	vst v12;
	v12 =	vadd.s32 s20, v2  }
0x6b: {  	v13 =	vld [tilespmem:s18+$0x0];
	_ =	sdelay $0x2  }
0x6c: {  	s16 =	sadd.s32 $0x10, s17  }
0x6d: {  	v14 =	vmov s16  }
0x6e: {  	vm4 =	vlt.u32 v14, v4;
	vm3 =	vgt.f32 v13, v10  }
0x6f: {  	vm3 =	vmand vm4, vm3  }
0x70: {  	v10 =	vsel vm3, $0x1, v7  }
0x71: {  	v54 =	vperm.xlane v10, v3  }
0x72: {  	vm14 =	veq.s32 v2, $0x0  }
0x73: {  	v13 =	vsel vm14, $0x0, v54  }
0x74: {  	v10 =	vadd.s32 v10, v13  }
0x75: {  	v13 =	vperm.xlane v10, v5;
	_ =	sdelay $0x1  }
0x76: {  	v13 =	vsel vm0, $0x0, v13  }
0x77: {  	v10 =	vadd.s32 v13, v10  }
0x78: {  	v13 =	vperm.xlane v10, v6;
	_ =	sdelay $0x1  }
0x79: {  	v13 =	vsel vm1, $0x0, v13  }
0x7a: {  	v10 =	vadd.s32 v13, v10  }
0x7b: {  	v13 =	vperm.xlane v10, v8;
	_ =	sdelay $0x1  }
0x7c: {  	v13 =	vsel vm2, $0x0, v13  }
0x7d: {  	v10 =	vadd.s32 v13, v10  }
0x7e: {  	v13 =	vadd.s32 v10, v11  }
0x7f: {  	v13 =	vadd.s32 $0xFFFFFFFF, v13  }
0x80: {  	vm15 =	vlt.s32 v13, $0x100  }
0x81: {  	s15 =	sand.u32 $0x7E00, s15;
	v10 =	vperm.xlane v10, v9;
	v13 =	vnsel vm15, $0x100, v13  }
0x82: {  	s17 =	sand.u32 $0x70, s16;
	s15 =	sshrl.u32 s15, $0x2;
	v13 =	vnsel vm3, $0x100, v13  }
0x83: {  	[tilespmem:s24+$0x2800] =	vst v12;
	s16 =	sadd.s32 s16, s10;
	s15 =	sor.u32 s17, s15;
	v10 =	vadd.s32 v11, v10;
	v11 =	vadd.s32 v0, v13  }
0x84: {  	vm3 =	vgt.s32 v10, $0x100;
	[tilespmem:s15+$0x1400] =	vst v11;
	v11 =	vadd.s32 s16, v2  }
0x85: {  	v10 =	vsel vm3, $0x1, v7;
	[tilespmem:s18+$0x2800] =	vst v11  }
0x86: {  	s17 =	simm.s32 $0x4720;
	s16 =	rddreg [dreg:$0x7];
	[tilespmem:$0x4720] =	vst v10  }
0x87: {  	[hbm4b:s16+s3] =	stream.linear.scatter [tilespmem:s17], [sflag:$0x2], $0x80, $0x38;
	[tilespmem:$0x47A0] =	vst v63  }
0x88: {  	_ =	swait.ge [sflag:s22], $0x80  }
0x89: {  	[sflag:s22] =	ssyncset.done $0x0  }
0x8a: {  	s19 =	simm.s32 $0x2800;
	s18 =	simm.s32 $0x1400;
	[sflag:s22] =	ssyncadd.s32 $0xFFFFFF80  }
0x8b: {  	[spmem:s2] =	stream.indirect.scatter [tilespmem:s19], [sflag:$0x1], $0x1, s18, s26, $0xb8;
	[tilespmem:$0x47A0] =	vst v63  }
0x8c: {  	s20 =	simm.s32 $0x1480;
	s24 =	simm.s32 $0x2880  }
0x8d: {  	[spmem:s2] =	stream.indirect.scatter [tilespmem:s24], [sflag:$0x1], $0x1, s20, s26, $0xb8;
	[tilespmem:$0x47A0] =	vst v63  }
0x8e: {  	s16 =	simm.s32 $0x1500;
	s17 =	simm.s32 $0x2900  }
0x8f: {  	[spmem:s2] =	stream.indirect.scatter [tilespmem:s17], [sflag:$0x1], $0x1, s16, s26, $0xb8;
	[tilespmem:$0x47A0] =	vst v63  }
0x90: {  	s18 =	simm.s32 $0x1580;
	s19 =	simm.s32 $0x2980  }
0x91: {  	[spmem:s2] =	stream.indirect.scatter [tilespmem:s19], [sflag:$0x1], $0x1, s18, s26, $0xb8;
	[tilespmem:$0x47A0] =	vst v63  }
0x92: {  	s20 =	simm.s32 $0x1600;
	s24 =	simm.s32 $0x2A00  }
0x93: {  	[spmem:s2] =	stream.indirect.scatter [tilespmem:s24], [sflag:$0x1], $0x1, s20, s26, $0xb8;
	[tilespmem:$0x47A0] =	vst v63  }
0x94: {  	s16 =	simm.s32 $0x1680;
	s17 =	simm.s32 $0x2A80  }
0x95: {  	[spmem:s2] =	stream.indirect.scatter [tilespmem:s17], [sflag:$0x1], $0x1, s16, s26, $0xb8;
	[tilespmem:$0x47A0] =	vst v63  }
0x96: {  	s18 =	simm.s32 $0x1700;
	s19 =	simm.s32 $0x2B00  }
0x97: {  	[spmem:s2] =	stream.indirect.scatter [tilespmem:s19], [sflag:$0x1], $0x1, s18, s26, $0xb8;
	[tilespmem:$0x47A0] =	vst v63  }
0x98: {  	s20 =	simm.s32 $0x1780;
	s24 =	simm.s32 $0x2B80  }
0x99: {  	[spmem:s2] =	stream.indirect.scatter [tilespmem:s24], [sflag:$0x1], $0x1, s20, s26, $0xb8;
	[tilespmem:$0x47A0] =	vst v63  }
0x9a: {  	s16 =	simm.s32 $0x1800;
	s17 =	simm.s32 $0x2C00  }
0x9b: {  	[spmem:s2] =	stream.indirect.scatter [tilespmem:s17], [sflag:$0x1], $0x1, s16, s26, $0xb8;
	[tilespmem:$0x47A0] =	vst v63  }
0x9c: {  	s18 =	simm.s32 $0x1880;
	s19 =	simm.s32 $0x2C80  }
0x9d: {  	[spmem:s2] =	stream.indirect.scatter [tilespmem:s19], [sflag:$0x1], $0x1, s18, s26, $0xb8;
	[tilespmem:$0x47A0] =	vst v63  }
0x9e: {  	s20 =	simm.s32 $0x1900;
	s24 =	simm.s32 $0x2D00  }
0x9f: {  	[spmem:s2] =	stream.indirect.scatter [tilespmem:s24], [sflag:$0x1], $0x1, s20, s26, $0xb8;
	[tilespmem:$0x47A0] =	vst v63  }
0xa0: {  	s16 =	simm.s32 $0x1980;
	s17 =	simm.s32 $0x2D80  }
0xa1: {  	[spmem:s2] =	stream.indirect.scatter [tilespmem:s17], [sflag:$0x1], $0x1, s16, s26, $0xb8;
	[tilespmem:$0x47A0] =	vst v63  }
0xa2: {  	s18 =	simm.s32 $0x1A00;
	s19 =	simm.s32 $0x2E00  }
0xa3: {  	[spmem:s2] =	stream.indirect.scatter [tilespmem:s19], [sflag:$0x1], $0x1, s18, s26, $0xb8;
	[tilespmem:$0x47A0] =	vst v63  }
0xa4: {  	s20 =	simm.s32 $0x1A80;
	s24 =	simm.s32 $0x2E80  }
0xa5: {  	[spmem:s2] =	stream.indirect.scatter [tilespmem:s24], [sflag:$0x1], $0x1, s20, s26, $0xb8;
	[tilespmem:$0x47A0] =	vst v63  }
0xa6: {  	s16 =	simm.s32 $0x1B00;
	s17 =	simm.s32 $0x2F00  }
0xa7: {  	[spmem:s2] =	stream.indirect.scatter [tilespmem:s17], [sflag:$0x1], $0x1, s16, s26, $0xb8;
	[tilespmem:$0x47A0] =	vst v63  }
0xa8: {  	s18 =	simm.s32 $0x1B80;
	s19 =	simm.s32 $0x2F80  }
0xa9: {  	[spmem:s2] =	stream.indirect.scatter [tilespmem:s19], [sflag:$0x1], $0x1, s18, s26, $0xb8;
	[tilespmem:$0x47A0] =	vst v63  }
0xaa: {  	s20 =	simm.s32 $0x1C00;
	s24 =	simm.s32 $0x3000  }
0xab: {  	[spmem:s2] =	stream.indirect.scatter [tilespmem:s24], [sflag:$0x1], $0x1, s20, s26, $0xb8;
	[tilespmem:$0x47A0] =	vst v63  }
0xac: {  	s16 =	simm.s32 $0x1C80;
	s17 =	simm.s32 $0x3080  }
0xad: {  	[spmem:s2] =	stream.indirect.scatter [tilespmem:s17], [sflag:$0x1], $0x1, s16, s26, $0xb8;
	[tilespmem:$0x47A0] =	vst v63  }
0xae: {  	s18 =	simm.s32 $0x1D00;
	s19 =	simm.s32 $0x3100  }
0xaf: {  	[spmem:s2] =	stream.indirect.scatter [tilespmem:s19], [sflag:$0x1], $0x1, s18, s26, $0xb8;
	[tilespmem:$0x47A0] =	vst v63  }
0xb0: {  	s20 =	simm.s32 $0x1D80;
	s24 =	simm.s32 $0x3180  }
0xb1: {  	[spmem:s2] =	stream.indirect.scatter [tilespmem:s24], [sflag:$0x1], $0x1, s20, s26, $0xb8;
	[tilespmem:$0x47A0] =	vst v63  }
0xb2: {  	s16 =	simm.s32 $0x1E00;
	s17 =	simm.s32 $0x3200  }
0xb3: {  	[spmem:s2] =	stream.indirect.scatter [tilespmem:s17], [sflag:$0x1], $0x1, s16, s26, $0xb8;
	[tilespmem:$0x47A0] =	vst v63  }
0xb4: {  	s18 =	simm.s32 $0x1E80;
	s19 =	simm.s32 $0x3280  }
0xb5: {  	[spmem:s2] =	stream.indirect.scatter [tilespmem:s19], [sflag:$0x1], $0x1, s18, s26, $0xb8;
	[tilespmem:$0x47A0] =	vst v63  }
0xb6: {  	s20 =	simm.s32 $0x1F00;
	s24 =	simm.s32 $0x3300  }
0xb7: {  	[spmem:s2] =	stream.indirect.scatter [tilespmem:s24], [sflag:$0x1], $0x1, s20, s26, $0xb8;
	[tilespmem:$0x47A0] =	vst v63  }
0xb8: {  	s16 =	simm.s32 $0x1F80;
	s17 =	simm.s32 $0x3380  }
0xb9: {  	[spmem:s2] =	stream.indirect.scatter [tilespmem:s17], [sflag:$0x1], $0x1, s16, s26, $0xb8;
	[tilespmem:$0x47A0] =	vst v63  }
0xba: {  	s18 =	simm.s32 $0x2000;
	s19 =	simm.s32 $0x3400  }
0xbb: {  	[spmem:s2] =	stream.indirect.scatter [tilespmem:s19], [sflag:$0x1], $0x1, s18, s26, $0xb8;
	[tilespmem:$0x47A0] =	vst v63  }
0xbc: {  	s20 =	simm.s32 $0x2080;
	s24 =	simm.s32 $0x3480  }
0xbd: {  	[spmem:s2] =	stream.indirect.scatter [tilespmem:s24], [sflag:$0x1], $0x1, s20, s26, $0xb8;
	[tilespmem:$0x47A0] =	vst v63  }
0xbe: {  	s16 =	simm.s32 $0x2100;
	s17 =	simm.s32 $0x3500  }
0xbf: {  	[spmem:s2] =	stream.indirect.scatter [tilespmem:s17], [sflag:$0x1], $0x1, s16, s26, $0xb8;
	[tilespmem:$0x47A0] =	vst v63  }
0xc0: {  	s18 =	simm.s32 $0x2180;
	s19 =	simm.s32 $0x3580  }
0xc1: {  	[spmem:s2] =	stream.indirect.scatter [tilespmem:s19], [sflag:$0x1], $0x1, s18, s26, $0xb8;
	[tilespmem:$0x47A0] =	vst v63  }
0xc2: {  	s20 =	simm.s32 $0x2200;
	s24 =	simm.s32 $0x3600  }
0xc3: {  	[spmem:s2] =	stream.indirect.scatter [tilespmem:s24], [sflag:$0x1], $0x1, s20, s26, $0xb8;
	[tilespmem:$0x47A0] =	vst v63  }
0xc4: {  	s16 =	simm.s32 $0x2280;
	s17 =	simm.s32 $0x3680  }
0xc5: {  	[spmem:s2] =	stream.indirect.scatter [tilespmem:s17], [sflag:$0x1], $0x1, s16, s26, $0xb8;
	[tilespmem:$0x47A0] =	vst v63  }
0xc6: {  	s18 =	simm.s32 $0x2300;
	s19 =	simm.s32 $0x3700  }
0xc7: {  	[spmem:s2] =	stream.indirect.scatter [tilespmem:s19], [sflag:$0x1], $0x1, s18, s26, $0xb8;
	[tilespmem:$0x47A0] =	vst v63  }
0xc8: {  	s20 =	simm.s32 $0x2380;
	s24 =	simm.s32 $0x3780  }
0xc9: {  	[spmem:s2] =	stream.indirect.scatter [tilespmem:s24], [sflag:$0x1], $0x1, s20, s26, $0xb8;
	[tilespmem:$0x47A0] =	vst v63  }
0xca: {  	s16 =	simm.s32 $0x2400;
	s17 =	simm.s32 $0x3800  }
0xcb: {  	[spmem:s2] =	stream.indirect.scatter [tilespmem:s17], [sflag:$0x1], $0x1, s16, s26, $0xb8;
	[tilespmem:$0x47A0] =	vst v63  }
0xcc: {  	s18 =	simm.s32 $0x2480;
	s19 =	simm.s32 $0x3880  }
0xcd: {  	[spmem:s2] =	stream.indirect.scatter [tilespmem:s19], [sflag:$0x1], $0x1, s18, s26, $0xb8;
	[tilespmem:$0x47A0] =	vst v63  }
0xce: {  	s20 =	simm.s32 $0x2500;
	s24 =	simm.s32 $0x3900  }
0xcf: {  	[spmem:s2] =	stream.indirect.scatter [tilespmem:s24], [sflag:$0x1], $0x1, s20, s26, $0xb8;
	[tilespmem:$0x47A0] =	vst v63  }
0xd0: {  	s16 =	simm.s32 $0x2580;
	s17 =	simm.s32 $0x3980  }
0xd1: {  	[spmem:s2] =	stream.indirect.scatter [tilespmem:s17], [sflag:$0x1], $0x1, s16, s26, $0xb8;
	[tilespmem:$0x47A0] =	vst v63  }
0xd2: {  	s18 =	simm.s32 $0x2600;
	s19 =	simm.s32 $0x3A00  }
0xd3: {  	[spmem:s2] =	stream.indirect.scatter [tilespmem:s19], [sflag:$0x1], $0x1, s18, s26, $0xb8;
	[tilespmem:$0x47A0] =	vst v63  }
0xd4: {  	s20 =	simm.s32 $0x2680;
	s24 =	simm.s32 $0x3A80  }
0xd5: {  	[spmem:s2] =	stream.indirect.scatter [tilespmem:s24], [sflag:$0x1], $0x1, s20, s26, $0xb8;
	[tilespmem:$0x47A0] =	vst v63  }
0xd6: {  	s16 =	simm.s32 $0x2700;
	s17 =	simm.s32 $0x3B00  }
0xd7: {  	[spmem:s2] =	stream.indirect.scatter [tilespmem:s17], [sflag:$0x1], $0x1, s16, s26, $0xb8;
	[tilespmem:$0x47A0] =	vst v63  }
0xd8: {  	s18 =	simm.s32 $0x2780;
	s19 =	simm.s32 $0x3B80  }
0xd9: {  	[spmem:s2] =	stream.indirect.scatter [tilespmem:s19], [sflag:$0x1], $0x1, s18, s26, $0xb8;
	[tilespmem:$0x47A0] =	vst v63  }
0xda: {  	_ =	swait.ge [sflag:s28], $0x80  }
0xdb: {  	[sflag:s28] =	ssyncset.done $0x0  }
0xdc: {  	[sflag:s28] =	ssyncadd.s32 $0xFFFFFF80  }
0xdd: {  	_ =	swait.ge [sflag:s28], $0x80  }
0xde: {  	[sflag:s28] =	ssyncset.done $0x0  }
0xdf: {  	[sflag:s28] =	ssyncadd.s32 $0xFFFFFF80  }
0xe0: {  	_ =	swait.ge [sflag:s28], $0x80  }
0xe1: {  	[sflag:s28] =	ssyncset.done $0x0  }
0xe2: {  	[sflag:s28] =	ssyncadd.s32 $0xFFFFFF80  }
0xe3: {  	_ =	swait.ge [sflag:s28], $0x80  }
0xe4: {  	[sflag:s28] =	ssyncset.done $0x0  }
0xe5: {  	[sflag:s28] =	ssyncadd.s32 $0xFFFFFF80  }
0xe6: {  	_ =	swait.ge [sflag:s28], $0x80  }
0xe7: {  	[sflag:s28] =	ssyncset.done $0x0  }
0xe8: {  	[sflag:s28] =	ssyncadd.s32 $0xFFFFFF80  }
0xe9: {  	_ =	swait.ge [sflag:s28], $0x80  }
0xea: {  	[sflag:s28] =	ssyncset.done $0x0  }
0xeb: {  	[sflag:s28] =	ssyncadd.s32 $0xFFFFFF80  }
0xec: {  	_ =	swait.ge [sflag:s28], $0x80  }
0xed: {  	[sflag:s28] =	ssyncset.done $0x0  }
0xee: {  	[sflag:s28] =	ssyncadd.s32 $0xFFFFFF80  }
0xef: {  	_ =	swait.ge [sflag:s28], $0x80  }
0xf0: {  	[sflag:s28] =	ssyncset.done $0x0  }
0xf1: {  	[sflag:s28] =	ssyncadd.s32 $0xFFFFFF80  }
0xf2: {  	_ =	swait.ge [sflag:s28], $0x80  }
0xf3: {  	[sflag:s28] =	ssyncset.done $0x0  }
0xf4: {  	[sflag:s28] =	ssyncadd.s32 $0xFFFFFF80  }
0xf5: {  	_ =	swait.ge [sflag:s28], $0x80  }
0xf6: {  	[sflag:s28] =	ssyncset.done $0x0  }
0xf7: {  	[sflag:s28] =	ssyncadd.s32 $0xFFFFFF80  }
0xf8: {  	_ =	swait.ge [sflag:s28], $0x80  }
0xf9: {  	[sflag:s28] =	ssyncset.done $0x0  }
0xfa: {  	[sflag:s28] =	ssyncadd.s32 $0xFFFFFF80  }
0xfb: {  	_ =	swait.ge [sflag:s28], $0x80  }
0xfc: {  	[sflag:s28] =	ssyncset.done $0x0  }
0xfd: {  	[sflag:s28] =	ssyncadd.s32 $0xFFFFFF80  }
0xfe: {  	_ =	swait.ge [sflag:s28], $0x80  }
0xff: {  	[sflag:s28] =	ssyncset.done $0x0  }
0x100: {  	[sflag:s28] =	ssyncadd.s32 $0xFFFFFF80  }
0x101: {  	_ =	swait.ge [sflag:s28], $0x80  }
0x102: {  	[sflag:s28] =	ssyncset.done $0x0  }
0x103: {  	[sflag:s28] =	ssyncadd.s32 $0xFFFFFF80  }
0x104: {  	_ =	swait.ge [sflag:s28], $0x80  }
0x105: {  	[sflag:s28] =	ssyncset.done $0x0  }
0x106: {  	[sflag:s28] =	ssyncadd.s32 $0xFFFFFF80  }
0x107: {  	_ =	swait.ge [sflag:s28], $0x80  }
0x108: {  	[sflag:s28] =	ssyncset.done $0x0  }
0x109: {  	[sflag:s28] =	ssyncadd.s32 $0xFFFFFF80  }
0x10a: {  	_ =	swait.ge [sflag:s28], $0x80  }
0x10b: {  	[sflag:s28] =	ssyncset.done $0x0  }
0x10c: {  	[sflag:s28] =	ssyncadd.s32 $0xFFFFFF80  }
0x10d: {  	_ =	swait.ge [sflag:s28], $0x80  }
0x10e: {  	[sflag:s28] =	ssyncset.done $0x0  }
0x10f: {  	[sflag:s28] =	ssyncadd.s32 $0xFFFFFF80  }
0x110: {  	_ =	swait.ge [sflag:s28], $0x80  }
0x111: {  	[sflag:s28] =	ssyncset.done $0x0  }
0x112: {  	[sflag:s28] =	ssyncadd.s32 $0xFFFFFF80  }
0x113: {  	_ =	swait.ge [sflag:s28], $0x80  }
0x114: {  	[sflag:s28] =	ssyncset.done $0x0  }
0x115: {  	[sflag:s28] =	ssyncadd.s32 $0xFFFFFF80  }
0x116: {  	_ =	swait.ge [sflag:s28], $0x80  }
0x117: {  	[sflag:s28] =	ssyncset.done $0x0  }
0x118: {  	[sflag:s28] =	ssyncadd.s32 $0xFFFFFF80  }
0x119: {  	_ =	swait.ge [sflag:s28], $0x80  }
0x11a: {  	[sflag:s28] =	ssyncset.done $0x0  }
0x11b: {  	[sflag:s28] =	ssyncadd.s32 $0xFFFFFF80  }
0x11c: {  	_ =	swait.ge [sflag:s28], $0x80  }
0x11d: {  	[sflag:s28] =	ssyncset.done $0x0  }
0x11e: {  	[sflag:s28] =	ssyncadd.s32 $0xFFFFFF80  }
0x11f: {  	_ =	swait.ge [sflag:s28], $0x80  }
0x120: {  	[sflag:s28] =	ssyncset.done $0x0  }
0x121: {  	[sflag:s28] =	ssyncadd.s32 $0xFFFFFF80  }
0x122: {  	_ =	swait.ge [sflag:s28], $0x80  }
0x123: {  	[sflag:s28] =	ssyncset.done $0x0  }
0x124: {  	[sflag:s28] =	ssyncadd.s32 $0xFFFFFF80  }
0x125: {  	_ =	swait.ge [sflag:s28], $0x80  }
0x126: {  	[sflag:s28] =	ssyncset.done $0x0  }
0x127: {  	[sflag:s28] =	ssyncadd.s32 $0xFFFFFF80  }
0x128: {  	_ =	swait.ge [sflag:s28], $0x80  }
0x129: {  	[sflag:s28] =	ssyncset.done $0x0  }
0x12a: {  	[sflag:s28] =	ssyncadd.s32 $0xFFFFFF80  }
0x12b: {  	_ =	swait.ge [sflag:s28], $0x80  }
0x12c: {  	[sflag:s28] =	ssyncset.done $0x0  }
0x12d: {  	[sflag:s28] =	ssyncadd.s32 $0xFFFFFF80  }
0x12e: {  	_ =	swait.ge [sflag:s28], $0x80  }
0x12f: {  	[sflag:s28] =	ssyncset.done $0x0  }
0x130: {  	[sflag:s28] =	ssyncadd.s32 $0xFFFFFF80  }
0x131: {  	_ =	swait.ge [sflag:s28], $0x80  }
0x132: {  	[sflag:s28] =	ssyncset.done $0x0  }
0x133: {  	[sflag:s28] =	ssyncadd.s32 $0xFFFFFF80  }
0x134: {  	_ =	swait.ge [sflag:s28], $0x80  }
0x135: {  	[sflag:s28] =	ssyncset.done $0x0  }
0x136: {  	[sflag:s28] =	ssyncadd.s32 $0xFFFFFF80  }
0x137: {  	_ =	swait.ge [sflag:s28], $0x80  }
0x138: {  	[sflag:s28] =	ssyncset.done $0x0  }
0x139: {  	[sflag:s28] =	ssyncadd.s32 $0xFFFFFF80  }
0x13a: {  	_ =	swait.ge [sflag:s28], $0x80  }
0x13b: {  	[sflag:s28] =	ssyncset.done $0x0  }
0x13c: {  	[sflag:s28] =	ssyncadd.s32 $0xFFFFFF80  }
0x13d: {  	_ =	swait.ge [sflag:s28], $0x80  }
0x13e: {  	[sflag:s28] =	ssyncset.done $0x0  }
0x13f: {  	[sflag:s28] =	ssyncadd.s32 $0xFFFFFF80  }
0x140: {  	_ =	swait.ge [sflag:s28], $0x80  }
0x141: {  	[sflag:s28] =	ssyncset.done $0x0  }
0x142: {  	[sflag:s28] =	ssyncadd.s32 $0xFFFFFF80  }
0x143: {  	_ =	swait.ge [sflag:s28], $0x80  }
0x144: {  	[sflag:s28] =	ssyncset.done $0x0  }
0x145: {  	[sflag:s28] =	ssyncadd.s32 $0xFFFFFF80  }
0x146: {  	_ =	swait.ge [sflag:s28], $0x80  }
0x147: {  	[sflag:s28] =	ssyncset.done $0x0  }
0x148: {  	[sflag:s28] =	ssyncadd.s32 $0xFFFFFF80  }
0x149: {  	_ =	swait.ge [sflag:s28], $0x80  }
0x14a: {  	[sflag:s28] =	ssyncset.done $0x0  }
0x14b: {  	[sflag:s28] =	ssyncadd.s32 $0xFFFFFF80  }
0x14c: {  	_ =	swait.ge [sflag:s28], $0x80  }
0x14d: {  	[sflag:s28] =	ssyncset.done $0x0  }
0x14e: {  	[sflag:s28] =	ssyncadd.s32 $0xFFFFFF80  }
0x14f: {  	_ =	swait.ge [sflag:s28], $0x80  }
0x150: {  	[sflag:s28] =	ssyncset.done $0x0  }
0x151: {  	s17 =	simm.s32 $0x3E20;
	[sflag:s28] =	ssyncadd.s32 $0xFFFFFF80  }
0x152: {  	[tilespmem:s17], [sflag:$0x2] =	stream.linear.gather [spmem:s13], $0x100, $0x38;
	[tilespmem:$0x47A0] =	vst v63  }
0x153: {  	_ =	swait.ge [sflag:s22], $0x100  }
0x154: {  	[sflag:s22] =	ssyncset.done $0x0  }
0x155: {  	[sflag:s22] =	ssyncadd.s32 $0xFFFFFF00  }
0x156: {  	v10 =	vld [tilespmem:$0x3E20]  }
0x157: {  	v11 =	vld [tilespmem:$0x3E30]  }
0x158: {  	v55 =	vld [tilespmem:$0x3E40]  }
0x159: {  	v56 =	vld [tilespmem:$0x3E50]  }
0x15a: {  	v57 =	vld [tilespmem:$0x3E60]  }
0x15b: {  	[tilespmem:$0x3FA0] =	vst v10;
	v10 =	vld [tilespmem:$0x3E70]  }
0x15c: {  	v58 =	vld [tilespmem:$0x3E90];
	[tilespmem:$0x3FB0] =	vst v11  }
0x15d: {  	v59 =	vld [tilespmem:$0x3EA0];
	[tilespmem:$0x3FC0] =	vst v55  }
0x15e: {  	v60 =	vld [tilespmem:$0x3EB0];
	[tilespmem:$0x3FD0] =	vst v56  }
0x15f: {  	v11 =	vld [tilespmem:$0x3E80];
	[tilespmem:$0x3FE0] =	vst v57  }
0x160: {  	[tilespmem:$0x3FF0] =	vst v10;
	v10 =	vld [tilespmem:$0x3EC0]  }
0x161: {  	v61 =	vld [tilespmem:$0x3EE0];
	[tilespmem:$0x4010] =	vst v58  }
0x162: {  	v62 =	vld [tilespmem:$0x3EF0];
	[tilespmem:$0x4020] =	vst v59  }
0x163: {  	v63 =	vld [tilespmem:$0x3F00];
	[tilespmem:$0x4030] =	vst v60  }
0x164: {  	[tilespmem:$0x4000] =	vst v11;
	v11 =	vld [tilespmem:$0x3ED0]  }
0x165: {  	[tilespmem:$0x4040] =	vst v10;
	v10 =	vld [tilespmem:$0x3F10]  }
0x166: {  	[tilespmem:$0x4060] =	vst v61  }
0x167: {  	[tilespmem:$0x4070] =	vst v62  }
0x168: {  	[tilespmem:$0x4080] =	vst v63  }
0x169: {  	[tilespmem:$0x4050] =	vst v11  }
0x16a: {  	[tilespmem:$0x4090] =	vst v10  }
0x16b: {  	[tilespmem:s30], [sflag:$0x1] =	stream.indirect.gather [hbm4b:s5+s26], $0x1, s29, s26, $0xb8;
	[tilespmem:$0x47A0] =	vst v63  }
0x16c: {  	_ = 	snop  }
0x16d: {  	[tilespmem:s31], [sflag:$0x1] =	stream.indirect.gather [hbm4b:s1+s26], $0x1, s29, s26, $0xb8;
	[tilespmem:$0x47A0] =	vst v63  }
0x16e: {  	_ = 	snop  }
0x16f: {  	[tilespmem:s0], [sflag:$0x1] =	stream.indirect.gather [hbm4b:s6+s26], $0x1, s29, s26, $0xb8;
	[tilespmem:$0x47A0] =	vst v63  }
0x170: {  	_ = 	snop  }
0x171: {  	[tilespmem:s4], [sflag:$0x1] =	stream.indirect.gather [hbm4b:s7+s26], $0x1, s29, s26, $0xb8;
	[tilespmem:$0x47A0] =	vst v63  }
0x172: {  	_ = 	snop  }
0x173: {  	[tilespmem:s23], [sflag:$0x1] =	stream.indirect.gather [hbm4b:s8+s26], $0x1, s29, s26, $0xb8;
	[tilespmem:$0x47A0] =	vst v63  }
0x174: {  	_ = 	snop  }
0x175: {  	[tilespmem:s25], [sflag:$0x1] =	stream.indirect.gather [hbm4b:s9+s26], $0x1, s29, s26, $0xb8;
	[tilespmem:$0x47A0] =	vst v63  }
0x176: {  	s20 =	simm.s32 $0x4120  }
0x177: {  	[tilespmem:s20], [sflag:$0x1] =	stream.indirect.gather [hbm4b:s5+s26], $0x1, s11, s26, $0xb8;
	[tilespmem:$0x47A0] =	vst v63  }
0x178: {  	s24 =	simm.s32 $0x4220  }
0x179: {  	[tilespmem:s24], [sflag:$0x1] =	stream.indirect.gather [hbm4b:s1+s26], $0x1, s11, s26, $0xb8;
	[tilespmem:$0x47A0] =	vst v63  }
0x17a: {  	s16 =	simm.s32 $0x4320  }
0x17b: {  	[tilespmem:s16], [sflag:$0x1] =	stream.indirect.gather [hbm4b:s6+s26], $0x1, s11, s26, $0xb8;
	[tilespmem:$0x47A0] =	vst v63  }
0x17c: {  	s18 =	simm.s32 $0x4420  }
0x17d: {  	[tilespmem:s18], [sflag:$0x1] =	stream.indirect.gather [hbm4b:s7+s26], $0x1, s11, s26, $0xb8;
	[tilespmem:$0x47A0] =	vst v63  }
0x17e: {  	s19 =	simm.s32 $0x4520  }
0x17f: {  	[tilespmem:s19], [sflag:$0x1] =	stream.indirect.gather [hbm4b:s8+s26], $0x1, s11, s26, $0xb8;
	[tilespmem:$0x47A0] =	vst v63  }
0x180: {  	s20 =	simm.s32 $0x4620  }
0x181: {  	[tilespmem:s20], [sflag:$0x1] =	stream.indirect.gather [hbm4b:s9+s26], $0x1, s11, s26, $0xb8;
	[tilespmem:$0x47A0] =	vst v63  }
0x182: {  	_ =	swait.ge [sflag:s28], $0x80  }
0x183: {  	[sflag:s28] =	ssyncset.done $0x0  }
0x184: {  	[sflag:s28] =	ssyncadd.s32 $0xFFFFFF80  }
0x185: {  	_ =	swait.ge [sflag:s28], $0x80  }
0x186: {  	[sflag:s28] =	ssyncset.done $0x0  }
0x187: {  	[sflag:s28] =	ssyncadd.s32 $0xFFFFFF80  }
0x188: {  	_ =	swait.ge [sflag:s28], $0x80  }
0x189: {  	[sflag:s28] =	ssyncset.done $0x0  }
0x18a: {  	[sflag:s28] =	ssyncadd.s32 $0xFFFFFF80  }
0x18b: {  	_ =	swait.ge [sflag:s28], $0x80  }
0x18c: {  	[sflag:s28] =	ssyncset.done $0x0  }
0x18d: {  	[sflag:s28] =	ssyncadd.s32 $0xFFFFFF80  }
0x18e: {  	_ =	swait.ge [sflag:s28], $0x80  }
0x18f: {  	[sflag:s28] =	ssyncset.done $0x0  }
0x190: {  	[sflag:s28] =	ssyncadd.s32 $0xFFFFFF80  }
0x191: {  	_ =	swait.ge [sflag:s28], $0x80  }
0x192: {  	[sflag:s28] =	ssyncset.done $0x0  }
0x193: {  	[sflag:s28] =	ssyncadd.s32 $0xFFFFFF80  }
0x194: {  	_ =	swait.ge [sflag:s28], $0x80  }
0x195: {  	[sflag:s28] =	ssyncset.done $0x0  }
0x196: {  	[sflag:s28] =	ssyncadd.s32 $0xFFFFFF80  }
0x197: {  	_ =	swait.ge [sflag:s28], $0x80  }
0x198: {  	[sflag:s28] =	ssyncset.done $0x0  }
0x199: {  	[sflag:s28] =	ssyncadd.s32 $0xFFFFFF80  }
0x19a: {  	_ =	swait.ge [sflag:s28], $0x80  }
0x19b: {  	[sflag:s28] =	ssyncset.done $0x0  }
0x19c: {  	[sflag:s28] =	ssyncadd.s32 $0xFFFFFF80  }
0x19d: {  	_ =	swait.ge [sflag:s28], $0x80  }
0x19e: {  	[sflag:s28] =	ssyncset.done $0x0  }
0x19f: {  	[sflag:s28] =	ssyncadd.s32 $0xFFFFFF80  }
0x1a0: {  	_ =	swait.ge [sflag:s28], $0x80  }
0x1a1: {  	[sflag:s28] =	ssyncset.done $0x0  }
0x1a2: {  	[sflag:s28] =	ssyncadd.s32 $0xFFFFFF80  }
0x1a3: {  	_ =	swait.ge [sflag:s28], $0x80  }
0x1a4: {  	[sflag:s28] =	ssyncset.done $0x0  }
0x1a5: {  	s24 =	rddreg [dreg:$0x8];
	[sflag:s28] =	ssyncadd.s32 $0xFFFFFF80  }
0x1a6: {  	[hbm4b:s24+s26] =	stream.strided.scatter [tilespmem:s30], [sflag:$0x2], $0x100, s12, s26, $0x38;
	[tilespmem:$0x47A0] =	vst v63  }
0x1a7: {  	_ =	swait.ge [sflag:s22], $0x100  }
0x1a8: {  	[sflag:s22] =	ssyncset.done $0x0  }
0x1a9: {  	s16 =	rddreg [dreg:$0x9];
	[sflag:s22] =	ssyncadd.s32 $0xFFFFFF00  }
0x1aa: {  	[hbm4b:s16+s26] =	stream.strided.scatter [tilespmem:s31], [sflag:$0x2], $0x100, s12, s26, $0x38;
	[tilespmem:$0x47A0] =	vst v63  }
0x1ab: {  	_ =	swait.ge [sflag:s22], $0x100  }
0x1ac: {  	[sflag:s22] =	ssyncset.done $0x0  }
0x1ad: {  	s18 =	rddreg [dreg:$0xa];
	[sflag:s22] =	ssyncadd.s32 $0xFFFFFF00  }
0x1ae: {  	[hbm4b:s18+s26] =	stream.strided.scatter [tilespmem:s0], [sflag:$0x2], $0x100, s12, s26, $0x38;
	[tilespmem:$0x47A0] =	vst v63  }
0x1af: {  	_ =	swait.ge [sflag:s22], $0x100  }
0x1b0: {  	[sflag:s22] =	ssyncset.done $0x0  }
0x1b1: {  	s19 =	rddreg [dreg:$0xb];
	[sflag:s22] =	ssyncadd.s32 $0xFFFFFF00  }
0x1b2: {  	[hbm4b:s19+s26] =	stream.strided.scatter [tilespmem:s4], [sflag:$0x2], $0x100, s12, s26, $0x38;
	[tilespmem:$0x47A0] =	vst v63  }
0x1b3: {  	_ =	swait.ge [sflag:s22], $0x100  }
0x1b4: {  	[sflag:s22] =	ssyncset.done $0x0  }
0x1b5: {  	s20 =	rddreg [dreg:$0xc];
	[sflag:s22] =	ssyncadd.s32 $0xFFFFFF00  }
0x1b6: {  	[hbm4b:s20+s26] =	stream.strided.scatter [tilespmem:s23], [sflag:$0x2], $0x100, s12, s26, $0x38;
	[tilespmem:$0x47A0] =	vst v63  }
0x1b7: {  	s14 =	sadd.s32 $0x1, s14;
	_ =	swait.ge [sflag:s22], $0x100  }
0x1b8: {  	p0 =	sne.s32 s14, s21;
	[sflag:s22] =	ssyncset.done $0x0  }
.Ltmp1:
0x1b9: {  	s24 =	rddreg [dreg:$0xd];
	[sflag:s22] =	ssyncadd.s32 $0xFFFFFF00;
	(pc) =	sbr.rel @p0 .LBB2_1-.Ltmp1, $4  }
0x1ba: {  	[hbm4b:s24+s26] =	stream.strided.scatter [tilespmem:s25], [sflag:$0x2], $0x100, s12, s26, $0x38;
	[tilespmem:$0x47A0] =	vst v63  }
0x1bb: {  	_ =	swait.ge [sflag:s22], $0x100  }
0x1bc: {  	[sflag:s22] =	ssyncset.done $0x0  }
0x1bd: {  	[sflag:s22] =	ssyncadd.s32 $0xFFFFFF00  }
0x1be: {  	_ =	sfence.sel $0x180000  }
0x1bf: {  	[bflag:$0x0] =	sbarrier.arrive $0xFFFF  }
0x1c0: {  	_ =	strace $0x90000047  }
0x1c1: {  	s0 =	stileid.u32;
	[bflag:$0x2] =	sbarrier.arrive $0xFFFF  }
0x1c2: {  	p0 =	sne.s32 s0, $0x0;
	s0 =	rddreg [dreg:$0x4]  }
0x1c3: {  	s0 =	sadd.s32 @!p0 $0x100000, s0  }
0x1c4: {  	[sflag:s0] =	ssyncadd.tile.s32 @!p0 $0x1;
	_ =	shalt  }
.Lfunc_end2:
_tile_overlayer_lowered:
.L_overlay_start_2:
0x1c5: {  	(tag) =	ssettag $0x2  }
0x1c6: {  	s0 =	rddreg [dreg:$0x0];
	s2 =	stileid.u32  }
0x1c7: {  	s1 =	rddreg [dreg:$0x1];
	p0 =	sne.s32 s2, $0x0  }
0x1c8: {  	s3 =	rddreg [dreg:$0x2];
	[bflag:$0x3] =	sbarrier.arrive $0xFFFF;
	s2 =	simm.s32 @!p0 $0x1C02  }
0x1c9: {  	[timem:s3], [sflag:s2] =	dma.local @!p0 [hbm:s0], s1  }
0x1ca: {  	s0 =	simm.s32 @!p0 $0x2  }
0x1cb: {  	_ =	swait.ge @!p0 [sflag:s0], s1  }
0x1cc: {  	s1 =	ssub.s32 @!p0 $0x0, s1;
	[sflag:s0] =	ssyncset.done @!p0 $0x0  }
0x1cd: {  	[sflag:s0] =	ssyncadd.s32 @!p0 s1  }
0x1ce: {  	[bflag:$0x3] =	sbarrier.arrive $0xFFFF  }
0x1cf: {  	_ =	shalt  }

</sc_bundles>
